<compile_context>
chip_gen: v7x
topology: tpu7x:2x2x1
jax: 0.10.2.dev20260603
libtpu: 0.0.44.dev20260713+nightly
codegen_flags: <defaults>
</compile_context>

<pallas_src>
import functools

import jax
import jax.numpy as jnp
from jax import lax
from jax.experimental import pallas as pl
from jax.experimental.pallas import tpu as pltpu
from jax.experimental.pallas import tpu_sc as plsc

NC = 2
NS = 16
NW = NC * NS
C = 128
NBUF = 2
NPHASE = 2
LANES = 16
ROW_BLK = 2000


def _round_up(n, m):
    return ((n + m - 1) // m) * m


def _make_deg_kernel(n_pad, cpt):
    mesh = plsc.VectorSubcoreMesh(core_axis_name="c", subcore_axis_name="s")
    stripe = n_pad // NS

    @functools.partial(
        pl.kernel,
        out_type=[jax.ShapeDtypeStruct((n_pad, LANES), jnp.float32)] * 2,
        mesh=mesh,
        scratch_types=[
            pltpu.VMEM((cpt, C), jnp.int32),
            pltpu.VMEM((C, LANES), jnp.float32),
            pltpu.VMEM((C, LANES), jnp.float32),
            pltpu.VMEM_SHARED((n_pad, LANES), jnp.float32),
            pltpu.SemaphoreType.DMA,
        ],
    )
    def deg_kernel(dst_hbm, ones_hbm, out_a, out_b,
                   dst_v, obuf, zbuf, acc, sem):
        c = lax.axis_index("c")
        s = lax.axis_index("s")
        wid = c * NS + s
        pltpu.sync_copy(dst_hbm.at[pl.ds(wid * cpt, cpt)], dst_v)
        pltpu.sync_copy(ones_hbm.at[0], obuf)
        pltpu.sync_copy(ones_hbm.at[1], zbuf)

        base = s * stripe
        nfull = stripe // C
        rem = stripe - nfull * C
        for k in range(nfull):
            pltpu.sync_copy(zbuf, acc.at[pl.ds(base + k * C, C)])
        if rem:
            pltpu.sync_copy(zbuf.at[pl.ds(0, rem)],
                            acc.at[pl.ds(base + nfull * C, rem)])
        plsc.subcore_barrier()

        main8 = (cpt // 8) * 8

        @pl.loop(0, main8, step=8)
        def _(j):
            for k in range(8):
                pltpu.async_copy(obuf, acc.at[dst_v.at[j + k]], sem, add=True)
            for k in range(8):
                pltpu.make_async_copy(obuf, acc.at[dst_v.at[j + k]], sem).wait()

        if main8 < cpt:
            @pl.loop(main8, cpt, step=2)
            def _(j):
                for k in range(2):
                    pltpu.async_copy(obuf, acc.at[dst_v.at[j + k]], sem,
                                     add=True)
                for k in range(2):
                    pltpu.make_async_copy(obuf, acc.at[dst_v.at[j + k]],
                                          sem).wait()

        plsc.subcore_barrier()

        @pl.when(c == 0)
        def _():
            pltpu.sync_copy(acc.at[pl.ds(base, stripe)],
                            out_a.at[pl.ds(base, stripe)])

        @pl.when(c == 1)
        def _():
            pltpu.sync_copy(acc.at[pl.ds(base, stripe)],
                            out_b.at[pl.ds(base, stripe)])

    return deg_kernel


def _make_hop_kernel(n_pad, cpt, d):
    mesh = plsc.VectorSubcoreMesh(core_axis_name="c", subcore_axis_name="s")
    stripe = n_pad // NS

    hcpt = cpt // NPHASE
    assert hcpt % NBUF == 0 and hcpt % 8 == 0

    @functools.partial(
        pl.kernel,
        out_type=[jax.ShapeDtypeStruct((n_pad, d), jnp.float32)] * 2,
        mesh=mesh,
        scratch_types=(
            [pltpu.VMEM((hcpt, C), jnp.int32)
             for _ in range(2)]
            + [pltpu.VMEM((C, d), jnp.float32)
               for _ in range(NBUF)]
            + [pltpu.VMEM_SHARED((n_pad, d), jnp.float32)]
            + [pltpu.SemaphoreType.DMA
               for _ in range(NBUF)]
        ),
    )
    def hop_kernel(x_hbm, src_hbm, dst_hbm, zrows_hbm, out_a, out_b,
                   src_v, dst_v, g0_ref, g1_ref, acc, sem0, sem1):
        gbufs = [g0_ref, g1_ref]
        sems = [sem0, sem1]
        c = lax.axis_index("c")
        s = lax.axis_index("s")
        wid = c * NS + s

        g0 = gbufs[0]
        pltpu.sync_copy(zrows_hbm, g0)

        base = s * stripe
        nfull = stripe // C
        rem = stripe - nfull * C
        for k in range(nfull):
            pltpu.sync_copy(g0, acc.at[pl.ds(base + k * C, C)])
        if rem:
            pltpu.sync_copy(g0.at[pl.ds(0, rem)],
                            acc.at[pl.ds(base + nfull * C, rem)])
        plsc.subcore_barrier()

        @pl.loop(0, NPHASE)
        def _(h):
            hb = wid * cpt + h * hcpt
            pltpu.sync_copy(src_hbm.at[pl.ds(hb, hcpt)], src_v)
            pltpu.sync_copy(dst_hbm.at[pl.ds(hb, hcpt)], dst_v)
            for k in range(NBUF):
                pltpu.async_copy(x_hbm.at[src_v.at[k]], gbufs[k], sems[k])

            @pl.loop(0, hcpt - NBUF, step=NBUF)
            def _(j):
                for k in range(NBUF):
                    pltpu.make_async_copy(x_hbm.at[src_v.at[j + k]],
                                          gbufs[k], sems[k]).wait()
                    pltpu.sync_copy(gbufs[k], acc.at[dst_v.at[j + k]],
                                    add=True)
                    pltpu.async_copy(x_hbm.at[src_v.at[j + NBUF + k]],
                                     gbufs[k], sems[k])

            for k in range(NBUF):
                jj = hcpt - NBUF + k
                pltpu.make_async_copy(x_hbm.at[src_v.at[jj]],
                                      gbufs[k], sems[k]).wait()
                pltpu.sync_copy(gbufs[k], acc.at[dst_v.at[jj]], add=True)

        plsc.subcore_barrier()

        @pl.when(c == 0)
        def _():
            pltpu.sync_copy(acc.at[pl.ds(base, stripe)],
                            out_a.at[pl.ds(base, stripe)])

        @pl.when(c == 1)
        def _():
            pltpu.sync_copy(acc.at[pl.ds(base, stripe)],
                            out_b.at[pl.ds(base, stripe)])

    return hop_kernel


def _deg_col(da, db):
    return da[:, 0:1] + db[:, 0:1] + 1.0


def _scale_in(deg_a, deg_b, x):
    n, d = x.shape

    def body(da, db, xr, o):
        o[...] = xr[...] * lax.rsqrt(_deg_col(da, db))

    return pl.pallas_call(
        body,
        grid=(n // ROW_BLK,),
        in_specs=[pl.BlockSpec((ROW_BLK, LANES), lambda i: (i, 0)),
                  pl.BlockSpec((ROW_BLK, LANES), lambda i: (i, 0)),
                  pl.BlockSpec((ROW_BLK, d), lambda i: (i, 0))],
        out_specs=pl.BlockSpec((ROW_BLK, d), lambda i: (i, 0)),
        out_shape=jax.ShapeDtypeStruct((n, d), jnp.float32),
    )(deg_a, deg_b, x)


def _scale_mid(deg_a, deg_b, ya, yb, x1):
    n, d = x1.shape

    def body(da, db, yar, ybr, xr, o):
        o[...] = (yar[...] + ybr[...] + xr[...]) / _deg_col(da, db)

    return pl.pallas_call(
        body,
        grid=(n // ROW_BLK,),
        in_specs=[pl.BlockSpec((ROW_BLK, LANES), lambda i: (i, 0)),
                  pl.BlockSpec((ROW_BLK, LANES), lambda i: (i, 0)),
                  pl.BlockSpec((ROW_BLK, d), lambda i: (i, 0)),
                  pl.BlockSpec((ROW_BLK, d), lambda i: (i, 0)),
                  pl.BlockSpec((ROW_BLK, d), lambda i: (i, 0))],
        out_specs=pl.BlockSpec((ROW_BLK, d), lambda i: (i, 0)),
        out_shape=jax.ShapeDtypeStruct((n, d), jnp.float32),
    )(deg_a, deg_b, ya, yb, x1)


def _scale_out(deg_a, deg_b, ya, yb, x2, w, b8):
    n, d = x2.shape
    d_out = w.shape[1]

    def body(da, db, yar, ybr, xr, wr, br, o):
        h = (yar[...] + ybr[...] + xr[...]) * lax.rsqrt(_deg_col(da, db))
        o[...] = jnp.dot(h, wr[...],
                         preferred_element_type=jnp.float32) + br[0:1, :]

    return pl.pallas_call(
        body,
        grid=(n // ROW_BLK,),
        in_specs=[pl.BlockSpec((ROW_BLK, LANES), lambda i: (i, 0)),
                  pl.BlockSpec((ROW_BLK, LANES), lambda i: (i, 0)),
                  pl.BlockSpec((ROW_BLK, d), lambda i: (i, 0)),
                  pl.BlockSpec((ROW_BLK, d), lambda i: (i, 0)),
                  pl.BlockSpec((ROW_BLK, d), lambda i: (i, 0)),
                  pl.BlockSpec((d, d_out), lambda i: (0, 0)),
                  pl.BlockSpec((8, d_out), lambda i: (0, 0))],
        out_specs=pl.BlockSpec((ROW_BLK, d_out), lambda i: (i, 0)),
        out_shape=jax.ShapeDtypeStruct((n, d_out), jnp.float32),
    )(deg_a, deg_b, ya, yb, x2, w, b8)


@jax.jit
def kernel(x, edge_index, W, b):
    n, d = x.shape
    e = edge_index.shape[1]
    src = edge_index[0].astype(jnp.int32)
    dst = edge_index[1].astype(jnp.int32)

    n_pad = _round_up(n + 1, NS * 8)
    cpt = _round_up(_round_up(e, NW * C) // (NW * C), 8)
    e_pad = cpt * NW * C
    pad = e_pad - e
    pad_ar = jnp.arange(pad, dtype=jnp.int32)
    srcp = jnp.concatenate([src, pad_ar % n]).reshape(-1, C)
    dstp = jnp.concatenate([dst, n + pad_ar % (n_pad - n)]).reshape(-1, C)

    ones2 = jnp.stack([jnp.ones((C, LANES), jnp.float32),
                       jnp.zeros((C, LANES), jnp.float32)])
    zrows = jnp.zeros((C, d), jnp.float32)

    deg_a, deg_b = _make_deg_kernel(n_pad, cpt)(dstp, ones2)
    x1 = _scale_in(deg_a, deg_b, x)
    hop = _make_hop_kernel(n_pad, cpt, d)
    y1a, y1b = hop(x1, srcp, dstp, zrows)
    x2 = _scale_mid(deg_a, deg_b, y1a, y1b, x1)
    y2a, y2b = hop(x2, srcp, dstp, zrows)
    b8 = jnp.broadcast_to(b[None, :], (8, W.shape[1]))
    return _scale_out(deg_a, deg_b, y2a, y2b, x2, W, b8)

# --- scband reference (transcript-rebuilt; emitter-appended) ---
"""Pipeline reference for scband-sgconv-41137196761672 (READ-ONLY COPY).

The authoritative reference and input builder live on the scoring server;
editing this copy changes nothing except your own understanding.
"""

import jax, jax.numpy as jnp
import numpy as np

N_NODES = 10000
N_EDGES = 320000
D_IN = 128
D_OUT = 128
K_HOPS = 2


def setup_inputs(seed: int = 0) -> dict:
    key = jax.random.key(seed)
    k1, k2, k3, k4 = jax.random.split(key, 4)
    x = jax.random.normal(k1, (N_NODES, D_IN), dtype=jnp.float32)
    edge_index = jax.random.randint(k2, (2, N_EDGES), 0, N_NODES, dtype=jnp.int64)
    # glorot-initialized linear weight [in, out] and bias [out]
    limit = float(np.sqrt(6.0 / (D_IN + D_OUT)))
    W = jax.random.uniform(k3, (D_IN, D_OUT), minval=-limit, maxval=limit, dtype=jnp.float32)
    b = jnp.zeros((D_OUT,), dtype=jnp.float32)
    return {"x": x, "edge_index": edge_index, "W": W, "b": b}


def reference(x, edge_index, W, b):
    N = x.shape[0]
    src = edge_index[0]
    dst = edge_index[1]
    # add self-loops
    loop = jnp.arange(N, dtype=src.dtype)
    src = jnp.concatenate([src, loop], axis=0)
    dst = jnp.concatenate([dst, loop], axis=0)
    edge_weight = jnp.ones(src.shape[0], dtype=x.dtype)
    # symmetric GCN normalization: D^-1/2 A D^-1/2
    deg = jnp.zeros((N,), dtype=x.dtype).at[dst].add(edge_weight)
    deg_inv_sqrt = jnp.where(deg > 0, jax.lax.rsqrt(jnp.where(deg > 0, deg, 1.0)), 0.0)
    norm_w = deg_inv_sqrt[src] * edge_weight * deg_inv_sqrt[dst]
    # K propagation steps: x <- spmm(A_norm, x)
    h = x
    for _ in range(K_HOPS):
        msgs = h[src] * norm_w[:, None]
        h = jnp.zeros_like(h).at[dst].add(msgs)
    # final linear layer
    out = h @ W + b
    return out

if __name__ == "__main__":
    import jax
    _d = setup_inputs()
    print(jax.jit(kernel)(*tuple(_d.values())))

</pallas_src>

<mosaic_0001>
#map = affine_map<(d0, d1) -> (0, 0)>
#map1 = affine_map<(d0, d1) -> (0, 0, 0)>
module attributes {stable_mosaic.version = 14 : i64} {
  func.func @deg_kernel(%arg0: i32, %arg1: i32, %arg2: memref<2560x128xi32, #tpu.memory_space<hbm>>, %arg3: memref<2x128x16xf32, #tpu.memory_space<hbm>>, %arg4: memref<10112x16xf32, #tpu.memory_space<hbm>>, %arg5: memref<10112x16xf32, #tpu.memory_space<hbm>>, %arg6: memref<80x128xi32, #tpu.memory_space<vmem>>, %arg7: memref<128x16xf32, #tpu.memory_space<vmem>>, %arg8: memref<128x16xf32, #tpu.memory_space<vmem>>, %arg9: memref<10112x16xf32, #tpu.memory_space<vmem_shared>>, %arg10: memref<!tpu.dma_semaphore, #tpu.memory_space<semaphore_mem>>) attributes {dimension_semantics = [#tpu.dimension_semantics<core_parallel>, #tpu.dimension_semantics<subcore_parallel>], iteration_bounds = array<i64: 2, 16>, scalar_prefetch = 0 : i64, scratch_operands = 5 : i64, tpu.core_type = #tpu.core_type<sc_vector_subcore>, window_params = [{transform_indices = #map}, {transform_indices = #map1}, {transform_indices = #map}, {transform_indices = #map}]} {
    %mul3A = arith.constant 16 : i32
    %mul3A_0 = arith.muli %arg0, %mul3A : i32
    %add3A = arith.addi %mul3A_0, %arg1 : i32
    %mul3A_1 = arith.constant 80 : i32
    %mul3A_2 = arith.muli %add3A, %mul3A_1 : i32
    "tpu.region"() ({
      %run_scoped3A_28 = tpu.sem_alloc : memref<!tpu.dma_semaphore, #tpu.memory_space<semaphore_mem>>
      %dma_start3A = arith.constant 0 : i32
      %dma_start3A_29 = tpu.memref_slice %arg2[%mul3A_2, %dma_start3A] : memref<2560x128xi32, #tpu.memory_space<hbm>> -> memref<80x128xi32, #tpu.memory_space<hbm>>
      %dma_start3A_30 = arith.constant 0 : i32
      %dma_start3A_31 = tpu.memref_slice %arg2[%mul3A_2, %dma_start3A_30] : memref<2560x128xi32, #tpu.memory_space<hbm>> -> memref<80x128xi32, #tpu.memory_space<hbm>>
      tpu.enqueue_dma source(%dma_start3A_31 : memref<80x128xi32, #tpu.memory_space<hbm>>) target(%arg6 : memref<80x128xi32, #tpu.memory_space<vmem>>) target_semaphore(%run_scoped3A_28 : memref<!tpu.dma_semaphore, #tpu.memory_space<semaphore_mem>>)
      %dma_wait3A = arith.constant 0 : i32
      %dma_wait3A_32 = tpu.memref_slice %arg2[%mul3A_2, %dma_wait3A] : memref<2560x128xi32, #tpu.memory_space<hbm>> -> memref<80x128xi32, #tpu.memory_space<hbm>>
      %dma_wait3A_33 = arith.constant 0 : i32
      %dma_wait3A_34 = tpu.memref_slice %arg2[%mul3A_2, %dma_wait3A_33] : memref<2560x128xi32, #tpu.memory_space<hbm>> -> memref<80x128xi32, #tpu.memory_space<hbm>>
      tpu.wait_dma2 semaphore(%run_scoped3A_28 : memref<!tpu.dma_semaphore, #tpu.memory_space<semaphore_mem>>) src(%dma_wait3A_34 : memref<80x128xi32, #tpu.memory_space<hbm>>) dst(%arg6 : memref<80x128xi32, #tpu.memory_space<vmem>>)
      tpu.yield
    }) : () -> ()
    %run_scoped3A = arith.constant 0 : i32
    "tpu.region"() ({
      %run_scoped3A_28 = tpu.sem_alloc : memref<!tpu.dma_semaphore, #tpu.memory_space<semaphore_mem>>
      %dma_start3A = arith.constant 0 : i32
      %dma_start3A_29 = arith.constant 0 : i32
      %dma_start3A_30 = tpu.memref_slice %arg3[%run_scoped3A, %dma_start3A, %dma_start3A_29] : memref<2x128x16xf32, #tpu.memory_space<hbm>> -> memref<1x128x16xf32, #tpu.memory_space<hbm>>
      %dma_start3A_31 = tpu.memref_squeeze %dma_start3A_30 : memref<1x128x16xf32, #tpu.memory_space<hbm>> -> memref<128x16xf32, #tpu.memory_space<hbm>>
      %dma_start3A_32 = arith.constant 0 : i32
      %dma_start3A_33 = arith.constant 0 : i32
      %dma_start3A_34 = tpu.memref_slice %arg3[%run_scoped3A, %dma_start3A_32, %dma_start3A_33] : memref<2x128x16xf32, #tpu.memory_space<hbm>> -> memref<1x128x16xf32, #tpu.memory_space<hbm>>
      %dma_start3A_35 = tpu.memref_squeeze %dma_start3A_34 : memref<1x128x16xf32, #tpu.memory_space<hbm>> -> memref<128x16xf32, #tpu.memory_space<hbm>>
      tpu.enqueue_dma source(%dma_start3A_35 : memref<128x16xf32, #tpu.memory_space<hbm>>) target(%arg7 : memref<128x16xf32, #tpu.memory_space<vmem>>) target_semaphore(%run_scoped3A_28 : memref<!tpu.dma_semaphore, #tpu.memory_space<semaphore_mem>>)
      %dma_wait3A = arith.constant 0 : i32
      %dma_wait3A_36 = arith.constant 0 : i32
      %dma_wait3A_37 = tpu.memref_slice %arg3[%run_scoped3A, %dma_wait3A, %dma_wait3A_36] : memref<2x128x16xf32, #tpu.memory_space<hbm>> -> memref<1x128x16xf32, #tpu.memory_space<hbm>>
      %dma_wait3A_38 = tpu.memref_squeeze %dma_wait3A_37 : memref<1x128x16xf32, #tpu.memory_space<hbm>> -> memref<128x16xf32, #tpu.memory_space<hbm>>
      %dma_wait3A_39 = arith.constant 0 : i32
      %dma_wait3A_40 = arith.constant 0 : i32
      %dma_wait3A_41 = tpu.memref_slice %arg3[%run_scoped3A, %dma_wait3A_39, %dma_wait3A_40] : memref<2x128x16xf32, #tpu.memory_space<hbm>> -> memref<1x128x16xf32, #tpu.memory_space<hbm>>
      %dma_wait3A_42 = tpu.memref_squeeze %dma_wait3A_41 : memref<1x128x16xf32, #tpu.memory_space<hbm>> -> memref<128x16xf32, #tpu.memory_space<hbm>>
      tpu.wait_dma2 semaphore(%run_scoped3A_28 : memref<!tpu.dma_semaphore, #tpu.memory_space<semaphore_mem>>) src(%dma_wait3A_42 : memref<128x16xf32, #tpu.memory_space<hbm>>) dst(%arg7 : memref<128x16xf32, #tpu.memory_space<vmem>>)
      tpu.yield
    }) : () -> ()
    %run_scoped3A_3 = arith.constant 1 : i32
    "tpu.region"() ({
      %run_scoped3A_28 = tpu.sem_alloc : memref<!tpu.dma_semaphore, #tpu.memory_space<semaphore_mem>>
      %dma_start3A = arith.constant 0 : i32
      %dma_start3A_29 = arith.constant 0 : i32
      %dma_start3A_30 = tpu.memref_slice %arg3[%run_scoped3A_3, %dma_start3A, %dma_start3A_29] : memref<2x128x16xf32, #tpu.memory_space<hbm>> -> memref<1x128x16xf32, #tpu.memory_space<hbm>>
      %dma_start3A_31 = tpu.memref_squeeze %dma_start3A_30 : memref<1x128x16xf32, #tpu.memory_space<hbm>> -> memref<128x16xf32, #tpu.memory_space<hbm>>
      %dma_start3A_32 = arith.constant 0 : i32
      %dma_start3A_33 = arith.constant 0 : i32
      %dma_start3A_34 = tpu.memref_slice %arg3[%run_scoped3A_3, %dma_start3A_32, %dma_start3A_33] : memref<2x128x16xf32, #tpu.memory_space<hbm>> -> memref<1x128x16xf32, #tpu.memory_space<hbm>>
      %dma_start3A_35 = tpu.memref_squeeze %dma_start3A_34 : memref<1x128x16xf32, #tpu.memory_space<hbm>> -> memref<128x16xf32, #tpu.memory_space<hbm>>
      tpu.enqueue_dma source(%dma_start3A_35 : memref<128x16xf32, #tpu.memory_space<hbm>>) target(%arg8 : memref<128x16xf32, #tpu.memory_space<vmem>>) target_semaphore(%run_scoped3A_28 : memref<!tpu.dma_semaphore, #tpu.memory_space<semaphore_mem>>)
      %dma_wait3A = arith.constant 0 : i32
      %dma_wait3A_36 = arith.constant 0 : i32
      %dma_wait3A_37 = tpu.memref_slice %arg3[%run_scoped3A_3, %dma_wait3A, %dma_wait3A_36] : memref<2x128x16xf32, #tpu.memory_space<hbm>> -> memref<1x128x16xf32, #tpu.memory_space<hbm>>
      %dma_wait3A_38 = tpu.memref_squeeze %dma_wait3A_37 : memref<1x128x16xf32, #tpu.memory_space<hbm>> -> memref<128x16xf32, #tpu.memory_space<hbm>>
      %dma_wait3A_39 = arith.constant 0 : i32
      %dma_wait3A_40 = arith.constant 0 : i32
      %dma_wait3A_41 = tpu.memref_slice %arg3[%run_scoped3A_3, %dma_wait3A_39, %dma_wait3A_40] : memref<2x128x16xf32, #tpu.memory_space<hbm>> -> memref<1x128x16xf32, #tpu.memory_space<hbm>>
      %dma_wait3A_42 = tpu.memref_squeeze %dma_wait3A_41 : memref<1x128x16xf32, #tpu.memory_space<hbm>> -> memref<128x16xf32, #tpu.memory_space<hbm>>
      tpu.wait_dma2 semaphore(%run_scoped3A_28 : memref<!tpu.dma_semaphore, #tpu.memory_space<semaphore_mem>>) src(%dma_wait3A_42 : memref<128x16xf32, #tpu.memory_space<hbm>>) dst(%arg8 : memref<128x16xf32, #tpu.memory_space<vmem>>)
      tpu.yield
    }) : () -> ()
    %mul3A_4 = arith.constant 632 : i32
    %mul3A_5 = arith.muli %arg1, %mul3A_4 : i32
    %add3A_6 = arith.constant 0 : i32
    %add3A_7 = arith.addi %mul3A_5, %add3A_6 : i32
    "tpu.region"() ({
      %run_scoped3A_28 = tpu.sem_alloc : memref<!tpu.dma_semaphore, #tpu.memory_space<semaphore_mem>>
      %dma_start3A = arith.constant 0 : i32
      %dma_start3A_29 = tpu.memref_slice %arg9[%add3A_7, %dma_start3A] : memref<10112x16xf32, #tpu.memory_space<vmem_shared>> -> memref<128x16xf32, #tpu.memory_space<vmem_shared>>
      %dma_start3A_30 = arith.constant 0 : i32
      %dma_start3A_31 = tpu.memref_slice %arg9[%add3A_7, %dma_start3A_30] : memref<10112x16xf32, #tpu.memory_space<vmem_shared>> -> memref<128x16xf32, #tpu.memory_space<vmem_shared>>
      tpu.enqueue_dma source(%arg8 : memref<128x16xf32, #tpu.memory_space<vmem>>) target(%dma_start3A_31 : memref<128x16xf32, #tpu.memory_space<vmem_shared>>) target_semaphore(%run_scoped3A_28 : memref<!tpu.dma_semaphore, #tpu.memory_space<semaphore_mem>>)
      %dma_wait3A = arith.constant 0 : i32
      %dma_wait3A_32 = tpu.memref_slice %arg9[%add3A_7, %dma_wait3A] : memref<10112x16xf32, #tpu.memory_space<vmem_shared>> -> memref<128x16xf32, #tpu.memory_space<vmem_shared>>
      %dma_wait3A_33 = arith.constant 0 : i32
      %dma_wait3A_34 = tpu.memref_slice %arg9[%add3A_7, %dma_wait3A_33] : memref<10112x16xf32, #tpu.memory_space<vmem_shared>> -> memref<128x16xf32, #tpu.memory_space<vmem_shared>>
      tpu.wait_dma2 semaphore(%run_scoped3A_28 : memref<!tpu.dma_semaphore, #tpu.memory_space<semaphore_mem>>) src(%arg8 : memref<128x16xf32, #tpu.memory_space<vmem>>) dst(%dma_wait3A_34 : memref<128x16xf32, #tpu.memory_space<vmem_shared>>)
      tpu.yield
    }) : () -> ()
    %add3A_8 = arith.constant 128 : i32
    %add3A_9 = arith.addi %mul3A_5, %add3A_8 : i32
    "tpu.region"() ({
      %run_scoped3A_28 = tpu.sem_alloc : memref<!tpu.dma_semaphore, #tpu.memory_space<semaphore_mem>>
      %dma_start3A = arith.constant 0 : i32
      %dma_start3A_29 = tpu.memref_slice %arg9[%add3A_9, %dma_start3A] : memref<10112x16xf32, #tpu.memory_space<vmem_shared>> -> memref<128x16xf32, #tpu.memory_space<vmem_shared>>
      %dma_start3A_30 = arith.constant 0 : i32
      %dma_start3A_31 = tpu.memref_slice %arg9[%add3A_9, %dma_start3A_30] : memref<10112x16xf32, #tpu.memory_space<vmem_shared>> -> memref<128x16xf32, #tpu.memory_space<vmem_shared>>
      tpu.enqueue_dma source(%arg8 : memref<128x16xf32, #tpu.memory_space<vmem>>) target(%dma_start3A_31 : memref<128x16xf32, #tpu.memory_space<vmem_shared>>) target_semaphore(%run_scoped3A_28 : memref<!tpu.dma_semaphore, #tpu.memory_space<semaphore_mem>>)
      %dma_wait3A = arith.constant 0 : i32
      %dma_wait3A_32 = tpu.memref_slice %arg9[%add3A_9, %dma_wait3A] : memref<10112x16xf32, #tpu.memory_space<vmem_shared>> -> memref<128x16xf32, #tpu.memory_space<vmem_shared>>
      %dma_wait3A_33 = arith.constant 0 : i32
      %dma_wait3A_34 = tpu.memref_slice %arg9[%add3A_9, %dma_wait3A_33] : memref<10112x16xf32, #tpu.memory_space<vmem_shared>> -> memref<128x16xf32, #tpu.memory_space<vmem_shared>>
      tpu.wait_dma2 semaphore(%run_scoped3A_28 : memref<!tpu.dma_semaphore, #tpu.memory_space<semaphore_mem>>) src(%arg8 : memref<128x16xf32, #tpu.memory_space<vmem>>) dst(%dma_wait3A_34 : memref<128x16xf32, #tpu.memory_space<vmem_shared>>)
      tpu.yield
    }) : () -> ()
    %add3A_10 = arith.constant 256 : i32
    %add3A_11 = arith.addi %mul3A_5, %add3A_10 : i32
    "tpu.region"() ({
      %run_scoped3A_28 = tpu.sem_alloc : memref<!tpu.dma_semaphore, #tpu.memory_space<semaphore_mem>>
      %dma_start3A = arith.constant 0 : i32
      %dma_start3A_29 = tpu.memref_slice %arg9[%add3A_11, %dma_start3A] : memref<10112x16xf32, #tpu.memory_space<vmem_shared>> -> memref<128x16xf32, #tpu.memory_space<vmem_shared>>
      %dma_start3A_30 = arith.constant 0 : i32
      %dma_start3A_31 = tpu.memref_slice %arg9[%add3A_11, %dma_start3A_30] : memref<10112x16xf32, #tpu.memory_space<vmem_shared>> -> memref<128x16xf32, #tpu.memory_space<vmem_shared>>
      tpu.enqueue_dma source(%arg8 : memref<128x16xf32, #tpu.memory_space<vmem>>) target(%dma_start3A_31 : memref<128x16xf32, #tpu.memory_space<vmem_shared>>) target_semaphore(%run_scoped3A_28 : memref<!tpu.dma_semaphore, #tpu.memory_space<semaphore_mem>>)
      %dma_wait3A = arith.constant 0 : i32
      %dma_wait3A_32 = tpu.memref_slice %arg9[%add3A_11, %dma_wait3A] : memref<10112x16xf32, #tpu.memory_space<vmem_shared>> -> memref<128x16xf32, #tpu.memory_space<vmem_shared>>
      %dma_wait3A_33 = arith.constant 0 : i32
      %dma_wait3A_34 = tpu.memref_slice %arg9[%add3A_11, %dma_wait3A_33] : memref<10112x16xf32, #tpu.memory_space<vmem_shared>> -> memref<128x16xf32, #tpu.memory_space<vmem_shared>>
      tpu.wait_dma2 semaphore(%run_scoped3A_28 : memref<!tpu.dma_semaphore, #tpu.memory_space<semaphore_mem>>) src(%arg8 : memref<128x16xf32, #tpu.memory_space<vmem>>) dst(%dma_wait3A_34 : memref<128x16xf32, #tpu.memory_space<vmem_shared>>)
      tpu.yield
    }) : () -> ()
    %add3A_12 = arith.constant 384 : i32
    %add3A_13 = arith.addi %mul3A_5, %add3A_12 : i32
    "tpu.region"() ({
      %run_scoped3A_28 = tpu.sem_alloc : memref<!tpu.dma_semaphore, #tpu.memory_space<semaphore_mem>>
      %dma_start3A = arith.constant 0 : i32
      %dma_start3A_29 = tpu.memref_slice %arg9[%add3A_13, %dma_start3A] : memref<10112x16xf32, #tpu.memory_space<vmem_shared>> -> memref<128x16xf32, #tpu.memory_space<vmem_shared>>
      %dma_start3A_30 = arith.constant 0 : i32
      %dma_start3A_31 = tpu.memref_slice %arg9[%add3A_13, %dma_start3A_30] : memref<10112x16xf32, #tpu.memory_space<vmem_shared>> -> memref<128x16xf32, #tpu.memory_space<vmem_shared>>
      tpu.enqueue_dma source(%arg8 : memref<128x16xf32, #tpu.memory_space<vmem>>) target(%dma_start3A_31 : memref<128x16xf32, #tpu.memory_space<vmem_shared>>) target_semaphore(%run_scoped3A_28 : memref<!tpu.dma_semaphore, #tpu.memory_space<semaphore_mem>>)
      %dma_wait3A = arith.constant 0 : i32
      %dma_wait3A_32 = tpu.memref_slice %arg9[%add3A_13, %dma_wait3A] : memref<10112x16xf32, #tpu.memory_space<vmem_shared>> -> memref<128x16xf32, #tpu.memory_space<vmem_shared>>
      %dma_wait3A_33 = arith.constant 0 : i32
      %dma_wait3A_34 = tpu.memref_slice %arg9[%add3A_13, %dma_wait3A_33] : memref<10112x16xf32, #tpu.memory_space<vmem_shared>> -> memref<128x16xf32, #tpu.memory_space<vmem_shared>>
      tpu.wait_dma2 semaphore(%run_scoped3A_28 : memref<!tpu.dma_semaphore, #tpu.memory_space<semaphore_mem>>) src(%arg8 : memref<128x16xf32, #tpu.memory_space<vmem>>) dst(%dma_wait3A_34 : memref<128x16xf32, #tpu.memory_space<vmem_shared>>)
      tpu.yield
    }) : () -> ()
    %add3A_14 = arith.constant 512 : i32
    %add3A_15 = arith.addi %mul3A_5, %add3A_14 : i32
    "tpu.region"() ({
      %run_scoped3A_28 = tpu.sem_alloc : memref<!tpu.dma_semaphore, #tpu.memory_space<semaphore_mem>>
      %dma_start3A = arith.constant 0 : i32
      %dma_start3A_29 = arith.constant 0 : i32
      %dma_start3A_30 = tpu.memref_slice %arg8[%dma_start3A, %dma_start3A_29] : memref<128x16xf32, #tpu.memory_space<vmem>> -> memref<120x16xf32, #tpu.memory_space<vmem>>
      %dma_start3A_31 = arith.constant 0 : i32
      %dma_start3A_32 = tpu.memref_slice %arg9[%add3A_15, %dma_start3A_31] : memref<10112x16xf32, #tpu.memory_space<vmem_shared>> -> memref<120x16xf32, #tpu.memory_space<vmem_shared>>
      %dma_start3A_33 = arith.constant 0 : i32
      %dma_start3A_34 = tpu.memref_slice %arg9[%add3A_15, %dma_start3A_33] : memref<10112x16xf32, #tpu.memory_space<vmem_shared>> -> memref<120x16xf32, #tpu.memory_space<vmem_shared>>
      %dma_start3A_35 = arith.constant 0 : i32
      %dma_start3A_36 = arith.constant 0 : i32
      %dma_start3A_37 = tpu.memref_slice %arg8[%dma_start3A_35, %dma_start3A_36] : memref<128x16xf32, #tpu.memory_space<vmem>> -> memref<120x16xf32, #tpu.memory_space<vmem>>
      tpu.enqueue_dma source(%dma_start3A_37 : memref<120x16xf32, #tpu.memory_space<vmem>>) target(%dma_start3A_34 : memref<120x16xf32, #tpu.memory_space<vmem_shared>>) target_semaphore(%run_scoped3A_28 : memref<!tpu.dma_semaphore, #tpu.memory_space<semaphore_mem>>)
      %dma_wait3A = arith.constant 0 : i32
      %dma_wait3A_38 = arith.constant 0 : i32
      %dma_wait3A_39 = tpu.memref_slice %arg8[%dma_wait3A, %dma_wait3A_38] : memref<128x16xf32, #tpu.memory_space<vmem>> -> memref<120x16xf32, #tpu.memory_space<vmem>>
      %dma_wait3A_40 = arith.constant 0 : i32
      %dma_wait3A_41 = tpu.memref_slice %arg9[%add3A_15, %dma_wait3A_40] : memref<10112x16xf32, #tpu.memory_space<vmem_shared>> -> memref<120x16xf32, #tpu.memory_space<vmem_shared>>
      %dma_wait3A_42 = arith.constant 0 : i32
      %dma_wait3A_43 = tpu.memref_slice %arg9[%add3A_15, %dma_wait3A_42] : memref<10112x16xf32, #tpu.memory_space<vmem_shared>> -> memref<120x16xf32, #tpu.memory_space<vmem_shared>>
      %dma_wait3A_44 = arith.constant 0 : i32
      %dma_wait3A_45 = arith.constant 0 : i32
      %dma_wait3A_46 = tpu.memref_slice %arg8[%dma_wait3A_44, %dma_wait3A_45] : memref<128x16xf32, #tpu.memory_space<vmem>> -> memref<120x16xf32, #tpu.memory_space<vmem>>
      tpu.wait_dma2 semaphore(%run_scoped3A_28 : memref<!tpu.dma_semaphore, #tpu.memory_space<semaphore_mem>>) src(%dma_wait3A_46 : memref<120x16xf32, #tpu.memory_space<vmem>>) dst(%dma_wait3A_43 : memref<120x16xf32, #tpu.memory_space<vmem_shared>>)
      tpu.yield
    }) : () -> ()
    %barrier3A = arith.constant 0 : index
    tpu.barrier barrier_id(%barrier3A)
    %scan3A = arith.constant 0 : i32
    %scan3A_16 = arith.constant 10 : i32
    %scan3A_17 = arith.addi %scan3A, %scan3A_16 : i32
    %scan3A_18 = arith.constant 1 : i32
    scf.for %scan3A_28 = %scan3A to %scan3A_17 step %scan3A_18  : i32 {
      %mul3A_29 = arith.constant 8 : i32
      %mul3A_30 = arith.muli %scan3A_28, %mul3A_29 : i32
      %add3A_31 = arith.constant 0 : i32
      %add3A_32 = arith.addi %add3A_31, %mul3A_30 : i32
      %add3A_33 = arith.constant 0 : i32
      %add3A_34 = arith.addi %add3A_32, %add3A_33 : i32
      %dma_start3A = arith.constant 0 : i32
      %dma_start3A_35 = tpu.memref_slice %arg6[%add3A_34, %dma_start3A] : memref<80x128xi32, #tpu.memory_space<vmem>> -> memref<1x128xi32, #tpu.memory_space<vmem>>
      %dma_start3A_36 = tpu.memref_squeeze %dma_start3A_35 : memref<1x128xi32, #tpu.memory_space<vmem>> -> memref<128xi32, #tpu.memory_space<vmem>>
      %dma_start3A_37 = arith.constant 0 : i32
      %dma_start3A_38 = arith.constant 0 : i32
      %dma_start3A_39 = tpu.memref_slice %arg9[%dma_start3A_37, %dma_start3A_38] : memref<10112x16xf32, #tpu.memory_space<vmem_shared>> -> memref<10112x16xf32, #tpu.memory_space<vmem_shared>>
      tpu.enqueue_indirect_dma source(%arg7 : memref<128x16xf32, #tpu.memory_space<vmem>>) target(%dma_start3A_39 : memref<10112x16xf32, #tpu.memory_space<vmem_shared>>) offsets(%dma_start3A_36 : memref<128xi32, #tpu.memory_space<vmem>>) semaphore(%arg10 : memref<!tpu.dma_semaphore, #tpu.memory_space<semaphore_mem>>) {add = true}
      %add3A_40 = arith.constant 1 : i32
      %add3A_41 = arith.addi %add3A_32, %add3A_40 : i32
      %dma_start3A_42 = arith.constant 0 : i32
      %dma_start3A_43 = tpu.memref_slice %arg6[%add3A_41, %dma_start3A_42] : memref<80x128xi32, #tpu.memory_space<vmem>> -> memref<1x128xi32, #tpu.memory_space<vmem>>
      %dma_start3A_44 = tpu.memref_squeeze %dma_start3A_43 : memref<1x128xi32, #tpu.memory_space<vmem>> -> memref<128xi32, #tpu.memory_space<vmem>>
      %dma_start3A_45 = arith.constant 0 : i32
      %dma_start3A_46 = arith.constant 0 : i32
      %dma_start3A_47 = tpu.memref_slice %arg9[%dma_start3A_45, %dma_start3A_46] : memref<10112x16xf32, #tpu.memory_space<vmem_shared>> -> memref<10112x16xf32, #tpu.memory_space<vmem_shared>>
      tpu.enqueue_indirect_dma source(%arg7 : memref<128x16xf32, #tpu.memory_space<vmem>>) target(%dma_start3A_47 : memref<10112x16xf32, #tpu.memory_space<vmem_shared>>) offsets(%dma_start3A_44 : memref<128xi32, #tpu.memory_space<vmem>>) semaphore(%arg10 : memref<!tpu.dma_semaphore, #tpu.memory_space<semaphore_mem>>) {add = true}
      %add3A_48 = arith.constant 2 : i32
      %add3A_49 = arith.addi %add3A_32, %add3A_48 : i32
      %dma_start3A_50 = arith.constant 0 : i32
      %dma_start3A_51 = tpu.memref_slice %arg6[%add3A_49, %dma_start3A_50] : memref<80x128xi32, #tpu.memory_space<vmem>> -> memref<1x128xi32, #tpu.memory_space<vmem>>
      %dma_start3A_52 = tpu.memref_squeeze %dma_start3A_51 : memref<1x128xi32, #tpu.memory_space<vmem>> -> memref<128xi32, #tpu.memory_space<vmem>>
      %dma_start3A_53 = arith.constant 0 : i32
      %dma_start3A_54 = arith.constant 0 : i32
      %dma_start3A_55 = tpu.memref_slice %arg9[%dma_start3A_53, %dma_start3A_54] : memref<10112x16xf32, #tpu.memory_space<vmem_shared>> -> memref<10112x16xf32, #tpu.memory_space<vmem_shared>>
      tpu.enqueue_indirect_dma source(%arg7 : memref<128x16xf32, #tpu.memory_space<vmem>>) target(%dma_start3A_55 : memref<10112x16xf32, #tpu.memory_space<vmem_shared>>) offsets(%dma_start3A_52 : memref<128xi32, #tpu.memory_space<vmem>>) semaphore(%arg10 : memref<!tpu.dma_semaphore, #tpu.memory_space<semaphore_mem>>) {add = true}
      %add3A_56 = arith.constant 3 : i32
      %add3A_57 = arith.addi %add3A_32, %add3A_56 : i32
      %dma_start3A_58 = arith.constant 0 : i32
      %dma_start3A_59 = tpu.memref_slice %arg6[%add3A_57, %dma_start3A_58] : memref<80x128xi32, #tpu.memory_space<vmem>> -> memref<1x128xi32, #tpu.memory_space<vmem>>
      %dma_start3A_60 = tpu.memref_squeeze %dma_start3A_59 : memref<1x128xi32, #tpu.memory_space<vmem>> -> memref<128xi32, #tpu.memory_space<vmem>>
      %dma_start3A_61 = arith.constant 0 : i32
      %dma_start3A_62 = arith.constant 0 : i32
      %dma_start3A_63 = tpu.memref_slice %arg9[%dma_start3A_61, %dma_start3A_62] : memref<10112x16xf32, #tpu.memory_space<vmem_shared>> -> memref<10112x16xf32, #tpu.memory_space<vmem_shared>>
      tpu.enqueue_indirect_dma source(%arg7 : memref<128x16xf32, #tpu.memory_space<vmem>>) target(%dma_start3A_63 : memref<10112x16xf32, #tpu.memory_space<vmem_shared>>) offsets(%dma_start3A_60 : memref<128xi32, #tpu.memory_space<vmem>>) semaphore(%arg10 : memref<!tpu.dma_semaphore, #tpu.memory_space<semaphore_mem>>) {add = true}
      %add3A_64 = arith.constant 4 : i32
      %add3A_65 = arith.addi %add3A_32, %add3A_64 : i32
      %dma_start3A_66 = arith.constant 0 : i32
      %dma_start3A_67 = tpu.memref_slice %arg6[%add3A_65, %dma_start3A_66] : memref<80x128xi32, #tpu.memory_space<vmem>> -> memref<1x128xi32, #tpu.memory_space<vmem>>
      %dma_start3A_68 = tpu.memref_squeeze %dma_start3A_67 : memref<1x128xi32, #tpu.memory_space<vmem>> -> memref<128xi32, #tpu.memory_space<vmem>>
      %dma_start3A_69 = arith.constant 0 : i32
      %dma_start3A_70 = arith.constant 0 : i32
      %dma_start3A_71 = tpu.memref_slice %arg9[%dma_start3A_69, %dma_start3A_70] : memref<10112x16xf32, #tpu.memory_space<vmem_shared>> -> memref<10112x16xf32, #tpu.memory_space<vmem_shared>>
      tpu.enqueue_indirect_dma source(%arg7 : memref<128x16xf32, #tpu.memory_space<vmem>>) target(%dma_start3A_71 : memref<10112x16xf32, #tpu.memory_space<vmem_shared>>) offsets(%dma_start3A_68 : memref<128xi32, #tpu.memory_space<vmem>>) semaphore(%arg10 : memref<!tpu.dma_semaphore, #tpu.memory_space<semaphore_mem>>) {add = true}
      %add3A_72 = arith.constant 5 : i32
      %add3A_73 = arith.addi %add3A_32, %add3A_72 : i32
      %dma_start3A_74 = arith.constant 0 : i32
      %dma_start3A_75 = tpu.memref_slice %arg6[%add3A_73, %dma_start3A_74] : memref<80x128xi32, #tpu.memory_space<vmem>> -> memref<1x128xi32, #tpu.memory_space<vmem>>
      %dma_start3A_76 = tpu.memref_squeeze %dma_start3A_75 : memref<1x128xi32, #tpu.memory_space<vmem>> -> memref<128xi32, #tpu.memory_space<vmem>>
      %dma_start3A_77 = arith.constant 0 : i32
      %dma_start3A_78 = arith.constant 0 : i32
      %dma_start3A_79 = tpu.memref_slice %arg9[%dma_start3A_77, %dma_start3A_78] : memref<10112x16xf32, #tpu.memory_space<vmem_shared>> -> memref<10112x16xf32, #tpu.memory_space<vmem_shared>>
      tpu.enqueue_indirect_dma source(%arg7 : memref<128x16xf32, #tpu.memory_space<vmem>>) target(%dma_start3A_79 : memref<10112x16xf32, #tpu.memory_space<vmem_shared>>) offsets(%dma_start3A_76 : memref<128xi32, #tpu.memory_space<vmem>>) semaphore(%arg10 : memref<!tpu.dma_semaphore, #tpu.memory_space<semaphore_mem>>) {add = true}
      %add3A_80 = arith.constant 6 : i32
      %add3A_81 = arith.addi %add3A_32, %add3A_80 : i32
      %dma_start3A_82 = arith.constant 0 : i32
      %dma_start3A_83 = tpu.memref_slice %arg6[%add3A_81, %dma_start3A_82] : memref<80x128xi32, #tpu.memory_space<vmem>> -> memref<1x128xi32, #tpu.memory_space<vmem>>
      %dma_start3A_84 = tpu.memref_squeeze %dma_start3A_83 : memref<1x128xi32, #tpu.memory_space<vmem>> -> memref<128xi32, #tpu.memory_space<vmem>>
      %dma_start3A_85 = arith.constant 0 : i32
      %dma_start3A_86 = arith.constant 0 : i32
      %dma_start3A_87 = tpu.memref_slice %arg9[%dma_start3A_85, %dma_start3A_86] : memref<10112x16xf32, #tpu.memory_space<vmem_shared>> -> memref<10112x16xf32, #tpu.memory_space<vmem_shared>>
      tpu.enqueue_indirect_dma source(%arg7 : memref<128x16xf32, #tpu.memory_space<vmem>>) target(%dma_start3A_87 : memref<10112x16xf32, #tpu.memory_space<vmem_shared>>) offsets(%dma_start3A_84 : memref<128xi32, #tpu.memory_space<vmem>>) semaphore(%arg10 : memref<!tpu.dma_semaphore, #tpu.memory_space<semaphore_mem>>) {add = true}
      %add3A_88 = arith.constant 7 : i32
      %add3A_89 = arith.addi %add3A_32, %add3A_88 : i32
      %dma_start3A_90 = arith.constant 0 : i32
      %dma_start3A_91 = tpu.memref_slice %arg6[%add3A_89, %dma_start3A_90] : memref<80x128xi32, #tpu.memory_space<vmem>> -> memref<1x128xi32, #tpu.memory_space<vmem>>
      %dma_start3A_92 = tpu.memref_squeeze %dma_start3A_91 : memref<1x128xi32, #tpu.memory_space<vmem>> -> memref<128xi32, #tpu.memory_space<vmem>>
      %dma_start3A_93 = arith.constant 0 : i32
      %dma_start3A_94 = arith.constant 0 : i32
      %dma_start3A_95 = tpu.memref_slice %arg9[%dma_start3A_93, %dma_start3A_94] : memref<10112x16xf32, #tpu.memory_space<vmem_shared>> -> memref<10112x16xf32, #tpu.memory_space<vmem_shared>>
      tpu.enqueue_indirect_dma source(%arg7 : memref<128x16xf32, #tpu.memory_space<vmem>>) target(%dma_start3A_95 : memref<10112x16xf32, #tpu.memory_space<vmem_shared>>) offsets(%dma_start3A_92 : memref<128xi32, #tpu.memory_space<vmem>>) semaphore(%arg10 : memref<!tpu.dma_semaphore, #tpu.memory_space<semaphore_mem>>) {add = true}
      %add3A_96 = arith.constant 0 : i32
      %add3A_97 = arith.addi %add3A_32, %add3A_96 : i32
      %dma_wait3A = arith.constant 0 : i32
      %dma_wait3A_98 = tpu.memref_slice %arg6[%add3A_97, %dma_wait3A] : memref<80x128xi32, #tpu.memory_space<vmem>> -> memref<1x128xi32, #tpu.memory_space<vmem>>
      %dma_wait3A_99 = tpu.memref_squeeze %dma_wait3A_98 : memref<1x128xi32, #tpu.memory_space<vmem>> -> memref<128xi32, #tpu.memory_space<vmem>>
      %dma_wait3A_100 = arith.constant 0 : i32
      %dma_wait3A_101 = arith.constant 0 : i32
      %dma_wait3A_102 = tpu.memref_slice %arg9[%dma_wait3A_100, %dma_wait3A_101] : memref<10112x16xf32, #tpu.memory_space<vmem_shared>> -> memref<10112x16xf32, #tpu.memory_space<vmem_shared>>
      tpu.wait_indirect_dma semaphore(%arg10 : memref<!tpu.dma_semaphore, #tpu.memory_space<semaphore_mem>>) src(%arg7 : memref<128x16xf32, #tpu.memory_space<vmem>>) dst(%dma_wait3A_102 : memref<10112x16xf32, #tpu.memory_space<vmem_shared>>)
      %add3A_103 = arith.constant 1 : i32
      %add3A_104 = arith.addi %add3A_32, %add3A_103 : i32
      %dma_wait3A_105 = arith.constant 0 : i32
      %dma_wait3A_106 = tpu.memref_slice %arg6[%add3A_104, %dma_wait3A_105] : memref<80x128xi32, #tpu.memory_space<vmem>> -> memref<1x128xi32, #tpu.memory_space<vmem>>
      %dma_wait3A_107 = tpu.memref_squeeze %dma_wait3A_106 : memref<1x128xi32, #tpu.memory_space<vmem>> -> memref<128xi32, #tpu.memory_space<vmem>>
      %dma_wait3A_108 = arith.constant 0 : i32
      %dma_wait3A_109 = arith.constant 0 : i32
      %dma_wait3A_110 = tpu.memref_slice %arg9[%dma_wait3A_108, %dma_wait3A_109] : memref<10112x16xf32, #tpu.memory_space<vmem_shared>> -> memref<10112x16xf32, #tpu.memory_space<vmem_shared>>
      tpu.wait_indirect_dma semaphore(%arg10 : memref<!tpu.dma_semaphore, #tpu.memory_space<semaphore_mem>>) src(%arg7 : memref<128x16xf32, #tpu.memory_space<vmem>>) dst(%dma_wait3A_110 : memref<10112x16xf32, #tpu.memory_space<vmem_shared>>)
      %add3A_111 = arith.constant 2 : i32
      %add3A_112 = arith.addi %add3A_32, %add3A_111 : i32
      %dma_wait3A_113 = arith.constant 0 : i32
      %dma_wait3A_114 = tpu.memref_slice %arg6[%add3A_112, %dma_wait3A_113] : memref<80x128xi32, #tpu.memory_space<vmem>> -> memref<1x128xi32, #tpu.memory_space<vmem>>
      %dma_wait3A_115 = tpu.memref_squeeze %dma_wait3A_114 : memref<1x128xi32, #tpu.memory_space<vmem>> -> memref<128xi32, #tpu.memory_space<vmem>>
      %dma_wait3A_116 = arith.constant 0 : i32
      %dma_wait3A_117 = arith.constant 0 : i32
      %dma_wait3A_118 = tpu.memref_slice %arg9[%dma_wait3A_116, %dma_wait3A_117] : memref<10112x16xf32, #tpu.memory_space<vmem_shared>> -> memref<10112x16xf32, #tpu.memory_space<vmem_shared>>
      tpu.wait_indirect_dma semaphore(%arg10 : memref<!tpu.dma_semaphore, #tpu.memory_space<semaphore_mem>>) src(%arg7 : memref<128x16xf32, #tpu.memory_space<vmem>>) dst(%dma_wait3A_118 : memref<10112x16xf32, #tpu.memory_space<vmem_shared>>)
      %add3A_119 = arith.constant 3 : i32
      %add3A_120 = arith.addi %add3A_32, %add3A_119 : i32
      %dma_wait3A_121 = arith.constant 0 : i32
      %dma_wait3A_122 = tpu.memref_slice %arg6[%add3A_120, %dma_wait3A_121] : memref<80x128xi32, #tpu.memory_space<vmem>> -> memref<1x128xi32, #tpu.memory_space<vmem>>
      %dma_wait3A_123 = tpu.memref_squeeze %dma_wait3A_122 : memref<1x128xi32, #tpu.memory_space<vmem>> -> memref<128xi32, #tpu.memory_space<vmem>>
      %dma_wait3A_124 = arith.constant 0 : i32
      %dma_wait3A_125 = arith.constant 0 : i32
      %dma_wait3A_126 = tpu.memref_slice %arg9[%dma_wait3A_124, %dma_wait3A_125] : memref<10112x16xf32, #tpu.memory_space<vmem_shared>> -> memref<10112x16xf32, #tpu.memory_space<vmem_shared>>
      tpu.wait_indirect_dma semaphore(%arg10 : memref<!tpu.dma_semaphore, #tpu.memory_space<semaphore_mem>>) src(%arg7 : memref<128x16xf32, #tpu.memory_space<vmem>>) dst(%dma_wait3A_126 : memref<10112x16xf32, #tpu.memory_space<vmem_shared>>)
      %add3A_127 = arith.constant 4 : i32
      %add3A_128 = arith.addi %add3A_32, %add3A_127 : i32
      %dma_wait3A_129 = arith.constant 0 : i32
      %dma_wait3A_130 = tpu.memref_slice %arg6[%add3A_128, %dma_wait3A_129] : memref<80x128xi32, #tpu.memory_space<vmem>> -> memref<1x128xi32, #tpu.memory_space<vmem>>
      %dma_wait3A_131 = tpu.memref_squeeze %dma_wait3A_130 : memref<1x128xi32, #tpu.memory_space<vmem>> -> memref<128xi32, #tpu.memory_space<vmem>>
      %dma_wait3A_132 = arith.constant 0 : i32
      %dma_wait3A_133 = arith.constant 0 : i32
      %dma_wait3A_134 = tpu.memref_slice %arg9[%dma_wait3A_132, %dma_wait3A_133] : memref<10112x16xf32, #tpu.memory_space<vmem_shared>> -> memref<10112x16xf32, #tpu.memory_space<vmem_shared>>
      tpu.wait_indirect_dma semaphore(%arg10 : memref<!tpu.dma_semaphore, #tpu.memory_space<semaphore_mem>>) src(%arg7 : memref<128x16xf32, #tpu.memory_space<vmem>>) dst(%dma_wait3A_134 : memref<10112x16xf32, #tpu.memory_space<vmem_shared>>)
      %add3A_135 = arith.constant 5 : i32
      %add3A_136 = arith.addi %add3A_32, %add3A_135 : i32
      %dma_wait3A_137 = arith.constant 0 : i32
      %dma_wait3A_138 = tpu.memref_slice %arg6[%add3A_136, %dma_wait3A_137] : memref<80x128xi32, #tpu.memory_space<vmem>> -> memref<1x128xi32, #tpu.memory_space<vmem>>
      %dma_wait3A_139 = tpu.memref_squeeze %dma_wait3A_138 : memref<1x128xi32, #tpu.memory_space<vmem>> -> memref<128xi32, #tpu.memory_space<vmem>>
      %dma_wait3A_140 = arith.constant 0 : i32
      %dma_wait3A_141 = arith.constant 0 : i32
      %dma_wait3A_142 = tpu.memref_slice %arg9[%dma_wait3A_140, %dma_wait3A_141] : memref<10112x16xf32, #tpu.memory_space<vmem_shared>> -> memref<10112x16xf32, #tpu.memory_space<vmem_shared>>
      tpu.wait_indirect_dma semaphore(%arg10 : memref<!tpu.dma_semaphore, #tpu.memory_space<semaphore_mem>>) src(%arg7 : memref<128x16xf32, #tpu.memory_space<vmem>>) dst(%dma_wait3A_142 : memref<10112x16xf32, #tpu.memory_space<vmem_shared>>)
      %add3A_143 = arith.constant 6 : i32
      %add3A_144 = arith.addi %add3A_32, %add3A_143 : i32
      %dma_wait3A_145 = arith.constant 0 : i32
      %dma_wait3A_146 = tpu.memref_slice %arg6[%add3A_144, %dma_wait3A_145] : memref<80x128xi32, #tpu.memory_space<vmem>> -> memref<1x128xi32, #tpu.memory_space<vmem>>
      %dma_wait3A_147 = tpu.memref_squeeze %dma_wait3A_146 : memref<1x128xi32, #tpu.memory_space<vmem>> -> memref<128xi32, #tpu.memory_space<vmem>>
      %dma_wait3A_148 = arith.constant 0 : i32
      %dma_wait3A_149 = arith.constant 0 : i32
      %dma_wait3A_150 = tpu.memref_slice %arg9[%dma_wait3A_148, %dma_wait3A_149] : memref<10112x16xf32, #tpu.memory_space<vmem_shared>> -> memref<10112x16xf32, #tpu.memory_space<vmem_shared>>
      tpu.wait_indirect_dma semaphore(%arg10 : memref<!tpu.dma_semaphore, #tpu.memory_space<semaphore_mem>>) src(%arg7 : memref<128x16xf32, #tpu.memory_space<vmem>>) dst(%dma_wait3A_150 : memref<10112x16xf32, #tpu.memory_space<vmem_shared>>)
      %add3A_151 = arith.constant 7 : i32
      %add3A_152 = arith.addi %add3A_32, %add3A_151 : i32
      %dma_wait3A_153 = arith.constant 0 : i32
      %dma_wait3A_154 = tpu.memref_slice %arg6[%add3A_152, %dma_wait3A_153] : memref<80x128xi32, #tpu.memory_space<vmem>> -> memref<1x128xi32, #tpu.memory_space<vmem>>
      %dma_wait3A_155 = tpu.memref_squeeze %dma_wait3A_154 : memref<1x128xi32, #tpu.memory_space<vmem>> -> memref<128xi32, #tpu.memory_space<vmem>>
      %dma_wait3A_156 = arith.constant 0 : i32
      %dma_wait3A_157 = arith.constant 0 : i32
      %dma_wait3A_158 = tpu.memref_slice %arg9[%dma_wait3A_156, %dma_wait3A_157] : memref<10112x16xf32, #tpu.memory_space<vmem_shared>> -> memref<10112x16xf32, #tpu.memory_space<vmem_shared>>
      tpu.wait_indirect_dma semaphore(%arg10 : memref<!tpu.dma_semaphore, #tpu.memory_space<semaphore_mem>>) src(%arg7 : memref<128x16xf32, #tpu.memory_space<vmem>>) dst(%dma_wait3A_158 : memref<10112x16xf32, #tpu.memory_space<vmem_shared>>)
    }
    %scan3A_19 = arith.constant 10 : i32
    %barrier3A_20 = arith.constant 0 : index
    tpu.barrier barrier_id(%barrier3A_20)
    %eq3A = arith.constant 0 : i32
    %eq3A_21 = arith.cmpi eq, %arg0, %eq3A : i32
    %convert_element_type3A = arith.extui %eq3A_21 : i1 to i32
    %cond3A = arith.constant 0 : i32
    %cond3A_22 = arith.cmpi ne, %convert_element_type3A, %cond3A : i32
    scf.if %cond3A_22 {
      "tpu.region"() ({
        %run_scoped3A_28 = tpu.sem_alloc : memref<!tpu.dma_semaphore, #tpu.memory_space<semaphore_mem>>
        %dma_start3A = arith.constant 0 : i32
        %dma_start3A_29 = tpu.memref_slice %arg4[%mul3A_5, %dma_start3A] : memref<10112x16xf32, #tpu.memory_space<hbm>> -> memref<632x16xf32, #tpu.memory_space<hbm>>
        %dma_start3A_30 = arith.constant 0 : i32
        %dma_start3A_31 = tpu.memref_slice %arg9[%mul3A_5, %dma_start3A_30] : memref<10112x16xf32, #tpu.memory_space<vmem_shared>> -> memref<632x16xf32, #tpu.memory_space<vmem_shared>>
        tpu.enqueue_dma source(%dma_start3A_31 : memref<632x16xf32, #tpu.memory_space<vmem_shared>>) target(%dma_start3A_29 : memref<632x16xf32, #tpu.memory_space<hbm>>) target_semaphore(%run_scoped3A_28 : memref<!tpu.dma_semaphore, #tpu.memory_space<semaphore_mem>>)
        %dma_wait3A = arith.constant 0 : i32
        %dma_wait3A_32 = tpu.memref_slice %arg4[%mul3A_5, %dma_wait3A] : memref<10112x16xf32, #tpu.memory_space<hbm>> -> memref<632x16xf32, #tpu.memory_space<hbm>>
        %dma_wait3A_33 = arith.constant 0 : i32
        %dma_wait3A_34 = tpu.memref_slice %arg9[%mul3A_5, %dma_wait3A_33] : memref<10112x16xf32, #tpu.memory_space<vmem_shared>> -> memref<632x16xf32, #tpu.memory_space<vmem_shared>>
        tpu.wait_dma2 semaphore(%run_scoped3A_28 : memref<!tpu.dma_semaphore, #tpu.memory_space<semaphore_mem>>) src(%dma_wait3A_34 : memref<632x16xf32, #tpu.memory_space<vmem_shared>>) dst(%dma_wait3A_32 : memref<632x16xf32, #tpu.memory_space<hbm>>)
        tpu.yield
      }) : () -> ()
    } else {
    }
    %eq3A_23 = arith.constant 1 : i32
    %eq3A_24 = arith.cmpi eq, %arg0, %eq3A_23 : i32
    %convert_element_type3A_25 = arith.extui %eq3A_24 : i1 to i32
    %cond3A_26 = arith.constant 0 : i32
    %cond3A_27 = arith.cmpi ne, %convert_element_type3A_25, %cond3A_26 : i32
    scf.if %cond3A_27 {
      "tpu.region"() ({
        %run_scoped3A_28 = tpu.sem_alloc : memref<!tpu.dma_semaphore, #tpu.memory_space<semaphore_mem>>
        %dma_start3A = arith.constant 0 : i32
        %dma_start3A_29 = tpu.memref_slice %arg5[%mul3A_5, %dma_start3A] : memref<10112x16xf32, #tpu.memory_space<hbm>> -> memref<632x16xf32, #tpu.memory_space<hbm>>
        %dma_start3A_30 = arith.constant 0 : i32
        %dma_start3A_31 = tpu.memref_slice %arg9[%mul3A_5, %dma_start3A_30] : memref<10112x16xf32, #tpu.memory_space<vmem_shared>> -> memref<632x16xf32, #tpu.memory_space<vmem_shared>>
        tpu.enqueue_dma source(%dma_start3A_31 : memref<632x16xf32, #tpu.memory_space<vmem_shared>>) target(%dma_start3A_29 : memref<632x16xf32, #tpu.memory_space<hbm>>) target_semaphore(%run_scoped3A_28 : memref<!tpu.dma_semaphore, #tpu.memory_space<semaphore_mem>>)
        %dma_wait3A = arith.constant 0 : i32
        %dma_wait3A_32 = tpu.memref_slice %arg5[%mul3A_5, %dma_wait3A] : memref<10112x16xf32, #tpu.memory_space<hbm>> -> memref<632x16xf32, #tpu.memory_space<hbm>>
        %dma_wait3A_33 = arith.constant 0 : i32
        %dma_wait3A_34 = tpu.memref_slice %arg9[%mul3A_5, %dma_wait3A_33] : memref<10112x16xf32, #tpu.memory_space<vmem_shared>> -> memref<632x16xf32, #tpu.memory_space<vmem_shared>>
        tpu.wait_dma2 semaphore(%run_scoped3A_28 : memref<!tpu.dma_semaphore, #tpu.memory_space<semaphore_mem>>) src(%dma_wait3A_34 : memref<632x16xf32, #tpu.memory_space<vmem_shared>>) dst(%dma_wait3A_32 : memref<632x16xf32, #tpu.memory_space<hbm>>)
        tpu.yield
      }) : () -> ()
    } else {
    }
    return
  }
}

#map = affine_map<(d0, d1) -> (0, 0)>
module attributes {stable_mosaic.version = 14 : i64} {
  func.func @hop_kernel(%arg0: i32, %arg1: i32, %arg2: memref<10000x128xf32, #tpu.memory_space<hbm>>, %arg3: memref<2560x128xi32, #tpu.memory_space<hbm>>, %arg4: memref<2560x128xi32, #tpu.memory_space<hbm>>, %arg5: memref<128x128xf32, #tpu.memory_space<hbm>>, %arg6: memref<10112x128xf32, #tpu.memory_space<hbm>>, %arg7: memref<10112x128xf32, #tpu.memory_space<hbm>>, %arg8: memref<40x128xi32, #tpu.memory_space<vmem>>, %arg9: memref<40x128xi32, #tpu.memory_space<vmem>>, %arg10: memref<128x128xf32, #tpu.memory_space<vmem>>, %arg11: memref<128x128xf32, #tpu.memory_space<vmem>>, %arg12: memref<10112x128xf32, #tpu.memory_space<vmem_shared>>, %arg13: memref<!tpu.dma_semaphore, #tpu.memory_space<semaphore_mem>>, %arg14: memref<!tpu.dma_semaphore, #tpu.memory_space<semaphore_mem>>) attributes {dimension_semantics = [#tpu.dimension_semantics<core_parallel>, #tpu.dimension_semantics<subcore_parallel>], iteration_bounds = array<i64: 2, 16>, scalar_prefetch = 0 : i64, scratch_operands = 7 : i64, tpu.core_type = #tpu.core_type<sc_vector_subcore>, window_params = [{transform_indices = #map}, {transform_indices = #map}, {transform_indices = #map}, {transform_indices = #map}, {transform_indices = #map}, {transform_indices = #map}]} {
    %mul3A = arith.constant 16 : i32
    %mul3A_0 = arith.muli %arg0, %mul3A : i32
    %add3A = arith.addi %mul3A_0, %arg1 : i32
    "tpu.region"() ({
      %run_scoped3A = tpu.sem_alloc : memref<!tpu.dma_semaphore, #tpu.memory_space<semaphore_mem>>
      tpu.enqueue_dma source(%arg5 : memref<128x128xf32, #tpu.memory_space<hbm>>) target(%arg10 : memref<128x128xf32, #tpu.memory_space<vmem>>) target_semaphore(%run_scoped3A : memref<!tpu.dma_semaphore, #tpu.memory_space<semaphore_mem>>)
      tpu.wait_dma2 semaphore(%run_scoped3A : memref<!tpu.dma_semaphore, #tpu.memory_space<semaphore_mem>>) src(%arg5 : memref<128x128xf32, #tpu.memory_space<hbm>>) dst(%arg10 : memref<128x128xf32, #tpu.memory_space<vmem>>)
      tpu.yield
    }) : () -> ()
    %mul3A_1 = arith.constant 632 : i32
    %mul3A_2 = arith.muli %arg1, %mul3A_1 : i32
    %add3A_3 = arith.constant 0 : i32
    %add3A_4 = arith.addi %mul3A_2, %add3A_3 : i32
    "tpu.region"() ({
      %run_scoped3A = tpu.sem_alloc : memref<!tpu.dma_semaphore, #tpu.memory_space<semaphore_mem>>
      %dma_start3A = arith.constant 0 : i32
      %dma_start3A_25 = tpu.memref_slice %arg12[%add3A_4, %dma_start3A] : memref<10112x128xf32, #tpu.memory_space<vmem_shared>> -> memref<128x128xf32, #tpu.memory_space<vmem_shared>>
      %dma_start3A_26 = arith.constant 0 : i32
      %dma_start3A_27 = tpu.memref_slice %arg12[%add3A_4, %dma_start3A_26] : memref<10112x128xf32, #tpu.memory_space<vmem_shared>> -> memref<128x128xf32, #tpu.memory_space<vmem_shared>>
      tpu.enqueue_dma source(%arg10 : memref<128x128xf32, #tpu.memory_space<vmem>>) target(%dma_start3A_27 : memref<128x128xf32, #tpu.memory_space<vmem_shared>>) target_semaphore(%run_scoped3A : memref<!tpu.dma_semaphore, #tpu.memory_space<semaphore_mem>>)
      %dma_wait3A = arith.constant 0 : i32
      %dma_wait3A_28 = tpu.memref_slice %arg12[%add3A_4, %dma_wait3A] : memref<10112x128xf32, #tpu.memory_space<vmem_shared>> -> memref<128x128xf32, #tpu.memory_space<vmem_shared>>
      %dma_wait3A_29 = arith.constant 0 : i32
      %dma_wait3A_30 = tpu.memref_slice %arg12[%add3A_4, %dma_wait3A_29] : memref<10112x128xf32, #tpu.memory_space<vmem_shared>> -> memref<128x128xf32, #tpu.memory_space<vmem_shared>>
      tpu.wait_dma2 semaphore(%run_scoped3A : memref<!tpu.dma_semaphore, #tpu.memory_space<semaphore_mem>>) src(%arg10 : memref<128x128xf32, #tpu.memory_space<vmem>>) dst(%dma_wait3A_30 : memref<128x128xf32, #tpu.memory_space<vmem_shared>>)
      tpu.yield
    }) : () -> ()
    %add3A_5 = arith.constant 128 : i32
    %add3A_6 = arith.addi %mul3A_2, %add3A_5 : i32
    "tpu.region"() ({
      %run_scoped3A = tpu.sem_alloc : memref<!tpu.dma_semaphore, #tpu.memory_space<semaphore_mem>>
      %dma_start3A = arith.constant 0 : i32
      %dma_start3A_25 = tpu.memref_slice %arg12[%add3A_6, %dma_start3A] : memref<10112x128xf32, #tpu.memory_space<vmem_shared>> -> memref<128x128xf32, #tpu.memory_space<vmem_shared>>
      %dma_start3A_26 = arith.constant 0 : i32
      %dma_start3A_27 = tpu.memref_slice %arg12[%add3A_6, %dma_start3A_26] : memref<10112x128xf32, #tpu.memory_space<vmem_shared>> -> memref<128x128xf32, #tpu.memory_space<vmem_shared>>
      tpu.enqueue_dma source(%arg10 : memref<128x128xf32, #tpu.memory_space<vmem>>) target(%dma_start3A_27 : memref<128x128xf32, #tpu.memory_space<vmem_shared>>) target_semaphore(%run_scoped3A : memref<!tpu.dma_semaphore, #tpu.memory_space<semaphore_mem>>)
      %dma_wait3A = arith.constant 0 : i32
      %dma_wait3A_28 = tpu.memref_slice %arg12[%add3A_6, %dma_wait3A] : memref<10112x128xf32, #tpu.memory_space<vmem_shared>> -> memref<128x128xf32, #tpu.memory_space<vmem_shared>>
      %dma_wait3A_29 = arith.constant 0 : i32
      %dma_wait3A_30 = tpu.memref_slice %arg12[%add3A_6, %dma_wait3A_29] : memref<10112x128xf32, #tpu.memory_space<vmem_shared>> -> memref<128x128xf32, #tpu.memory_space<vmem_shared>>
      tpu.wait_dma2 semaphore(%run_scoped3A : memref<!tpu.dma_semaphore, #tpu.memory_space<semaphore_mem>>) src(%arg10 : memref<128x128xf32, #tpu.memory_space<vmem>>) dst(%dma_wait3A_30 : memref<128x128xf32, #tpu.memory_space<vmem_shared>>)
      tpu.yield
    }) : () -> ()
    %add3A_7 = arith.constant 256 : i32
    %add3A_8 = arith.addi %mul3A_2, %add3A_7 : i32
    "tpu.region"() ({
      %run_scoped3A = tpu.sem_alloc : memref<!tpu.dma_semaphore, #tpu.memory_space<semaphore_mem>>
      %dma_start3A = arith.constant 0 : i32
      %dma_start3A_25 = tpu.memref_slice %arg12[%add3A_8, %dma_start3A] : memref<10112x128xf32, #tpu.memory_space<vmem_shared>> -> memref<128x128xf32, #tpu.memory_space<vmem_shared>>
      %dma_start3A_26 = arith.constant 0 : i32
      %dma_start3A_27 = tpu.memref_slice %arg12[%add3A_8, %dma_start3A_26] : memref<10112x128xf32, #tpu.memory_space<vmem_shared>> -> memref<128x128xf32, #tpu.memory_space<vmem_shared>>
      tpu.enqueue_dma source(%arg10 : memref<128x128xf32, #tpu.memory_space<vmem>>) target(%dma_start3A_27 : memref<128x128xf32, #tpu.memory_space<vmem_shared>>) target_semaphore(%run_scoped3A : memref<!tpu.dma_semaphore, #tpu.memory_space<semaphore_mem>>)
      %dma_wait3A = arith.constant 0 : i32
      %dma_wait3A_28 = tpu.memref_slice %arg12[%add3A_8, %dma_wait3A] : memref<10112x128xf32, #tpu.memory_space<vmem_shared>> -> memref<128x128xf32, #tpu.memory_space<vmem_shared>>
      %dma_wait3A_29 = arith.constant 0 : i32
      %dma_wait3A_30 = tpu.memref_slice %arg12[%add3A_8, %dma_wait3A_29] : memref<10112x128xf32, #tpu.memory_space<vmem_shared>> -> memref<128x128xf32, #tpu.memory_space<vmem_shared>>
      tpu.wait_dma2 semaphore(%run_scoped3A : memref<!tpu.dma_semaphore, #tpu.memory_space<semaphore_mem>>) src(%arg10 : memref<128x128xf32, #tpu.memory_space<vmem>>) dst(%dma_wait3A_30 : memref<128x128xf32, #tpu.memory_space<vmem_shared>>)
      tpu.yield
    }) : () -> ()
    %add3A_9 = arith.constant 384 : i32
    %add3A_10 = arith.addi %mul3A_2, %add3A_9 : i32
    "tpu.region"() ({
      %run_scoped3A = tpu.sem_alloc : memref<!tpu.dma_semaphore, #tpu.memory_space<semaphore_mem>>
      %dma_start3A = arith.constant 0 : i32
      %dma_start3A_25 = tpu.memref_slice %arg12[%add3A_10, %dma_start3A] : memref<10112x128xf32, #tpu.memory_space<vmem_shared>> -> memref<128x128xf32, #tpu.memory_space<vmem_shared>>
      %dma_start3A_26 = arith.constant 0 : i32
      %dma_start3A_27 = tpu.memref_slice %arg12[%add3A_10, %dma_start3A_26] : memref<10112x128xf32, #tpu.memory_space<vmem_shared>> -> memref<128x128xf32, #tpu.memory_space<vmem_shared>>
      tpu.enqueue_dma source(%arg10 : memref<128x128xf32, #tpu.memory_space<vmem>>) target(%dma_start3A_27 : memref<128x128xf32, #tpu.memory_space<vmem_shared>>) target_semaphore(%run_scoped3A : memref<!tpu.dma_semaphore, #tpu.memory_space<semaphore_mem>>)
      %dma_wait3A = arith.constant 0 : i32
      %dma_wait3A_28 = tpu.memref_slice %arg12[%add3A_10, %dma_wait3A] : memref<10112x128xf32, #tpu.memory_space<vmem_shared>> -> memref<128x128xf32, #tpu.memory_space<vmem_shared>>
      %dma_wait3A_29 = arith.constant 0 : i32
      %dma_wait3A_30 = tpu.memref_slice %arg12[%add3A_10, %dma_wait3A_29] : memref<10112x128xf32, #tpu.memory_space<vmem_shared>> -> memref<128x128xf32, #tpu.memory_space<vmem_shared>>
      tpu.wait_dma2 semaphore(%run_scoped3A : memref<!tpu.dma_semaphore, #tpu.memory_space<semaphore_mem>>) src(%arg10 : memref<128x128xf32, #tpu.memory_space<vmem>>) dst(%dma_wait3A_30 : memref<128x128xf32, #tpu.memory_space<vmem_shared>>)
      tpu.yield
    }) : () -> ()
    %add3A_11 = arith.constant 512 : i32
    %add3A_12 = arith.addi %mul3A_2, %add3A_11 : i32
    "tpu.region"() ({
      %run_scoped3A = tpu.sem_alloc : memref<!tpu.dma_semaphore, #tpu.memory_space<semaphore_mem>>
      %dma_start3A = arith.constant 0 : i32
      %dma_start3A_25 = arith.constant 0 : i32
      %dma_start3A_26 = tpu.memref_slice %arg10[%dma_start3A, %dma_start3A_25] : memref<128x128xf32, #tpu.memory_space<vmem>> -> memref<120x128xf32, #tpu.memory_space<vmem>>
      %dma_start3A_27 = arith.constant 0 : i32
      %dma_start3A_28 = tpu.memref_slice %arg12[%add3A_12, %dma_start3A_27] : memref<10112x128xf32, #tpu.memory_space<vmem_shared>> -> memref<120x128xf32, #tpu.memory_space<vmem_shared>>
      %dma_start3A_29 = arith.constant 0 : i32
      %dma_start3A_30 = tpu.memref_slice %arg12[%add3A_12, %dma_start3A_29] : memref<10112x128xf32, #tpu.memory_space<vmem_shared>> -> memref<120x128xf32, #tpu.memory_space<vmem_shared>>
      %dma_start3A_31 = arith.constant 0 : i32
      %dma_start3A_32 = arith.constant 0 : i32
      %dma_start3A_33 = tpu.memref_slice %arg10[%dma_start3A_31, %dma_start3A_32] : memref<128x128xf32, #tpu.memory_space<vmem>> -> memref<120x128xf32, #tpu.memory_space<vmem>>
      tpu.enqueue_dma source(%dma_start3A_33 : memref<120x128xf32, #tpu.memory_space<vmem>>) target(%dma_start3A_30 : memref<120x128xf32, #tpu.memory_space<vmem_shared>>) target_semaphore(%run_scoped3A : memref<!tpu.dma_semaphore, #tpu.memory_space<semaphore_mem>>)
      %dma_wait3A = arith.constant 0 : i32
      %dma_wait3A_34 = arith.constant 0 : i32
      %dma_wait3A_35 = tpu.memref_slice %arg10[%dma_wait3A, %dma_wait3A_34] : memref<128x128xf32, #tpu.memory_space<vmem>> -> memref<120x128xf32, #tpu.memory_space<vmem>>
      %dma_wait3A_36 = arith.constant 0 : i32
      %dma_wait3A_37 = tpu.memref_slice %arg12[%add3A_12, %dma_wait3A_36] : memref<10112x128xf32, #tpu.memory_space<vmem_shared>> -> memref<120x128xf32, #tpu.memory_space<vmem_shared>>
      %dma_wait3A_38 = arith.constant 0 : i32
      %dma_wait3A_39 = tpu.memref_slice %arg12[%add3A_12, %dma_wait3A_38] : memref<10112x128xf32, #tpu.memory_space<vmem_shared>> -> memref<120x128xf32, #tpu.memory_space<vmem_shared>>
      %dma_wait3A_40 = arith.constant 0 : i32
      %dma_wait3A_41 = arith.constant 0 : i32
      %dma_wait3A_42 = tpu.memref_slice %arg10[%dma_wait3A_40, %dma_wait3A_41] : memref<128x128xf32, #tpu.memory_space<vmem>> -> memref<120x128xf32, #tpu.memory_space<vmem>>
      tpu.wait_dma2 semaphore(%run_scoped3A : memref<!tpu.dma_semaphore, #tpu.memory_space<semaphore_mem>>) src(%dma_wait3A_42 : memref<120x128xf32, #tpu.memory_space<vmem>>) dst(%dma_wait3A_39 : memref<120x128xf32, #tpu.memory_space<vmem_shared>>)
      tpu.yield
    }) : () -> ()
    %barrier3A = arith.constant 0 : index
    tpu.barrier barrier_id(%barrier3A)
    %scan3A = arith.constant 0 : i32
    %scan3A_13 = arith.constant 2 : i32
    %scan3A_14 = arith.addi %scan3A, %scan3A_13 : i32
    %scan3A_15 = arith.constant 1 : i32
    scf.for %scan3A_25 = %scan3A to %scan3A_14 step %scan3A_15  : i32 {
      %mul3A_26 = arith.constant 1 : i32
      %mul3A_27 = arith.muli %scan3A_25, %mul3A_26 : i32
      %add3A_28 = arith.constant 0 : i32
      %add3A_29 = arith.addi %add3A_28, %mul3A_27 : i32
      %mul3A_30 = arith.constant 80 : i32
      %mul3A_31 = arith.muli %add3A, %mul3A_30 : i32
      %mul3A_32 = arith.constant 40 : i32
      %mul3A_33 = arith.muli %add3A_29, %mul3A_32 : i32
      %add3A_34 = arith.addi %mul3A_31, %mul3A_33 : i32
      "tpu.region"() ({
        %run_scoped3A_67 = tpu.sem_alloc : memref<!tpu.dma_semaphore, #tpu.memory_space<semaphore_mem>>
        %dma_start3A_68 = arith.constant 0 : i32
        %dma_start3A_69 = tpu.memref_slice %arg3[%add3A_34, %dma_start3A_68] : memref<2560x128xi32, #tpu.memory_space<hbm>> -> memref<40x128xi32, #tpu.memory_space<hbm>>
        %dma_start3A_70 = arith.constant 0 : i32
        %dma_start3A_71 = tpu.memref_slice %arg3[%add3A_34, %dma_start3A_70] : memref<2560x128xi32, #tpu.memory_space<hbm>> -> memref<40x128xi32, #tpu.memory_space<hbm>>
        tpu.enqueue_dma source(%dma_start3A_71 : memref<40x128xi32, #tpu.memory_space<hbm>>) target(%arg8 : memref<40x128xi32, #tpu.memory_space<vmem>>) target_semaphore(%run_scoped3A_67 : memref<!tpu.dma_semaphore, #tpu.memory_space<semaphore_mem>>)
        %dma_wait3A_72 = arith.constant 0 : i32
        %dma_wait3A_73 = tpu.memref_slice %arg3[%add3A_34, %dma_wait3A_72] : memref<2560x128xi32, #tpu.memory_space<hbm>> -> memref<40x128xi32, #tpu.memory_space<hbm>>
        %dma_wait3A_74 = arith.constant 0 : i32
        %dma_wait3A_75 = tpu.memref_slice %arg3[%add3A_34, %dma_wait3A_74] : memref<2560x128xi32, #tpu.memory_space<hbm>> -> memref<40x128xi32, #tpu.memory_space<hbm>>
        tpu.wait_dma2 semaphore(%run_scoped3A_67 : memref<!tpu.dma_semaphore, #tpu.memory_space<semaphore_mem>>) src(%dma_wait3A_75 : memref<40x128xi32, #tpu.memory_space<hbm>>) dst(%arg8 : memref<40x128xi32, #tpu.memory_space<vmem>>)
        tpu.yield
      }) : () -> ()
      "tpu.region"() ({
        %run_scoped3A_67 = tpu.sem_alloc : memref<!tpu.dma_semaphore, #tpu.memory_space<semaphore_mem>>
        %dma_start3A_68 = arith.constant 0 : i32
        %dma_start3A_69 = tpu.memref_slice %arg4[%add3A_34, %dma_start3A_68] : memref<2560x128xi32, #tpu.memory_space<hbm>> -> memref<40x128xi32, #tpu.memory_space<hbm>>
        %dma_start3A_70 = arith.constant 0 : i32
        %dma_start3A_71 = tpu.memref_slice %arg4[%add3A_34, %dma_start3A_70] : memref<2560x128xi32, #tpu.memory_space<hbm>> -> memref<40x128xi32, #tpu.memory_space<hbm>>
        tpu.enqueue_dma source(%dma_start3A_71 : memref<40x128xi32, #tpu.memory_space<hbm>>) target(%arg9 : memref<40x128xi32, #tpu.memory_space<vmem>>) target_semaphore(%run_scoped3A_67 : memref<!tpu.dma_semaphore, #tpu.memory_space<semaphore_mem>>)
        %dma_wait3A_72 = arith.constant 0 : i32
        %dma_wait3A_73 = tpu.memref_slice %arg4[%add3A_34, %dma_wait3A_72] : memref<2560x128xi32, #tpu.memory_space<hbm>> -> memref<40x128xi32, #tpu.memory_space<hbm>>
        %dma_wait3A_74 = arith.constant 0 : i32
        %dma_wait3A_75 = tpu.memref_slice %arg4[%add3A_34, %dma_wait3A_74] : memref<2560x128xi32, #tpu.memory_space<hbm>> -> memref<40x128xi32, #tpu.memory_space<hbm>>
        tpu.wait_dma2 semaphore(%run_scoped3A_67 : memref<!tpu.dma_semaphore, #tpu.memory_space<semaphore_mem>>) src(%dma_wait3A_75 : memref<40x128xi32, #tpu.memory_space<hbm>>) dst(%arg9 : memref<40x128xi32, #tpu.memory_space<vmem>>)
        tpu.yield
      }) : () -> ()
      %dma_start3A = arith.constant 0 : i32
      %dma_start3A_35 = arith.constant 0 : i32
      %dma_start3A_36 = tpu.memref_slice %arg8[%dma_start3A, %dma_start3A_35] : memref<40x128xi32, #tpu.memory_space<vmem>> -> memref<1x128xi32, #tpu.memory_space<vmem>>
      %dma_start3A_37 = tpu.memref_squeeze %dma_start3A_36 : memref<1x128xi32, #tpu.memory_space<vmem>> -> memref<128xi32, #tpu.memory_space<vmem>>
      %dma_start3A_38 = arith.constant 0 : i32
      %dma_start3A_39 = arith.constant 0 : i32
      %dma_start3A_40 = tpu.memref_slice %arg2[%dma_start3A_38, %dma_start3A_39] : memref<10000x128xf32, #tpu.memory_space<hbm>> -> memref<10000x128xf32, #tpu.memory_space<hbm>>
      tpu.enqueue_indirect_dma source(%dma_start3A_40 : memref<10000x128xf32, #tpu.memory_space<hbm>>) target(%arg10 : memref<128x128xf32, #tpu.memory_space<vmem>>) offsets(%dma_start3A_37 : memref<128xi32, #tpu.memory_space<vmem>>) semaphore(%arg13 : memref<!tpu.dma_semaphore, #tpu.memory_space<semaphore_mem>>)
      %dma_start3A_41 = arith.constant 1 : i32
      %dma_start3A_42 = arith.constant 0 : i32
      %dma_start3A_43 = tpu.memref_slice %arg8[%dma_start3A_41, %dma_start3A_42] : memref<40x128xi32, #tpu.memory_space<vmem>> -> memref<1x128xi32, #tpu.memory_space<vmem>>
      %dma_start3A_44 = tpu.memref_squeeze %dma_start3A_43 : memref<1x128xi32, #tpu.memory_space<vmem>> -> memref<128xi32, #tpu.memory_space<vmem>>
      %dma_start3A_45 = arith.constant 0 : i32
      %dma_start3A_46 = arith.constant 0 : i32
      %dma_start3A_47 = tpu.memref_slice %arg2[%dma_start3A_45, %dma_start3A_46] : memref<10000x128xf32, #tpu.memory_space<hbm>> -> memref<10000x128xf32, #tpu.memory_space<hbm>>
      tpu.enqueue_indirect_dma source(%dma_start3A_47 : memref<10000x128xf32, #tpu.memory_space<hbm>>) target(%arg11 : memref<128x128xf32, #tpu.memory_space<vmem>>) offsets(%dma_start3A_44 : memref<128xi32, #tpu.memory_space<vmem>>) semaphore(%arg14 : memref<!tpu.dma_semaphore, #tpu.memory_space<semaphore_mem>>)
      %scan3A_48 = arith.constant 0 : i32
      %scan3A_49 = arith.constant 19 : i32
      %scan3A_50 = arith.addi %scan3A_48, %scan3A_49 : i32
      %scan3A_51 = arith.constant 1 : i32
      scf.for %scan3A_67 = %scan3A_48 to %scan3A_50 step %scan3A_51  : i32 {
        %mul3A_68 = arith.constant 2 : i32
        %mul3A_69 = arith.muli %scan3A_67, %mul3A_68 : i32
        %add3A_70 = arith.constant 0 : i32
        %add3A_71 = arith.addi %add3A_70, %mul3A_69 : i32
        %add3A_72 = arith.constant 0 : i32
        %add3A_73 = arith.addi %add3A_71, %add3A_72 : i32
        %dma_wait3A_74 = arith.constant 0 : i32
        %dma_wait3A_75 = tpu.memref_slice %arg8[%add3A_73, %dma_wait3A_74] : memref<40x128xi32, #tpu.memory_space<vmem>> -> memref<1x128xi32, #tpu.memory_space<vmem>>
        %dma_wait3A_76 = tpu.memref_squeeze %dma_wait3A_75 : memref<1x128xi32, #tpu.memory_space<vmem>> -> memref<128xi32, #tpu.memory_space<vmem>>
        %dma_wait3A_77 = arith.constant 0 : i32
        %dma_wait3A_78 = arith.constant 0 : i32
        %dma_wait3A_79 = tpu.memref_slice %arg2[%dma_wait3A_77, %dma_wait3A_78] : memref<10000x128xf32, #tpu.memory_space<hbm>> -> memref<10000x128xf32, #tpu.memory_space<hbm>>
        tpu.wait_indirect_dma semaphore(%arg13 : memref<!tpu.dma_semaphore, #tpu.memory_space<semaphore_mem>>) src(%dma_wait3A_79 : memref<10000x128xf32, #tpu.memory_space<hbm>>) dst(%arg10 : memref<128x128xf32, #tpu.memory_space<vmem>>)
        %add3A_80 = arith.constant 0 : i32
        %add3A_81 = arith.addi %add3A_71, %add3A_80 : i32
        "tpu.region"() ({
          %run_scoped3A_112 = tpu.sem_alloc : memref<!tpu.dma_semaphore, #tpu.memory_space<semaphore_mem>>
          %dma_start3A_113 = arith.constant 0 : i32
          %dma_start3A_114 = tpu.memref_slice %arg9[%add3A_81, %dma_start3A_113] : memref<40x128xi32, #tpu.memory_space<vmem>> -> memref<1x128xi32, #tpu.memory_space<vmem>>
          %dma_start3A_115 = tpu.memref_squeeze %dma_start3A_114 : memref<1x128xi32, #tpu.memory_space<vmem>> -> memref<128xi32, #tpu.memory_space<vmem>>
          %dma_start3A_116 = arith.constant 0 : i32
          %dma_start3A_117 = arith.constant 0 : i32
          %dma_start3A_118 = tpu.memref_slice %arg12[%dma_start3A_116, %dma_start3A_117] : memref<10112x128xf32, #tpu.memory_space<vmem_shared>> -> memref<10112x128xf32, #tpu.memory_space<vmem_shared>>
          tpu.enqueue_indirect_dma source(%arg10 : memref<128x128xf32, #tpu.memory_space<vmem>>) target(%dma_start3A_118 : memref<10112x128xf32, #tpu.memory_space<vmem_shared>>) offsets(%dma_start3A_115 : memref<128xi32, #tpu.memory_space<vmem>>) semaphore(%run_scoped3A_112 : memref<!tpu.dma_semaphore, #tpu.memory_space<semaphore_mem>>) {add = true}
          %dma_wait3A_119 = arith.constant 0 : i32
          %dma_wait3A_120 = tpu.memref_slice %arg9[%add3A_81, %dma_wait3A_119] : memref<40x128xi32, #tpu.memory_space<vmem>> -> memref<1x128xi32, #tpu.memory_space<vmem>>
          %dma_wait3A_121 = tpu.memref_squeeze %dma_wait3A_120 : memref<1x128xi32, #tpu.memory_space<vmem>> -> memref<128xi32, #tpu.memory_space<vmem>>
          %dma_wait3A_122 = arith.constant 0 : i32
          %dma_wait3A_123 = arith.constant 0 : i32
          %dma_wait3A_124 = tpu.memref_slice %arg12[%dma_wait3A_122, %dma_wait3A_123] : memref<10112x128xf32, #tpu.memory_space<vmem_shared>> -> memref<10112x128xf32, #tpu.memory_space<vmem_shared>>
          tpu.wait_indirect_dma semaphore(%run_scoped3A_112 : memref<!tpu.dma_semaphore, #tpu.memory_space<semaphore_mem>>) src(%arg10 : memref<128x128xf32, #tpu.memory_space<vmem>>) dst(%dma_wait3A_124 : memref<10112x128xf32, #tpu.memory_space<vmem_shared>>)
          tpu.yield
        }) : () -> ()
        %add3A_82 = arith.constant 2 : i32
        %add3A_83 = arith.addi %add3A_71, %add3A_82 : i32
        %add3A_84 = arith.constant 0 : i32
        %add3A_85 = arith.addi %add3A_83, %add3A_84 : i32
        %dma_start3A_86 = arith.constant 0 : i32
        %dma_start3A_87 = tpu.memref_slice %arg8[%add3A_85, %dma_start3A_86] : memref<40x128xi32, #tpu.memory_space<vmem>> -> memref<1x128xi32, #tpu.memory_space<vmem>>
        %dma_start3A_88 = tpu.memref_squeeze %dma_start3A_87 : memref<1x128xi32, #tpu.memory_space<vmem>> -> memref<128xi32, #tpu.memory_space<vmem>>
        %dma_start3A_89 = arith.constant 0 : i32
        %dma_start3A_90 = arith.constant 0 : i32
        %dma_start3A_91 = tpu.memref_slice %arg2[%dma_start3A_89, %dma_start3A_90] : memref<10000x128xf32, #tpu.memory_space<hbm>> -> memref<10000x128xf32, #tpu.memory_space<hbm>>
        tpu.enqueue_indirect_dma source(%dma_start3A_91 : memref<10000x128xf32, #tpu.memory_space<hbm>>) target(%arg10 : memref<128x128xf32, #tpu.memory_space<vmem>>) offsets(%dma_start3A_88 : memref<128xi32, #tpu.memory_space<vmem>>) semaphore(%arg13 : memref<!tpu.dma_semaphore, #tpu.memory_space<semaphore_mem>>)
        %add3A_92 = arith.constant 1 : i32
        %add3A_93 = arith.addi %add3A_71, %add3A_92 : i32
        %dma_wait3A_94 = arith.constant 0 : i32
        %dma_wait3A_95 = tpu.memref_slice %arg8[%add3A_93, %dma_wait3A_94] : memref<40x128xi32, #tpu.memory_space<vmem>> -> memref<1x128xi32, #tpu.memory_space<vmem>>
        %dma_wait3A_96 = tpu.memref_squeeze %dma_wait3A_95 : memref<1x128xi32, #tpu.memory_space<vmem>> -> memref<128xi32, #tpu.memory_space<vmem>>
        %dma_wait3A_97 = arith.constant 0 : i32
        %dma_wait3A_98 = arith.constant 0 : i32
        %dma_wait3A_99 = tpu.memref_slice %arg2[%dma_wait3A_97, %dma_wait3A_98] : memref<10000x128xf32, #tpu.memory_space<hbm>> -> memref<10000x128xf32, #tpu.memory_space<hbm>>
        tpu.wait_indirect_dma semaphore(%arg14 : memref<!tpu.dma_semaphore, #tpu.memory_space<semaphore_mem>>) src(%dma_wait3A_99 : memref<10000x128xf32, #tpu.memory_space<hbm>>) dst(%arg11 : memref<128x128xf32, #tpu.memory_space<vmem>>)
        %add3A_100 = arith.constant 1 : i32
        %add3A_101 = arith.addi %add3A_71, %add3A_100 : i32
        "tpu.region"() ({
          %run_scoped3A_112 = tpu.sem_alloc : memref<!tpu.dma_semaphore, #tpu.memory_space<semaphore_mem>>
          %dma_start3A_113 = arith.constant 0 : i32
          %dma_start3A_114 = tpu.memref_slice %arg9[%add3A_101, %dma_start3A_113] : memref<40x128xi32, #tpu.memory_space<vmem>> -> memref<1x128xi32, #tpu.memory_space<vmem>>
          %dma_start3A_115 = tpu.memref_squeeze %dma_start3A_114 : memref<1x128xi32, #tpu.memory_space<vmem>> -> memref<128xi32, #tpu.memory_space<vmem>>
          %dma_start3A_116 = arith.constant 0 : i32
          %dma_start3A_117 = arith.constant 0 : i32
          %dma_start3A_118 = tpu.memref_slice %arg12[%dma_start3A_116, %dma_start3A_117] : memref<10112x128xf32, #tpu.memory_space<vmem_shared>> -> memref<10112x128xf32, #tpu.memory_space<vmem_shared>>
          tpu.enqueue_indirect_dma source(%arg11 : memref<128x128xf32, #tpu.memory_space<vmem>>) target(%dma_start3A_118 : memref<10112x128xf32, #tpu.memory_space<vmem_shared>>) offsets(%dma_start3A_115 : memref<128xi32, #tpu.memory_space<vmem>>) semaphore(%run_scoped3A_112 : memref<!tpu.dma_semaphore, #tpu.memory_space<semaphore_mem>>) {add = true}
          %dma_wait3A_119 = arith.constant 0 : i32
          %dma_wait3A_120 = tpu.memref_slice %arg9[%add3A_101, %dma_wait3A_119] : memref<40x128xi32, #tpu.memory_space<vmem>> -> memref<1x128xi32, #tpu.memory_space<vmem>>
          %dma_wait3A_121 = tpu.memref_squeeze %dma_wait3A_120 : memref<1x128xi32, #tpu.memory_space<vmem>> -> memref<128xi32, #tpu.memory_space<vmem>>
          %dma_wait3A_122 = arith.constant 0 : i32
          %dma_wait3A_123 = arith.constant 0 : i32
          %dma_wait3A_124 = tpu.memref_slice %arg12[%dma_wait3A_122, %dma_wait3A_123] : memref<10112x128xf32, #tpu.memory_space<vmem_shared>> -> memref<10112x128xf32, #tpu.memory_space<vmem_shared>>
          tpu.wait_indirect_dma semaphore(%run_scoped3A_112 : memref<!tpu.dma_semaphore, #tpu.memory_space<semaphore_mem>>) src(%arg11 : memref<128x128xf32, #tpu.memory_space<vmem>>) dst(%dma_wait3A_124 : memref<10112x128xf32, #tpu.memory_space<vmem_shared>>)
          tpu.yield
        }) : () -> ()
        %add3A_102 = arith.constant 2 : i32
        %add3A_103 = arith.addi %add3A_71, %add3A_102 : i32
        %add3A_104 = arith.constant 1 : i32
        %add3A_105 = arith.addi %add3A_103, %add3A_104 : i32
        %dma_start3A_106 = arith.constant 0 : i32
        %dma_start3A_107 = tpu.memref_slice %arg8[%add3A_105, %dma_start3A_106] : memref<40x128xi32, #tpu.memory_space<vmem>> -> memref<1x128xi32, #tpu.memory_space<vmem>>
        %dma_start3A_108 = tpu.memref_squeeze %dma_start3A_107 : memref<1x128xi32, #tpu.memory_space<vmem>> -> memref<128xi32, #tpu.memory_space<vmem>>
        %dma_start3A_109 = arith.constant 0 : i32
        %dma_start3A_110 = arith.constant 0 : i32
        %dma_start3A_111 = tpu.memref_slice %arg2[%dma_start3A_109, %dma_start3A_110] : memref<10000x128xf32, #tpu.memory_space<hbm>> -> memref<10000x128xf32, #tpu.memory_space<hbm>>
        tpu.enqueue_indirect_dma source(%dma_start3A_111 : memref<10000x128xf32, #tpu.memory_space<hbm>>) target(%arg11 : memref<128x128xf32, #tpu.memory_space<vmem>>) offsets(%dma_start3A_108 : memref<128xi32, #tpu.memory_space<vmem>>) semaphore(%arg14 : memref<!tpu.dma_semaphore, #tpu.memory_space<semaphore_mem>>)
      }
      %scan3A_52 = arith.constant 19 : i32
      %dma_wait3A = arith.constant 38 : i32
      %dma_wait3A_53 = arith.constant 0 : i32
      %dma_wait3A_54 = tpu.memref_slice %arg8[%dma_wait3A, %dma_wait3A_53] : memref<40x128xi32, #tpu.memory_space<vmem>> -> memref<1x128xi32, #tpu.memory_space<vmem>>
      %dma_wait3A_55 = tpu.memref_squeeze %dma_wait3A_54 : memref<1x128xi32, #tpu.memory_space<vmem>> -> memref<128xi32, #tpu.memory_space<vmem>>
      %dma_wait3A_56 = arith.constant 0 : i32
      %dma_wait3A_57 = arith.constant 0 : i32
      %dma_wait3A_58 = tpu.memref_slice %arg2[%dma_wait3A_56, %dma_wait3A_57] : memref<10000x128xf32, #tpu.memory_space<hbm>> -> memref<10000x128xf32, #tpu.memory_space<hbm>>
      tpu.wait_indirect_dma semaphore(%arg13 : memref<!tpu.dma_semaphore, #tpu.memory_space<semaphore_mem>>) src(%dma_wait3A_58 : memref<10000x128xf32, #tpu.memory_space<hbm>>) dst(%arg10 : memref<128x128xf32, #tpu.memory_space<vmem>>)
      %run_scoped3A = arith.constant 38 : i32
      "tpu.region"() ({
        %run_scoped3A_67 = tpu.sem_alloc : memref<!tpu.dma_semaphore, #tpu.memory_space<semaphore_mem>>
        %dma_start3A_68 = arith.constant 0 : i32
        %dma_start3A_69 = tpu.memref_slice %arg9[%run_scoped3A, %dma_start3A_68] : memref<40x128xi32, #tpu.memory_space<vmem>> -> memref<1x128xi32, #tpu.memory_space<vmem>>
        %dma_start3A_70 = tpu.memref_squeeze %dma_start3A_69 : memref<1x128xi32, #tpu.memory_space<vmem>> -> memref<128xi32, #tpu.memory_space<vmem>>
        %dma_start3A_71 = arith.constant 0 : i32
        %dma_start3A_72 = arith.constant 0 : i32
        %dma_start3A_73 = tpu.memref_slice %arg12[%dma_start3A_71, %dma_start3A_72] : memref<10112x128xf32, #tpu.memory_space<vmem_shared>> -> memref<10112x128xf32, #tpu.memory_space<vmem_shared>>
        tpu.enqueue_indirect_dma source(%arg10 : memref<128x128xf32, #tpu.memory_space<vmem>>) target(%dma_start3A_73 : memref<10112x128xf32, #tpu.memory_space<vmem_shared>>) offsets(%dma_start3A_70 : memref<128xi32, #tpu.memory_space<vmem>>) semaphore(%run_scoped3A_67 : memref<!tpu.dma_semaphore, #tpu.memory_space<semaphore_mem>>) {add = true}
        %dma_wait3A_74 = arith.constant 0 : i32
        %dma_wait3A_75 = tpu.memref_slice %arg9[%run_scoped3A, %dma_wait3A_74] : memref<40x128xi32, #tpu.memory_space<vmem>> -> memref<1x128xi32, #tpu.memory_space<vmem>>
        %dma_wait3A_76 = tpu.memref_squeeze %dma_wait3A_75 : memref<1x128xi32, #tpu.memory_space<vmem>> -> memref<128xi32, #tpu.memory_space<vmem>>
        %dma_wait3A_77 = arith.constant 0 : i32
        %dma_wait3A_78 = arith.constant 0 : i32
        %dma_wait3A_79 = tpu.memref_slice %arg12[%dma_wait3A_77, %dma_wait3A_78] : memref<10112x128xf32, #tpu.memory_space<vmem_shared>> -> memref<10112x128xf32, #tpu.memory_space<vmem_shared>>
        tpu.wait_indirect_dma semaphore(%run_scoped3A_67 : memref<!tpu.dma_semaphore, #tpu.memory_space<semaphore_mem>>) src(%arg10 : memref<128x128xf32, #tpu.memory_space<vmem>>) dst(%dma_wait3A_79 : memref<10112x128xf32, #tpu.memory_space<vmem_shared>>)
        tpu.yield
      }) : () -> ()
      %dma_wait3A_59 = arith.constant 39 : i32
      %dma_wait3A_60 = arith.constant 0 : i32
      %dma_wait3A_61 = tpu.memref_slice %arg8[%dma_wait3A_59, %dma_wait3A_60] : memref<40x128xi32, #tpu.memory_space<vmem>> -> memref<1x128xi32, #tpu.memory_space<vmem>>
      %dma_wait3A_62 = tpu.memref_squeeze %dma_wait3A_61 : memref<1x128xi32, #tpu.memory_space<vmem>> -> memref<128xi32, #tpu.memory_space<vmem>>
      %dma_wait3A_63 = arith.constant 0 : i32
      %dma_wait3A_64 = arith.constant 0 : i32
      %dma_wait3A_65 = tpu.memref_slice %arg2[%dma_wait3A_63, %dma_wait3A_64] : memref<10000x128xf32, #tpu.memory_space<hbm>> -> memref<10000x128xf32, #tpu.memory_space<hbm>>
      tpu.wait_indirect_dma semaphore(%arg14 : memref<!tpu.dma_semaphore, #tpu.memory_space<semaphore_mem>>) src(%dma_wait3A_65 : memref<10000x128xf32, #tpu.memory_space<hbm>>) dst(%arg11 : memref<128x128xf32, #tpu.memory_space<vmem>>)
      %run_scoped3A_66 = arith.constant 39 : i32
      "tpu.region"() ({
        %run_scoped3A_67 = tpu.sem_alloc : memref<!tpu.dma_semaphore, #tpu.memory_space<semaphore_mem>>
        %dma_start3A_68 = arith.constant 0 : i32
        %dma_start3A_69 = tpu.memref_slice %arg9[%run_scoped3A_66, %dma_start3A_68] : memref<40x128xi32, #tpu.memory_space<vmem>> -> memref<1x128xi32, #tpu.memory_space<vmem>>
        %dma_start3A_70 = tpu.memref_squeeze %dma_start3A_69 : memref<1x128xi32, #tpu.memory_space<vmem>> -> memref<128xi32, #tpu.memory_space<vmem>>
        %dma_start3A_71 = arith.constant 0 : i32
        %dma_start3A_72 = arith.constant 0 : i32
        %dma_start3A_73 = tpu.memref_slice %arg12[%dma_start3A_71, %dma_start3A_72] : memref<10112x128xf32, #tpu.memory_space<vmem_shared>> -> memref<10112x128xf32, #tpu.memory_space<vmem_shared>>
        tpu.enqueue_indirect_dma source(%arg11 : memref<128x128xf32, #tpu.memory_space<vmem>>) target(%dma_start3A_73 : memref<10112x128xf32, #tpu.memory_space<vmem_shared>>) offsets(%dma_start3A_70 : memref<128xi32, #tpu.memory_space<vmem>>) semaphore(%run_scoped3A_67 : memref<!tpu.dma_semaphore, #tpu.memory_space<semaphore_mem>>) {add = true}
        %dma_wait3A_74 = arith.constant 0 : i32
        %dma_wait3A_75 = tpu.memref_slice %arg9[%run_scoped3A_66, %dma_wait3A_74] : memref<40x128xi32, #tpu.memory_space<vmem>> -> memref<1x128xi32, #tpu.memory_space<vmem>>
        %dma_wait3A_76 = tpu.memref_squeeze %dma_wait3A_75 : memref<1x128xi32, #tpu.memory_space<vmem>> -> memref<128xi32, #tpu.memory_space<vmem>>
        %dma_wait3A_77 = arith.constant 0 : i32
        %dma_wait3A_78 = arith.constant 0 : i32
        %dma_wait3A_79 = tpu.memref_slice %arg12[%dma_wait3A_77, %dma_wait3A_78] : memref<10112x128xf32, #tpu.memory_space<vmem_shared>> -> memref<10112x128xf32, #tpu.memory_space<vmem_shared>>
        tpu.wait_indirect_dma semaphore(%run_scoped3A_67 : memref<!tpu.dma_semaphore, #tpu.memory_space<semaphore_mem>>) src(%arg11 : memref<128x128xf32, #tpu.memory_space<vmem>>) dst(%dma_wait3A_79 : memref<10112x128xf32, #tpu.memory_space<vmem_shared>>)
        tpu.yield
      }) : () -> ()
    }
    %scan3A_16 = arith.constant 2 : i32
    %barrier3A_17 = arith.constant 0 : index
    tpu.barrier barrier_id(%barrier3A_17)
    %eq3A = arith.constant 0 : i32
    %eq3A_18 = arith.cmpi eq, %arg0, %eq3A : i32
    %convert_element_type3A = arith.extui %eq3A_18 : i1 to i32
    %cond3A = arith.constant 0 : i32
    %cond3A_19 = arith.cmpi ne, %convert_element_type3A, %cond3A : i32
    scf.if %cond3A_19 {
      "tpu.region"() ({
        %run_scoped3A = tpu.sem_alloc : memref<!tpu.dma_semaphore, #tpu.memory_space<semaphore_mem>>
        %dma_start3A = arith.constant 0 : i32
        %dma_start3A_25 = tpu.memref_slice %arg6[%mul3A_2, %dma_start3A] : memref<10112x128xf32, #tpu.memory_space<hbm>> -> memref<632x128xf32, #tpu.memory_space<hbm>>
        %dma_start3A_26 = arith.constant 0 : i32
        %dma_start3A_27 = tpu.memref_slice %arg12[%mul3A_2, %dma_start3A_26] : memref<10112x128xf32, #tpu.memory_space<vmem_shared>> -> memref<632x128xf32, #tpu.memory_space<vmem_shared>>
        tpu.enqueue_dma source(%dma_start3A_27 : memref<632x128xf32, #tpu.memory_space<vmem_shared>>) target(%dma_start3A_25 : memref<632x128xf32, #tpu.memory_space<hbm>>) target_semaphore(%run_scoped3A : memref<!tpu.dma_semaphore, #tpu.memory_space<semaphore_mem>>)
        %dma_wait3A = arith.constant 0 : i32
        %dma_wait3A_28 = tpu.memref_slice %arg6[%mul3A_2, %dma_wait3A] : memref<10112x128xf32, #tpu.memory_space<hbm>> -> memref<632x128xf32, #tpu.memory_space<hbm>>
        %dma_wait3A_29 = arith.constant 0 : i32
        %dma_wait3A_30 = tpu.memref_slice %arg12[%mul3A_2, %dma_wait3A_29] : memref<10112x128xf32, #tpu.memory_space<vmem_shared>> -> memref<632x128xf32, #tpu.memory_space<vmem_shared>>
        tpu.wait_dma2 semaphore(%run_scoped3A : memref<!tpu.dma_semaphore, #tpu.memory_space<semaphore_mem>>) src(%dma_wait3A_30 : memref<632x128xf32, #tpu.memory_space<vmem_shared>>) dst(%dma_wait3A_28 : memref<632x128xf32, #tpu.memory_space<hbm>>)
        tpu.yield
      }) : () -> ()
    } else {
    }
    %eq3A_20 = arith.constant 1 : i32
    %eq3A_21 = arith.cmpi eq, %arg0, %eq3A_20 : i32
    %convert_element_type3A_22 = arith.extui %eq3A_21 : i1 to i32
    %cond3A_23 = arith.constant 0 : i32
    %cond3A_24 = arith.cmpi ne, %convert_element_type3A_22, %cond3A_23 : i32
    scf.if %cond3A_24 {
      "tpu.region"() ({
        %run_scoped3A = tpu.sem_alloc : memref<!tpu.dma_semaphore, #tpu.memory_space<semaphore_mem>>
        %dma_start3A = arith.constant 0 : i32
        %dma_start3A_25 = tpu.memref_slice %arg7[%mul3A_2, %dma_start3A] : memref<10112x128xf32, #tpu.memory_space<hbm>> -> memref<632x128xf32, #tpu.memory_space<hbm>>
        %dma_start3A_26 = arith.constant 0 : i32
        %dma_start3A_27 = tpu.memref_slice %arg12[%mul3A_2, %dma_start3A_26] : memref<10112x128xf32, #tpu.memory_space<vmem_shared>> -> memref<632x128xf32, #tpu.memory_space<vmem_shared>>
        tpu.enqueue_dma source(%dma_start3A_27 : memref<632x128xf32, #tpu.memory_space<vmem_shared>>) target(%dma_start3A_25 : memref<632x128xf32, #tpu.memory_space<hbm>>) target_semaphore(%run_scoped3A : memref<!tpu.dma_semaphore, #tpu.memory_space<semaphore_mem>>)
        %dma_wait3A = arith.constant 0 : i32
        %dma_wait3A_28 = tpu.memref_slice %arg7[%mul3A_2, %dma_wait3A] : memref<10112x128xf32, #tpu.memory_space<hbm>> -> memref<632x128xf32, #tpu.memory_space<hbm>>
        %dma_wait3A_29 = arith.constant 0 : i32
        %dma_wait3A_30 = tpu.memref_slice %arg12[%mul3A_2, %dma_wait3A_29] : memref<10112x128xf32, #tpu.memory_space<vmem_shared>> -> memref<632x128xf32, #tpu.memory_space<vmem_shared>>
        tpu.wait_dma2 semaphore(%run_scoped3A : memref<!tpu.dma_semaphore, #tpu.memory_space<semaphore_mem>>) src(%dma_wait3A_30 : memref<632x128xf32, #tpu.memory_space<vmem_shared>>) dst(%dma_wait3A_28 : memref<632x128xf32, #tpu.memory_space<hbm>>)
        tpu.yield
      }) : () -> ()
    } else {
    }
    return
  }
}

#map = affine_map<(d0, d1) -> (0, 0)>
module attributes {stable_mosaic.version = 14 : i64} {
  func.func @hop_kernel(%arg0: i32, %arg1: i32, %arg2: memref<10000x128xf32, #tpu.memory_space<hbm>>, %arg3: memref<2560x128xi32, #tpu.memory_space<hbm>>, %arg4: memref<2560x128xi32, #tpu.memory_space<hbm>>, %arg5: memref<128x128xf32, #tpu.memory_space<hbm>>, %arg6: memref<10112x128xf32, #tpu.memory_space<hbm>>, %arg7: memref<10112x128xf32, #tpu.memory_space<hbm>>, %arg8: memref<40x128xi32, #tpu.memory_space<vmem>>, %arg9: memref<40x128xi32, #tpu.memory_space<vmem>>, %arg10: memref<128x128xf32, #tpu.memory_space<vmem>>, %arg11: memref<128x128xf32, #tpu.memory_space<vmem>>, %arg12: memref<10112x128xf32, #tpu.memory_space<vmem_shared>>, %arg13: memref<!tpu.dma_semaphore, #tpu.memory_space<semaphore_mem>>, %arg14: memref<!tpu.dma_semaphore, #tpu.memory_space<semaphore_mem>>) attributes {dimension_semantics = [#tpu.dimension_semantics<core_parallel>, #tpu.dimension_semantics<subcore_parallel>], iteration_bounds = array<i64: 2, 16>, scalar_prefetch = 0 : i64, scratch_operands = 7 : i64, tpu.core_type = #tpu.core_type<sc_vector_subcore>, window_params = [{transform_indices = #map}, {transform_indices = #map}, {transform_indices = #map}, {transform_indices = #map}, {transform_indices = #map}, {transform_indices = #map}]} {
    %mul3A = arith.constant 16 : i32
    %mul3A_0 = arith.muli %arg0, %mul3A : i32
    %add3A = arith.addi %mul3A_0, %arg1 : i32
    "tpu.region"() ({
      %run_scoped3A = tpu.sem_alloc : memref<!tpu.dma_semaphore, #tpu.memory_space<semaphore_mem>>
      tpu.enqueue_dma source(%arg5 : memref<128x128xf32, #tpu.memory_space<hbm>>) target(%arg10 : memref<128x128xf32, #tpu.memory_space<vmem>>) target_semaphore(%run_scoped3A : memref<!tpu.dma_semaphore, #tpu.memory_space<semaphore_mem>>)
      tpu.wait_dma2 semaphore(%run_scoped3A : memref<!tpu.dma_semaphore, #tpu.memory_space<semaphore_mem>>) src(%arg5 : memref<128x128xf32, #tpu.memory_space<hbm>>) dst(%arg10 : memref<128x128xf32, #tpu.memory_space<vmem>>)
      tpu.yield
    }) : () -> ()
    %mul3A_1 = arith.constant 632 : i32
    %mul3A_2 = arith.muli %arg1, %mul3A_1 : i32
    %add3A_3 = arith.constant 0 : i32
    %add3A_4 = arith.addi %mul3A_2, %add3A_3 : i32
    "tpu.region"() ({
      %run_scoped3A = tpu.sem_alloc : memref<!tpu.dma_semaphore, #tpu.memory_space<semaphore_mem>>
      %dma_start3A = arith.constant 0 : i32
      %dma_start3A_25 = tpu.memref_slice %arg12[%add3A_4, %dma_start3A] : memref<10112x128xf32, #tpu.memory_space<vmem_shared>> -> memref<128x128xf32, #tpu.memory_space<vmem_shared>>
      %dma_start3A_26 = arith.constant 0 : i32
      %dma_start3A_27 = tpu.memref_slice %arg12[%add3A_4, %dma_start3A_26] : memref<10112x128xf32, #tpu.memory_space<vmem_shared>> -> memref<128x128xf32, #tpu.memory_space<vmem_shared>>
      tpu.enqueue_dma source(%arg10 : memref<128x128xf32, #tpu.memory_space<vmem>>) target(%dma_start3A_27 : memref<128x128xf32, #tpu.memory_space<vmem_shared>>) target_semaphore(%run_scoped3A : memref<!tpu.dma_semaphore, #tpu.memory_space<semaphore_mem>>)
      %dma_wait3A = arith.constant 0 : i32
      %dma_wait3A_28 = tpu.memref_slice %arg12[%add3A_4, %dma_wait3A] : memref<10112x128xf32, #tpu.memory_space<vmem_shared>> -> memref<128x128xf32, #tpu.memory_space<vmem_shared>>
      %dma_wait3A_29 = arith.constant 0 : i32
      %dma_wait3A_30 = tpu.memref_slice %arg12[%add3A_4, %dma_wait3A_29] : memref<10112x128xf32, #tpu.memory_space<vmem_shared>> -> memref<128x128xf32, #tpu.memory_space<vmem_shared>>
      tpu.wait_dma2 semaphore(%run_scoped3A : memref<!tpu.dma_semaphore, #tpu.memory_space<semaphore_mem>>) src(%arg10 : memref<128x128xf32, #tpu.memory_space<vmem>>) dst(%dma_wait3A_30 : memref<128x128xf32, #tpu.memory_space<vmem_shared>>)
      tpu.yield
    }) : () -> ()
    %add3A_5 = arith.constant 128 : i32
    %add3A_6 = arith.addi %mul3A_2, %add3A_5 : i32
    "tpu.region"() ({
      %run_scoped3A = tpu.sem_alloc : memref<!tpu.dma_semaphore, #tpu.memory_space<semaphore_mem>>
      %dma_start3A = arith.constant 0 : i32
      %dma_start3A_25 = tpu.memref_slice %arg12[%add3A_6, %dma_start3A] : memref<10112x128xf32, #tpu.memory_space<vmem_shared>> -> memref<128x128xf32, #tpu.memory_space<vmem_shared>>
      %dma_start3A_26 = arith.constant 0 : i32
      %dma_start3A_27 = tpu.memref_slice %arg12[%add3A_6, %dma_start3A_26] : memref<10112x128xf32, #tpu.memory_space<vmem_shared>> -> memref<128x128xf32, #tpu.memory_space<vmem_shared>>
      tpu.enqueue_dma source(%arg10 : memref<128x128xf32, #tpu.memory_space<vmem>>) target(%dma_start3A_27 : memref<128x128xf32, #tpu.memory_space<vmem_shared>>) target_semaphore(%run_scoped3A : memref<!tpu.dma_semaphore, #tpu.memory_space<semaphore_mem>>)
      %dma_wait3A = arith.constant 0 : i32
      %dma_wait3A_28 = tpu.memref_slice %arg12[%add3A_6, %dma_wait3A] : memref<10112x128xf32, #tpu.memory_space<vmem_shared>> -> memref<128x128xf32, #tpu.memory_space<vmem_shared>>
      %dma_wait3A_29 = arith.constant 0 : i32
      %dma_wait3A_30 = tpu.memref_slice %arg12[%add3A_6, %dma_wait3A_29] : memref<10112x128xf32, #tpu.memory_space<vmem_shared>> -> memref<128x128xf32, #tpu.memory_space<vmem_shared>>
      tpu.wait_dma2 semaphore(%run_scoped3A : memref<!tpu.dma_semaphore, #tpu.memory_space<semaphore_mem>>) src(%arg10 : memref<128x128xf32, #tpu.memory_space<vmem>>) dst(%dma_wait3A_30 : memref<128x128xf32, #tpu.memory_space<vmem_shared>>)
      tpu.yield
    }) : () -> ()
    %add3A_7 = arith.constant 256 : i32
    %add3A_8 = arith.addi %mul3A_2, %add3A_7 : i32
    "tpu.region"() ({
      %run_scoped3A = tpu.sem_alloc : memref<!tpu.dma_semaphore, #tpu.memory_space<semaphore_mem>>
      %dma_start3A = arith.constant 0 : i32
      %dma_start3A_25 = tpu.memref_slice %arg12[%add3A_8, %dma_start3A] : memref<10112x128xf32, #tpu.memory_space<vmem_shared>> -> memref<128x128xf32, #tpu.memory_space<vmem_shared>>
      %dma_start3A_26 = arith.constant 0 : i32
      %dma_start3A_27 = tpu.memref_slice %arg12[%add3A_8, %dma_start3A_26] : memref<10112x128xf32, #tpu.memory_space<vmem_shared>> -> memref<128x128xf32, #tpu.memory_space<vmem_shared>>
      tpu.enqueue_dma source(%arg10 : memref<128x128xf32, #tpu.memory_space<vmem>>) target(%dma_start3A_27 : memref<128x128xf32, #tpu.memory_space<vmem_shared>>) target_semaphore(%run_scoped3A : memref<!tpu.dma_semaphore, #tpu.memory_space<semaphore_mem>>)
      %dma_wait3A = arith.constant 0 : i32
      %dma_wait3A_28 = tpu.memref_slice %arg12[%add3A_8, %dma_wait3A] : memref<10112x128xf32, #tpu.memory_space<vmem_shared>> -> memref<128x128xf32, #tpu.memory_space<vmem_shared>>
      %dma_wait3A_29 = arith.constant 0 : i32
      %dma_wait3A_30 = tpu.memref_slice %arg12[%add3A_8, %dma_wait3A_29] : memref<10112x128xf32, #tpu.memory_space<vmem_shared>> -> memref<128x128xf32, #tpu.memory_space<vmem_shared>>
      tpu.wait_dma2 semaphore(%run_scoped3A : memref<!tpu.dma_semaphore, #tpu.memory_space<semaphore_mem>>) src(%arg10 : memref<128x128xf32, #tpu.memory_space<vmem>>) dst(%dma_wait3A_30 : memref<128x128xf32, #tpu.memory_space<vmem_shared>>)
      tpu.yield
    }) : () -> ()
    %add3A_9 = arith.constant 384 : i32
    %add3A_10 = arith.addi %mul3A_2, %add3A_9 : i32
    "tpu.region"() ({
      %run_scoped3A = tpu.sem_alloc : memref<!tpu.dma_semaphore, #tpu.memory_space<semaphore_mem>>
      %dma_start3A = arith.constant 0 : i32
      %dma_start3A_25 = tpu.memref_slice %arg12[%add3A_10, %dma_start3A] : memref<10112x128xf32, #tpu.memory_space<vmem_shared>> -> memref<128x128xf32, #tpu.memory_space<vmem_shared>>
      %dma_start3A_26 = arith.constant 0 : i32
      %dma_start3A_27 = tpu.memref_slice %arg12[%add3A_10, %dma_start3A_26] : memref<10112x128xf32, #tpu.memory_space<vmem_shared>> -> memref<128x128xf32, #tpu.memory_space<vmem_shared>>
      tpu.enqueue_dma source(%arg10 : memref<128x128xf32, #tpu.memory_space<vmem>>) target(%dma_start3A_27 : memref<128x128xf32, #tpu.memory_space<vmem_shared>>) target_semaphore(%run_scoped3A : memref<!tpu.dma_semaphore, #tpu.memory_space<semaphore_mem>>)
      %dma_wait3A = arith.constant 0 : i32
      %dma_wait3A_28 = tpu.memref_slice %arg12[%add3A_10, %dma_wait3A] : memref<10112x128xf32, #tpu.memory_space<vmem_shared>> -> memref<128x128xf32, #tpu.memory_space<vmem_shared>>
      %dma_wait3A_29 = arith.constant 0 : i32
      %dma_wait3A_30 = tpu.memref_slice %arg12[%add3A_10, %dma_wait3A_29] : memref<10112x128xf32, #tpu.memory_space<vmem_shared>> -> memref<128x128xf32, #tpu.memory_space<vmem_shared>>
      tpu.wait_dma2 semaphore(%run_scoped3A : memref<!tpu.dma_semaphore, #tpu.memory_space<semaphore_mem>>) src(%arg10 : memref<128x128xf32, #tpu.memory_space<vmem>>) dst(%dma_wait3A_30 : memref<128x128xf32, #tpu.memory_space<vmem_shared>>)
      tpu.yield
    }) : () -> ()
    %add3A_11 = arith.constant 512 : i32
    %add3A_12 = arith.addi %mul3A_2, %add3A_11 : i32
    "tpu.region"() ({
      %run_scoped3A = tpu.sem_alloc : memref<!tpu.dma_semaphore, #tpu.memory_space<semaphore_mem>>
      %dma_start3A = arith.constant 0 : i32
      %dma_start3A_25 = arith.constant 0 : i32
      %dma_start3A_26 = tpu.memref_slice %arg10[%dma_start3A, %dma_start3A_25] : memref<128x128xf32, #tpu.memory_space<vmem>> -> memref<120x128xf32, #tpu.memory_space<vmem>>
      %dma_start3A_27 = arith.constant 0 : i32
      %dma_start3A_28 = tpu.memref_slice %arg12[%add3A_12, %dma_start3A_27] : memref<10112x128xf32, #tpu.memory_space<vmem_shared>> -> memref<120x128xf32, #tpu.memory_space<vmem_shared>>
      %dma_start3A_29 = arith.constant 0 : i32
      %dma_start3A_30 = tpu.memref_slice %arg12[%add3A_12, %dma_start3A_29] : memref<10112x128xf32, #tpu.memory_space<vmem_shared>> -> memref<120x128xf32, #tpu.memory_space<vmem_shared>>
      %dma_start3A_31 = arith.constant 0 : i32
      %dma_start3A_32 = arith.constant 0 : i32
      %dma_start3A_33 = tpu.memref_slice %arg10[%dma_start3A_31, %dma_start3A_32] : memref<128x128xf32, #tpu.memory_space<vmem>> -> memref<120x128xf32, #tpu.memory_space<vmem>>
      tpu.enqueue_dma source(%dma_start3A_33 : memref<120x128xf32, #tpu.memory_space<vmem>>) target(%dma_start3A_30 : memref<120x128xf32, #tpu.memory_space<vmem_shared>>) target_semaphore(%run_scoped3A : memref<!tpu.dma_semaphore, #tpu.memory_space<semaphore_mem>>)
      %dma_wait3A = arith.constant 0 : i32
      %dma_wait3A_34 = arith.constant 0 : i32
      %dma_wait3A_35 = tpu.memref_slice %arg10[%dma_wait3A, %dma_wait3A_34] : memref<128x128xf32, #tpu.memory_space<vmem>> -> memref<120x128xf32, #tpu.memory_space<vmem>>
      %dma_wait3A_36 = arith.constant 0 : i32
      %dma_wait3A_37 = tpu.memref_slice %arg12[%add3A_12, %dma_wait3A_36] : memref<10112x128xf32, #tpu.memory_space<vmem_shared>> -> memref<120x128xf32, #tpu.memory_space<vmem_shared>>
      %dma_wait3A_38 = arith.constant 0 : i32
      %dma_wait3A_39 = tpu.memref_slice %arg12[%add3A_12, %dma_wait3A_38] : memref<10112x128xf32, #tpu.memory_space<vmem_shared>> -> memref<120x128xf32, #tpu.memory_space<vmem_shared>>
      %dma_wait3A_40 = arith.constant 0 : i32
      %dma_wait3A_41 = arith.constant 0 : i32
      %dma_wait3A_42 = tpu.memref_slice %arg10[%dma_wait3A_40, %dma_wait3A_41] : memref<128x128xf32, #tpu.memory_space<vmem>> -> memref<120x128xf32, #tpu.memory_space<vmem>>
      tpu.wait_dma2 semaphore(%run_scoped3A : memref<!tpu.dma_semaphore, #tpu.memory_space<semaphore_mem>>) src(%dma_wait3A_42 : memref<120x128xf32, #tpu.memory_space<vmem>>) dst(%dma_wait3A_39 : memref<120x128xf32, #tpu.memory_space<vmem_shared>>)
      tpu.yield
    }) : () -> ()
    %barrier3A = arith.constant 0 : index
    tpu.barrier barrier_id(%barrier3A)
    %scan3A = arith.constant 0 : i32
    %scan3A_13 = arith.constant 2 : i32
    %scan3A_14 = arith.addi %scan3A, %scan3A_13 : i32
    %scan3A_15 = arith.constant 1 : i32
    scf.for %scan3A_25 = %scan3A to %scan3A_14 step %scan3A_15  : i32 {
      %mul3A_26 = arith.constant 1 : i32
      %mul3A_27 = arith.muli %scan3A_25, %mul3A_26 : i32
      %add3A_28 = arith.constant 0 : i32
      %add3A_29 = arith.addi %add3A_28, %mul3A_27 : i32
      %mul3A_30 = arith.constant 80 : i32
      %mul3A_31 = arith.muli %add3A, %mul3A_30 : i32
      %mul3A_32 = arith.constant 40 : i32
      %mul3A_33 = arith.muli %add3A_29, %mul3A_32 : i32
      %add3A_34 = arith.addi %mul3A_31, %mul3A_33 : i32
      "tpu.region"() ({
        %run_scoped3A_67 = tpu.sem_alloc : memref<!tpu.dma_semaphore, #tpu.memory_space<semaphore_mem>>
        %dma_start3A_68 = arith.constant 0 : i32
        %dma_start3A_69 = tpu.memref_slice %arg3[%add3A_34, %dma_start3A_68] : memref<2560x128xi32, #tpu.memory_space<hbm>> -> memref<40x128xi32, #tpu.memory_space<hbm>>
        %dma_start3A_70 = arith.constant 0 : i32
        %dma_start3A_71 = tpu.memref_slice %arg3[%add3A_34, %dma_start3A_70] : memref<2560x128xi32, #tpu.memory_space<hbm>> -> memref<40x128xi32, #tpu.memory_space<hbm>>
        tpu.enqueue_dma source(%dma_start3A_71 : memref<40x128xi32, #tpu.memory_space<hbm>>) target(%arg8 : memref<40x128xi32, #tpu.memory_space<vmem>>) target_semaphore(%run_scoped3A_67 : memref<!tpu.dma_semaphore, #tpu.memory_space<semaphore_mem>>)
        %dma_wait3A_72 = arith.constant 0 : i32
        %dma_wait3A_73 = tpu.memref_slice %arg3[%add3A_34, %dma_wait3A_72] : memref<2560x128xi32, #tpu.memory_space<hbm>> -> memref<40x128xi32, #tpu.memory_space<hbm>>
        %dma_wait3A_74 = arith.constant 0 : i32
        %dma_wait3A_75 = tpu.memref_slice %arg3[%add3A_34, %dma_wait3A_74] : memref<2560x128xi32, #tpu.memory_space<hbm>> -> memref<40x128xi32, #tpu.memory_space<hbm>>
        tpu.wait_dma2 semaphore(%run_scoped3A_67 : memref<!tpu.dma_semaphore, #tpu.memory_space<semaphore_mem>>) src(%dma_wait3A_75 : memref<40x128xi32, #tpu.memory_space<hbm>>) dst(%arg8 : memref<40x128xi32, #tpu.memory_space<vmem>>)
        tpu.yield
      }) : () -> ()
      "tpu.region"() ({
        %run_scoped3A_67 = tpu.sem_alloc : memref<!tpu.dma_semaphore, #tpu.memory_space<semaphore_mem>>
        %dma_start3A_68 = arith.constant 0 : i32
        %dma_start3A_69 = tpu.memref_slice %arg4[%add3A_34, %dma_start3A_68] : memref<2560x128xi32, #tpu.memory_space<hbm>> -> memref<40x128xi32, #tpu.memory_space<hbm>>
        %dma_start3A_70 = arith.constant 0 : i32
        %dma_start3A_71 = tpu.memref_slice %arg4[%add3A_34, %dma_start3A_70] : memref<2560x128xi32, #tpu.memory_space<hbm>> -> memref<40x128xi32, #tpu.memory_space<hbm>>
        tpu.enqueue_dma source(%dma_start3A_71 : memref<40x128xi32, #tpu.memory_space<hbm>>) target(%arg9 : memref<40x128xi32, #tpu.memory_space<vmem>>) target_semaphore(%run_scoped3A_67 : memref<!tpu.dma_semaphore, #tpu.memory_space<semaphore_mem>>)
        %dma_wait3A_72 = arith.constant 0 : i32
        %dma_wait3A_73 = tpu.memref_slice %arg4[%add3A_34, %dma_wait3A_72] : memref<2560x128xi32, #tpu.memory_space<hbm>> -> memref<40x128xi32, #tpu.memory_space<hbm>>
        %dma_wait3A_74 = arith.constant 0 : i32
        %dma_wait3A_75 = tpu.memref_slice %arg4[%add3A_34, %dma_wait3A_74] : memref<2560x128xi32, #tpu.memory_space<hbm>> -> memref<40x128xi32, #tpu.memory_space<hbm>>
        tpu.wait_dma2 semaphore(%run_scoped3A_67 : memref<!tpu.dma_semaphore, #tpu.memory_space<semaphore_mem>>) src(%dma_wait3A_75 : memref<40x128xi32, #tpu.memory_space<hbm>>) dst(%arg9 : memref<40x128xi32, #tpu.memory_space<vmem>>)
        tpu.yield
      }) : () -> ()
      %dma_start3A = arith.constant 0 : i32
      %dma_start3A_35 = arith.constant 0 : i32
      %dma_start3A_36 = tpu.memref_slice %arg8[%dma_start3A, %dma_start3A_35] : memref<40x128xi32, #tpu.memory_space<vmem>> -> memref<1x128xi32, #tpu.memory_space<vmem>>
      %dma_start3A_37 = tpu.memref_squeeze %dma_start3A_36 : memref<1x128xi32, #tpu.memory_space<vmem>> -> memref<128xi32, #tpu.memory_space<vmem>>
      %dma_start3A_38 = arith.constant 0 : i32
      %dma_start3A_39 = arith.constant 0 : i32
      %dma_start3A_40 = tpu.memref_slice %arg2[%dma_start3A_38, %dma_start3A_39] : memref<10000x128xf32, #tpu.memory_space<hbm>> -> memref<10000x128xf32, #tpu.memory_space<hbm>>
      tpu.enqueue_indirect_dma source(%dma_start3A_40 : memref<10000x128xf32, #tpu.memory_space<hbm>>) target(%arg10 : memref<128x128xf32, #tpu.memory_space<vmem>>) offsets(%dma_start3A_37 : memref<128xi32, #tpu.memory_space<vmem>>) semaphore(%arg13 : memref<!tpu.dma_semaphore, #tpu.memory_space<semaphore_mem>>)
      %dma_start3A_41 = arith.constant 1 : i32
      %dma_start3A_42 = arith.constant 0 : i32
      %dma_start3A_43 = tpu.memref_slice %arg8[%dma_start3A_41, %dma_start3A_42] : memref<40x128xi32, #tpu.memory_space<vmem>> -> memref<1x128xi32, #tpu.memory_space<vmem>>
      %dma_start3A_44 = tpu.memref_squeeze %dma_start3A_43 : memref<1x128xi32, #tpu.memory_space<vmem>> -> memref<128xi32, #tpu.memory_space<vmem>>
      %dma_start3A_45 = arith.constant 0 : i32
      %dma_start3A_46 = arith.constant 0 : i32
      %dma_start3A_47 = tpu.memref_slice %arg2[%dma_start3A_45, %dma_start3A_46] : memref<10000x128xf32, #tpu.memory_space<hbm>> -> memref<10000x128xf32, #tpu.memory_space<hbm>>
      tpu.enqueue_indirect_dma source(%dma_start3A_47 : memref<10000x128xf32, #tpu.memory_space<hbm>>) target(%arg11 : memref<128x128xf32, #tpu.memory_space<vmem>>) offsets(%dma_start3A_44 : memref<128xi32, #tpu.memory_space<vmem>>) semaphore(%arg14 : memref<!tpu.dma_semaphore, #tpu.memory_space<semaphore_mem>>)
      %scan3A_48 = arith.constant 0 : i32
      %scan3A_49 = arith.constant 19 : i32
      %scan3A_50 = arith.addi %scan3A_48, %scan3A_49 : i32
      %scan3A_51 = arith.constant 1 : i32
      scf.for %scan3A_67 = %scan3A_48 to %scan3A_50 step %scan3A_51  : i32 {
        %mul3A_68 = arith.constant 2 : i32
        %mul3A_69 = arith.muli %scan3A_67, %mul3A_68 : i32
        %add3A_70 = arith.constant 0 : i32
        %add3A_71 = arith.addi %add3A_70, %mul3A_69 : i32
        %add3A_72 = arith.constant 0 : i32
        %add3A_73 = arith.addi %add3A_71, %add3A_72 : i32
        %dma_wait3A_74 = arith.constant 0 : i32
        %dma_wait3A_75 = tpu.memref_slice %arg8[%add3A_73, %dma_wait3A_74] : memref<40x128xi32, #tpu.memory_space<vmem>> -> memref<1x128xi32, #tpu.memory_space<vmem>>
        %dma_wait3A_76 = tpu.memref_squeeze %dma_wait3A_75 : memref<1x128xi32, #tpu.memory_space<vmem>> -> memref<128xi32, #tpu.memory_space<vmem>>
        %dma_wait3A_77 = arith.constant 0 : i32
        %dma_wait3A_78 = arith.constant 0 : i32
        %dma_wait3A_79 = tpu.memref_slice %arg2[%dma_wait3A_77, %dma_wait3A_78] : memref<10000x128xf32, #tpu.memory_space<hbm>> -> memref<10000x128xf32, #tpu.memory_space<hbm>>
        tpu.wait_indirect_dma semaphore(%arg13 : memref<!tpu.dma_semaphore, #tpu.memory_space<semaphore_mem>>) src(%dma_wait3A_79 : memref<10000x128xf32, #tpu.memory_space<hbm>>) dst(%arg10 : memref<128x128xf32, #tpu.memory_space<vmem>>)
        %add3A_80 = arith.constant 0 : i32
        %add3A_81 = arith.addi %add3A_71, %add3A_80 : i32
        "tpu.region"() ({
          %run_scoped3A_112 = tpu.sem_alloc : memref<!tpu.dma_semaphore, #tpu.memory_space<semaphore_mem>>
          %dma_start3A_113 = arith.constant 0 : i32
          %dma_start3A_114 = tpu.memref_slice %arg9[%add3A_81, %dma_start3A_113] : memref<40x128xi32, #tpu.memory_space<vmem>> -> memref<1x128xi32, #tpu.memory_space<vmem>>
          %dma_start3A_115 = tpu.memref_squeeze %dma_start3A_114 : memref<1x128xi32, #tpu.memory_space<vmem>> -> memref<128xi32, #tpu.memory_space<vmem>>
          %dma_start3A_116 = arith.constant 0 : i32
          %dma_start3A_117 = arith.constant 0 : i32
          %dma_start3A_118 = tpu.memref_slice %arg12[%dma_start3A_116, %dma_start3A_117] : memref<10112x128xf32, #tpu.memory_space<vmem_shared>> -> memref<10112x128xf32, #tpu.memory_space<vmem_shared>>
          tpu.enqueue_indirect_dma source(%arg10 : memref<128x128xf32, #tpu.memory_space<vmem>>) target(%dma_start3A_118 : memref<10112x128xf32, #tpu.memory_space<vmem_shared>>) offsets(%dma_start3A_115 : memref<128xi32, #tpu.memory_space<vmem>>) semaphore(%run_scoped3A_112 : memref<!tpu.dma_semaphore, #tpu.memory_space<semaphore_mem>>) {add = true}
          %dma_wait3A_119 = arith.constant 0 : i32
          %dma_wait3A_120 = tpu.memref_slice %arg9[%add3A_81, %dma_wait3A_119] : memref<40x128xi32, #tpu.memory_space<vmem>> -> memref<1x128xi32, #tpu.memory_space<vmem>>
          %dma_wait3A_121 = tpu.memref_squeeze %dma_wait3A_120 : memref<1x128xi32, #tpu.memory_space<vmem>> -> memref<128xi32, #tpu.memory_space<vmem>>
          %dma_wait3A_122 = arith.constant 0 : i32
          %dma_wait3A_123 = arith.constant 0 : i32
          %dma_wait3A_124 = tpu.memref_slice %arg12[%dma_wait3A_122, %dma_wait3A_123] : memref<10112x128xf32, #tpu.memory_space<vmem_shared>> -> memref<10112x128xf32, #tpu.memory_space<vmem_shared>>
          tpu.wait_indirect_dma semaphore(%run_scoped3A_112 : memref<!tpu.dma_semaphore, #tpu.memory_space<semaphore_mem>>) src(%arg10 : memref<128x128xf32, #tpu.memory_space<vmem>>) dst(%dma_wait3A_124 : memref<10112x128xf32, #tpu.memory_space<vmem_shared>>)
          tpu.yield
        }) : () -> ()
        %add3A_82 = arith.constant 2 : i32
        %add3A_83 = arith.addi %add3A_71, %add3A_82 : i32
        %add3A_84 = arith.constant 0 : i32
        %add3A_85 = arith.addi %add3A_83, %add3A_84 : i32
        %dma_start3A_86 = arith.constant 0 : i32
        %dma_start3A_87 = tpu.memref_slice %arg8[%add3A_85, %dma_start3A_86] : memref<40x128xi32, #tpu.memory_space<vmem>> -> memref<1x128xi32, #tpu.memory_space<vmem>>
        %dma_start3A_88 = tpu.memref_squeeze %dma_start3A_87 : memref<1x128xi32, #tpu.memory_space<vmem>> -> memref<128xi32, #tpu.memory_space<vmem>>
        %dma_start3A_89 = arith.constant 0 : i32
        %dma_start3A_90 = arith.constant 0 : i32
        %dma_start3A_91 = tpu.memref_slice %arg2[%dma_start3A_89, %dma_start3A_90] : memref<10000x128xf32, #tpu.memory_space<hbm>> -> memref<10000x128xf32, #tpu.memory_space<hbm>>
        tpu.enqueue_indirect_dma source(%dma_start3A_91 : memref<10000x128xf32, #tpu.memory_space<hbm>>) target(%arg10 : memref<128x128xf32, #tpu.memory_space<vmem>>) offsets(%dma_start3A_88 : memref<128xi32, #tpu.memory_space<vmem>>) semaphore(%arg13 : memref<!tpu.dma_semaphore, #tpu.memory_space<semaphore_mem>>)
        %add3A_92 = arith.constant 1 : i32
        %add3A_93 = arith.addi %add3A_71, %add3A_92 : i32
        %dma_wait3A_94 = arith.constant 0 : i32
        %dma_wait3A_95 = tpu.memref_slice %arg8[%add3A_93, %dma_wait3A_94] : memref<40x128xi32, #tpu.memory_space<vmem>> -> memref<1x128xi32, #tpu.memory_space<vmem>>
        %dma_wait3A_96 = tpu.memref_squeeze %dma_wait3A_95 : memref<1x128xi32, #tpu.memory_space<vmem>> -> memref<128xi32, #tpu.memory_space<vmem>>
        %dma_wait3A_97 = arith.constant 0 : i32
        %dma_wait3A_98 = arith.constant 0 : i32
        %dma_wait3A_99 = tpu.memref_slice %arg2[%dma_wait3A_97, %dma_wait3A_98] : memref<10000x128xf32, #tpu.memory_space<hbm>> -> memref<10000x128xf32, #tpu.memory_space<hbm>>
        tpu.wait_indirect_dma semaphore(%arg14 : memref<!tpu.dma_semaphore, #tpu.memory_space<semaphore_mem>>) src(%dma_wait3A_99 : memref<10000x128xf32, #tpu.memory_space<hbm>>) dst(%arg11 : memref<128x128xf32, #tpu.memory_space<vmem>>)
        %add3A_100 = arith.constant 1 : i32
        %add3A_101 = arith.addi %add3A_71, %add3A_100 : i32
        "tpu.region"() ({
          %run_scoped3A_112 = tpu.sem_alloc : memref<!tpu.dma_semaphore, #tpu.memory_space<semaphore_mem>>
          %dma_start3A_113 = arith.constant 0 : i32
          %dma_start3A_114 = tpu.memref_slice %arg9[%add3A_101, %dma_start3A_113] : memref<40x128xi32, #tpu.memory_space<vmem>> -> memref<1x128xi32, #tpu.memory_space<vmem>>
          %dma_start3A_115 = tpu.memref_squeeze %dma_start3A_114 : memref<1x128xi32, #tpu.memory_space<vmem>> -> memref<128xi32, #tpu.memory_space<vmem>>
          %dma_start3A_116 = arith.constant 0 : i32
          %dma_start3A_117 = arith.constant 0 : i32
          %dma_start3A_118 = tpu.memref_slice %arg12[%dma_start3A_116, %dma_start3A_117] : memref<10112x128xf32, #tpu.memory_space<vmem_shared>> -> memref<10112x128xf32, #tpu.memory_space<vmem_shared>>
          tpu.enqueue_indirect_dma source(%arg11 : memref<128x128xf32, #tpu.memory_space<vmem>>) target(%dma_start3A_118 : memref<10112x128xf32, #tpu.memory_space<vmem_shared>>) offsets(%dma_start3A_115 : memref<128xi32, #tpu.memory_space<vmem>>) semaphore(%run_scoped3A_112 : memref<!tpu.dma_semaphore, #tpu.memory_space<semaphore_mem>>) {add = true}
          %dma_wait3A_119 = arith.constant 0 : i32
          %dma_wait3A_120 = tpu.memref_slice %arg9[%add3A_101, %dma_wait3A_119] : memref<40x128xi32, #tpu.memory_space<vmem>> -> memref<1x128xi32, #tpu.memory_space<vmem>>
          %dma_wait3A_121 = tpu.memref_squeeze %dma_wait3A_120 : memref<1x128xi32, #tpu.memory_space<vmem>> -> memref<128xi32, #tpu.memory_space<vmem>>
          %dma_wait3A_122 = arith.constant 0 : i32
          %dma_wait3A_123 = arith.constant 0 : i32
          %dma_wait3A_124 = tpu.memref_slice %arg12[%dma_wait3A_122, %dma_wait3A_123] : memref<10112x128xf32, #tpu.memory_space<vmem_shared>> -> memref<10112x128xf32, #tpu.memory_space<vmem_shared>>
          tpu.wait_indirect_dma semaphore(%run_scoped3A_112 : memref<!tpu.dma_semaphore, #tpu.memory_space<semaphore_mem>>) src(%arg11 : memref<128x128xf32, #tpu.memory_space<vmem>>) dst(%dma_wait3A_124 : memref<10112x128xf32, #tpu.memory_space<vmem_shared>>)
          tpu.yield
        }) : () -> ()
        %add3A_102 = arith.constant 2 : i32
        %add3A_103 = arith.addi %add3A_71, %add3A_102 : i32
        %add3A_104 = arith.constant 1 : i32
        %add3A_105 = arith.addi %add3A_103, %add3A_104 : i32
        %dma_start3A_106 = arith.constant 0 : i32
        %dma_start3A_107 = tpu.memref_slice %arg8[%add3A_105, %dma_start3A_106] : memref<40x128xi32, #tpu.memory_space<vmem>> -> memref<1x128xi32, #tpu.memory_space<vmem>>
        %dma_start3A_108 = tpu.memref_squeeze %dma_start3A_107 : memref<1x128xi32, #tpu.memory_space<vmem>> -> memref<128xi32, #tpu.memory_space<vmem>>
        %dma_start3A_109 = arith.constant 0 : i32
        %dma_start3A_110 = arith.constant 0 : i32
        %dma_start3A_111 = tpu.memref_slice %arg2[%dma_start3A_109, %dma_start3A_110] : memref<10000x128xf32, #tpu.memory_space<hbm>> -> memref<10000x128xf32, #tpu.memory_space<hbm>>
        tpu.enqueue_indirect_dma source(%dma_start3A_111 : memref<10000x128xf32, #tpu.memory_space<hbm>>) target(%arg11 : memref<128x128xf32, #tpu.memory_space<vmem>>) offsets(%dma_start3A_108 : memref<128xi32, #tpu.memory_space<vmem>>) semaphore(%arg14 : memref<!tpu.dma_semaphore, #tpu.memory_space<semaphore_mem>>)
      }
      %scan3A_52 = arith.constant 19 : i32
      %dma_wait3A = arith.constant 38 : i32
      %dma_wait3A_53 = arith.constant 0 : i32
      %dma_wait3A_54 = tpu.memref_slice %arg8[%dma_wait3A, %dma_wait3A_53] : memref<40x128xi32, #tpu.memory_space<vmem>> -> memref<1x128xi32, #tpu.memory_space<vmem>>
      %dma_wait3A_55 = tpu.memref_squeeze %dma_wait3A_54 : memref<1x128xi32, #tpu.memory_space<vmem>> -> memref<128xi32, #tpu.memory_space<vmem>>
      %dma_wait3A_56 = arith.constant 0 : i32
      %dma_wait3A_57 = arith.constant 0 : i32
      %dma_wait3A_58 = tpu.memref_slice %arg2[%dma_wait3A_56, %dma_wait3A_57] : memref<10000x128xf32, #tpu.memory_space<hbm>> -> memref<10000x128xf32, #tpu.memory_space<hbm>>
      tpu.wait_indirect_dma semaphore(%arg13 : memref<!tpu.dma_semaphore, #tpu.memory_space<semaphore_mem>>) src(%dma_wait3A_58 : memref<10000x128xf32, #tpu.memory_space<hbm>>) dst(%arg10 : memref<128x128xf32, #tpu.memory_space<vmem>>)
      %run_scoped3A = arith.constant 38 : i32
      "tpu.region"() ({
        %run_scoped3A_67 = tpu.sem_alloc : memref<!tpu.dma_semaphore, #tpu.memory_space<semaphore_mem>>
        %dma_start3A_68 = arith.constant 0 : i32
        %dma_start3A_69 = tpu.memref_slice %arg9[%run_scoped3A, %dma_start3A_68] : memref<40x128xi32, #tpu.memory_space<vmem>> -> memref<1x128xi32, #tpu.memory_space<vmem>>
        %dma_start3A_70 = tpu.memref_squeeze %dma_start3A_69 : memref<1x128xi32, #tpu.memory_space<vmem>> -> memref<128xi32, #tpu.memory_space<vmem>>
        %dma_start3A_71 = arith.constant 0 : i32
        %dma_start3A_72 = arith.constant 0 : i32
        %dma_start3A_73 = tpu.memref_slice %arg12[%dma_start3A_71, %dma_start3A_72] : memref<10112x128xf32, #tpu.memory_space<vmem_shared>> -> memref<10112x128xf32, #tpu.memory_space<vmem_shared>>
        tpu.enqueue_indirect_dma source(%arg10 : memref<128x128xf32, #tpu.memory_space<vmem>>) target(%dma_start3A_73 : memref<10112x128xf32, #tpu.memory_space<vmem_shared>>) offsets(%dma_start3A_70 : memref<128xi32, #tpu.memory_space<vmem>>) semaphore(%run_scoped3A_67 : memref<!tpu.dma_semaphore, #tpu.memory_space<semaphore_mem>>) {add = true}
        %dma_wait3A_74 = arith.constant 0 : i32
        %dma_wait3A_75 = tpu.memref_slice %arg9[%run_scoped3A, %dma_wait3A_74] : memref<40x128xi32, #tpu.memory_space<vmem>> -> memref<1x128xi32, #tpu.memory_space<vmem>>
        %dma_wait3A_76 = tpu.memref_squeeze %dma_wait3A_75 : memref<1x128xi32, #tpu.memory_space<vmem>> -> memref<128xi32, #tpu.memory_space<vmem>>
        %dma_wait3A_77 = arith.constant 0 : i32
        %dma_wait3A_78 = arith.constant 0 : i32
        %dma_wait3A_79 = tpu.memref_slice %arg12[%dma_wait3A_77, %dma_wait3A_78] : memref<10112x128xf32, #tpu.memory_space<vmem_shared>> -> memref<10112x128xf32, #tpu.memory_space<vmem_shared>>
        tpu.wait_indirect_dma semaphore(%run_scoped3A_67 : memref<!tpu.dma_semaphore, #tpu.memory_space<semaphore_mem>>) src(%arg10 : memref<128x128xf32, #tpu.memory_space<vmem>>) dst(%dma_wait3A_79 : memref<10112x128xf32, #tpu.memory_space<vmem_shared>>)
        tpu.yield
      }) : () -> ()
      %dma_wait3A_59 = arith.constant 39 : i32
      %dma_wait3A_60 = arith.constant 0 : i32
      %dma_wait3A_61 = tpu.memref_slice %arg8[%dma_wait3A_59, %dma_wait3A_60] : memref<40x128xi32, #tpu.memory_space<vmem>> -> memref<1x128xi32, #tpu.memory_space<vmem>>
      %dma_wait3A_62 = tpu.memref_squeeze %dma_wait3A_61 : memref<1x128xi32, #tpu.memory_space<vmem>> -> memref<128xi32, #tpu.memory_space<vmem>>
      %dma_wait3A_63 = arith.constant 0 : i32
      %dma_wait3A_64 = arith.constant 0 : i32
      %dma_wait3A_65 = tpu.memref_slice %arg2[%dma_wait3A_63, %dma_wait3A_64] : memref<10000x128xf32, #tpu.memory_space<hbm>> -> memref<10000x128xf32, #tpu.memory_space<hbm>>
      tpu.wait_indirect_dma semaphore(%arg14 : memref<!tpu.dma_semaphore, #tpu.memory_space<semaphore_mem>>) src(%dma_wait3A_65 : memref<10000x128xf32, #tpu.memory_space<hbm>>) dst(%arg11 : memref<128x128xf32, #tpu.memory_space<vmem>>)
      %run_scoped3A_66 = arith.constant 39 : i32
      "tpu.region"() ({
        %run_scoped3A_67 = tpu.sem_alloc : memref<!tpu.dma_semaphore, #tpu.memory_space<semaphore_mem>>
        %dma_start3A_68 = arith.constant 0 : i32
        %dma_start3A_69 = tpu.memref_slice %arg9[%run_scoped3A_66, %dma_start3A_68] : memref<40x128xi32, #tpu.memory_space<vmem>> -> memref<1x128xi32, #tpu.memory_space<vmem>>
        %dma_start3A_70 = tpu.memref_squeeze %dma_start3A_69 : memref<1x128xi32, #tpu.memory_space<vmem>> -> memref<128xi32, #tpu.memory_space<vmem>>
        %dma_start3A_71 = arith.constant 0 : i32
        %dma_start3A_72 = arith.constant 0 : i32
        %dma_start3A_73 = tpu.memref_slice %arg12[%dma_start3A_71, %dma_start3A_72] : memref<10112x128xf32, #tpu.memory_space<vmem_shared>> -> memref<10112x128xf32, #tpu.memory_space<vmem_shared>>
        tpu.enqueue_indirect_dma source(%arg11 : memref<128x128xf32, #tpu.memory_space<vmem>>) target(%dma_start3A_73 : memref<10112x128xf32, #tpu.memory_space<vmem_shared>>) offsets(%dma_start3A_70 : memref<128xi32, #tpu.memory_space<vmem>>) semaphore(%run_scoped3A_67 : memref<!tpu.dma_semaphore, #tpu.memory_space<semaphore_mem>>) {add = true}
        %dma_wait3A_74 = arith.constant 0 : i32
        %dma_wait3A_75 = tpu.memref_slice %arg9[%run_scoped3A_66, %dma_wait3A_74] : memref<40x128xi32, #tpu.memory_space<vmem>> -> memref<1x128xi32, #tpu.memory_space<vmem>>
        %dma_wait3A_76 = tpu.memref_squeeze %dma_wait3A_75 : memref<1x128xi32, #tpu.memory_space<vmem>> -> memref<128xi32, #tpu.memory_space<vmem>>
        %dma_wait3A_77 = arith.constant 0 : i32
        %dma_wait3A_78 = arith.constant 0 : i32
        %dma_wait3A_79 = tpu.memref_slice %arg12[%dma_wait3A_77, %dma_wait3A_78] : memref<10112x128xf32, #tpu.memory_space<vmem_shared>> -> memref<10112x128xf32, #tpu.memory_space<vmem_shared>>
        tpu.wait_indirect_dma semaphore(%run_scoped3A_67 : memref<!tpu.dma_semaphore, #tpu.memory_space<semaphore_mem>>) src(%arg11 : memref<128x128xf32, #tpu.memory_space<vmem>>) dst(%dma_wait3A_79 : memref<10112x128xf32, #tpu.memory_space<vmem_shared>>)
        tpu.yield
      }) : () -> ()
    }
    %scan3A_16 = arith.constant 2 : i32
    %barrier3A_17 = arith.constant 0 : index
    tpu.barrier barrier_id(%barrier3A_17)
    %eq3A = arith.constant 0 : i32
    %eq3A_18 = arith.cmpi eq, %arg0, %eq3A : i32
    %convert_element_type3A = arith.extui %eq3A_18 : i1 to i32
    %cond3A = arith.constant 0 : i32
    %cond3A_19 = arith.cmpi ne, %convert_element_type3A, %cond3A : i32
    scf.if %cond3A_19 {
      "tpu.region"() ({
        %run_scoped3A = tpu.sem_alloc : memref<!tpu.dma_semaphore, #tpu.memory_space<semaphore_mem>>
        %dma_start3A = arith.constant 0 : i32
        %dma_start3A_25 = tpu.memref_slice %arg6[%mul3A_2, %dma_start3A] : memref<10112x128xf32, #tpu.memory_space<hbm>> -> memref<632x128xf32, #tpu.memory_space<hbm>>
        %dma_start3A_26 = arith.constant 0 : i32
        %dma_start3A_27 = tpu.memref_slice %arg12[%mul3A_2, %dma_start3A_26] : memref<10112x128xf32, #tpu.memory_space<vmem_shared>> -> memref<632x128xf32, #tpu.memory_space<vmem_shared>>
        tpu.enqueue_dma source(%dma_start3A_27 : memref<632x128xf32, #tpu.memory_space<vmem_shared>>) target(%dma_start3A_25 : memref<632x128xf32, #tpu.memory_space<hbm>>) target_semaphore(%run_scoped3A : memref<!tpu.dma_semaphore, #tpu.memory_space<semaphore_mem>>)
        %dma_wait3A = arith.constant 0 : i32
        %dma_wait3A_28 = tpu.memref_slice %arg6[%mul3A_2, %dma_wait3A] : memref<10112x128xf32, #tpu.memory_space<hbm>> -> memref<632x128xf32, #tpu.memory_space<hbm>>
        %dma_wait3A_29 = arith.constant 0 : i32
        %dma_wait3A_30 = tpu.memref_slice %arg12[%mul3A_2, %dma_wait3A_29] : memref<10112x128xf32, #tpu.memory_space<vmem_shared>> -> memref<632x128xf32, #tpu.memory_space<vmem_shared>>
        tpu.wait_dma2 semaphore(%run_scoped3A : memref<!tpu.dma_semaphore, #tpu.memory_space<semaphore_mem>>) src(%dma_wait3A_30 : memref<632x128xf32, #tpu.memory_space<vmem_shared>>) dst(%dma_wait3A_28 : memref<632x128xf32, #tpu.memory_space<hbm>>)
        tpu.yield
      }) : () -> ()
    } else {
    }
    %eq3A_20 = arith.constant 1 : i32
    %eq3A_21 = arith.cmpi eq, %arg0, %eq3A_20 : i32
    %convert_element_type3A_22 = arith.extui %eq3A_21 : i1 to i32
    %cond3A_23 = arith.constant 0 : i32
    %cond3A_24 = arith.cmpi ne, %convert_element_type3A_22, %cond3A_23 : i32
    scf.if %cond3A_24 {
      "tpu.region"() ({
        %run_scoped3A = tpu.sem_alloc : memref<!tpu.dma_semaphore, #tpu.memory_space<semaphore_mem>>
        %dma_start3A = arith.constant 0 : i32
        %dma_start3A_25 = tpu.memref_slice %arg7[%mul3A_2, %dma_start3A] : memref<10112x128xf32, #tpu.memory_space<hbm>> -> memref<632x128xf32, #tpu.memory_space<hbm>>
        %dma_start3A_26 = arith.constant 0 : i32
        %dma_start3A_27 = tpu.memref_slice %arg12[%mul3A_2, %dma_start3A_26] : memref<10112x128xf32, #tpu.memory_space<vmem_shared>> -> memref<632x128xf32, #tpu.memory_space<vmem_shared>>
        tpu.enqueue_dma source(%dma_start3A_27 : memref<632x128xf32, #tpu.memory_space<vmem_shared>>) target(%dma_start3A_25 : memref<632x128xf32, #tpu.memory_space<hbm>>) target_semaphore(%run_scoped3A : memref<!tpu.dma_semaphore, #tpu.memory_space<semaphore_mem>>)
        %dma_wait3A = arith.constant 0 : i32
        %dma_wait3A_28 = tpu.memref_slice %arg7[%mul3A_2, %dma_wait3A] : memref<10112x128xf32, #tpu.memory_space<hbm>> -> memref<632x128xf32, #tpu.memory_space<hbm>>
        %dma_wait3A_29 = arith.constant 0 : i32
        %dma_wait3A_30 = tpu.memref_slice %arg12[%mul3A_2, %dma_wait3A_29] : memref<10112x128xf32, #tpu.memory_space<vmem_shared>> -> memref<632x128xf32, #tpu.memory_space<vmem_shared>>
        tpu.wait_dma2 semaphore(%run_scoped3A : memref<!tpu.dma_semaphore, #tpu.memory_space<semaphore_mem>>) src(%dma_wait3A_30 : memref<632x128xf32, #tpu.memory_space<vmem_shared>>) dst(%dma_wait3A_28 : memref<632x128xf32, #tpu.memory_space<hbm>>)
        tpu.yield
      }) : () -> ()
    } else {
    }
    return
  }
}

module attributes {stable_mosaic.version = 14 : i64} {
  func.func @body(%arg0: i32, %arg1: memref<2000x16xf32, #tpu.memory_space<vmem>>, %arg2: memref<2000x16xf32, #tpu.memory_space<vmem>>, %arg3: memref<2000x128xf32, #tpu.memory_space<vmem>>, %arg4: memref<2000x128xf32, #tpu.memory_space<vmem>>) attributes {dimension_semantics = [#tpu.dimension_semantics<arbitrary>], iteration_bounds = array<i64: 5>, scalar_prefetch = 0 : i64, scratch_operands = 0 : i64, tpu.core_type = #tpu.core_type<tc>, window_params = [{transform_indices = @transform_0, window_bounds = array<i64: 2000, 16>}, {transform_indices = @transform_1, window_bounds = array<i64: 2000, 16>}, {transform_indices = @transform_2, window_bounds = array<i64: 2000, 128>}, {transform_indices = @transform_3, window_bounds = array<i64: 2000, 128>}]} {
    %get3A = arith.constant 0 : index
    %get3A_0 = arith.constant 0 : index
    %get3A_1 = vector.load %arg3[%get3A, %get3A_0] : memref<2000x128xf32, #tpu.memory_space<vmem>>, vector<2000x128xf32>
    %get3A_2 = arith.constant 0 : index
    %get3A_3 = arith.constant 0 : index
    %get3A_4 = vector.load %arg1[%get3A_2, %get3A_3] : memref<2000x16xf32, #tpu.memory_space<vmem>>, vector<2000x1xf32>
    %get3A_5 = arith.constant 0 : index
    %get3A_6 = arith.constant 0 : index
    %get3A_7 = vector.load %arg2[%get3A_5, %get3A_6] : memref<2000x16xf32, #tpu.memory_space<vmem>>, vector<2000x1xf32>
    %add3A = arith.addf %get3A_4, %get3A_7 : vector<2000x1xf32>
    %add3A_8 = arith.constant 1.000000e+00 : f32
    %add3A_9 = vector.broadcast %add3A_8 : f32 to vector<2000x1xf32>
    %add3A_10 = arith.addf %add3A, %add3A_9 : vector<2000x1xf32>
    %rsqrt3A = math.rsqrt %add3A_10 : vector<2000x1xf32>
    %mul3A = vector.broadcast %rsqrt3A : vector<2000x1xf32> to vector<2000x128xf32>
    %mul3A_11 = arith.mulf %get3A_1, %mul3A : vector<2000x128xf32>
    %swap3A = arith.constant 0 : index
    %swap3A_12 = arith.constant 0 : index
    %swap3A_13 = vector.load %arg4[%swap3A, %swap3A_12] : memref<2000x128xf32, #tpu.memory_space<vmem>>, vector<2000x128xf32>
    tpu.vector_store %arg4[%swap3A, %swap3A_12], %mul3A_11 {strides = array<i32>} : memref<2000x128xf32, #tpu.memory_space<vmem>>, vector<2000x128xf32>,
    return
  }
  func.func @transform_0(%arg0: i32) -> (i32, i32) {
    %c0_i32 = arith.constant 0 : i32
    %c0_i32_0 = arith.constant 0 : i32
    return %arg0, %c0_i32 : i32, i32
  }
  func.func @transform_1(%arg0: i32) -> (i32, i32) {
    %c0_i32 = arith.constant 0 : i32
    %c0_i32_0 = arith.constant 0 : i32
    return %arg0, %c0_i32 : i32, i32
  }
  func.func @transform_2(%arg0: i32) -> (i32, i32) {
    %c0_i32 = arith.constant 0 : i32
    %c0_i32_0 = arith.constant 0 : i32
    return %arg0, %c0_i32 : i32, i32
  }
  func.func @transform_3(%arg0: i32) -> (i32, i32) {
    %c0_i32 = arith.constant 0 : i32
    %c0_i32_0 = arith.constant 0 : i32
    return %arg0, %c0_i32 : i32, i32
  }
}

module attributes {stable_mosaic.version = 14 : i64} {
  func.func @body(%arg0: i32, %arg1: memref<2000x16xf32, #tpu.memory_space<vmem>>, %arg2: memref<2000x16xf32, #tpu.memory_space<vmem>>, %arg3: memref<2000x128xf32, #tpu.memory_space<vmem>>, %arg4: memref<2000x128xf32, #tpu.memory_space<vmem>>, %arg5: memref<2000x128xf32, #tpu.memory_space<vmem>>, %arg6: memref<128x128xf32, #tpu.memory_space<vmem>>, %arg7: memref<8x128xf32, #tpu.memory_space<vmem>>, %arg8: memref<2000x128xf32, #tpu.memory_space<vmem>>) attributes {dimension_semantics = [#tpu.dimension_semantics<arbitrary>], iteration_bounds = array<i64: 5>, scalar_prefetch = 0 : i64, scratch_operands = 0 : i64, tpu.core_type = #tpu.core_type<tc>, window_params = [{transform_indices = @transform_0, window_bounds = array<i64: 2000, 16>}, {transform_indices = @transform_1, window_bounds = array<i64: 2000, 16>}, {transform_indices = @transform_2, window_bounds = array<i64: 2000, 128>}, {transform_indices = @transform_3, window_bounds = array<i64: 2000, 128>}, {transform_indices = @transform_4, window_bounds = array<i64: 2000, 128>}, {pipeline_mode = #tpu.pipeline_mode<synchronous>, transform_indices = @transform_5, window_bounds = array<i64: 128, 128>}, {pipeline_mode = #tpu.pipeline_mode<synchronous>, transform_indices = @transform_6, window_bounds = array<i64: 8, 128>}, {transform_indices = @transform_7, window_bounds = array<i64: 2000, 128>}]} {
    %get3A = arith.constant 0 : index
    %get3A_0 = arith.constant 0 : index
    %get3A_1 = vector.load %arg3[%get3A, %get3A_0] : memref<2000x128xf32, #tpu.memory_space<vmem>>, vector<2000x128xf32>
    %get3A_2 = arith.constant 0 : index
    %get3A_3 = arith.constant 0 : index
    %get3A_4 = vector.load %arg4[%get3A_2, %get3A_3] : memref<2000x128xf32, #tpu.memory_space<vmem>>, vector<2000x128xf32>
    %add3A = arith.addf %get3A_1, %get3A_4 : vector<2000x128xf32>
    %get3A_5 = arith.constant 0 : index
    %get3A_6 = arith.constant 0 : index
    %get3A_7 = vector.load %arg5[%get3A_5, %get3A_6] : memref<2000x128xf32, #tpu.memory_space<vmem>>, vector<2000x128xf32>
    %add3A_8 = arith.addf %add3A, %get3A_7 : vector<2000x128xf32>
    %get3A_9 = arith.constant 0 : index
    %get3A_10 = arith.constant 0 : index
    %get3A_11 = vector.load %arg1[%get3A_9, %get3A_10] : memref<2000x16xf32, #tpu.memory_space<vmem>>, vector<2000x1xf32>
    %get3A_12 = arith.constant 0 : index
    %get3A_13 = arith.constant 0 : index
    %get3A_14 = vector.load %arg2[%get3A_12, %get3A_13] : memref<2000x16xf32, #tpu.memory_space<vmem>>, vector<2000x1xf32>
    %add3A_15 = arith.addf %get3A_11, %get3A_14 : vector<2000x1xf32>
    %add3A_16 = arith.constant 1.000000e+00 : f32
    %add3A_17 = vector.broadcast %add3A_16 : f32 to vector<2000x1xf32>
    %add3A_18 = arith.addf %add3A_15, %add3A_17 : vector<2000x1xf32>
    %rsqrt3A = math.rsqrt %add3A_18 : vector<2000x1xf32>
    %mul3A = vector.broadcast %rsqrt3A : vector<2000x1xf32> to vector<2000x128xf32>
    %mul3A_19 = arith.mulf %add3A_8, %mul3A : vector<2000x128xf32>
    %get3A_20 = arith.constant 0 : index
    %get3A_21 = arith.constant 0 : index
    %get3A_22 = vector.load %arg6[%get3A_20, %get3A_21] : memref<128x128xf32, #tpu.memory_space<vmem>>, vector<128x128xf32>
    %dot_general3A = arith.constant dense<0.000000e+00> : vector<2000x128xf32>
    %dot_general3A_23 = tpu.matmul %mul3A_19, %get3A_22, %dot_general3A {dimension_numbers = #tpu.dot_dimension_numbers<[1], [0], [0], [1], [0, 0, 1, 1], [], []>, transpose_lhs_hint = false} : vector<2000x128xf32>, vector<128x128xf32>, vector<2000x128xf32> -> vector<2000x128xf32>
    %get3A_24 = arith.constant 0 : index
    %get3A_25 = arith.constant 0 : index
    %get3A_26 = vector.load %arg7[%get3A_24, %get3A_25] : memref<8x128xf32, #tpu.memory_space<vmem>>, vector<1x128xf32>
    %add3A_27 = vector.broadcast %get3A_26 : vector<1x128xf32> to vector<2000x128xf32>
    %add3A_28 = arith.addf %dot_general3A_23, %add3A_27 : vector<2000x128xf32>
    %swap3A = arith.constant 0 : index
    %swap3A_29 = arith.constant 0 : index
    %swap3A_30 = vector.load %arg8[%swap3A, %swap3A_29] : memref<2000x128xf32, #tpu.memory_space<vmem>>, vector<2000x128xf32>
    tpu.vector_store %arg8[%swap3A, %swap3A_29], %add3A_28 {strides = array<i32>} : memref<2000x128xf32, #tpu.memory_space<vmem>>, vector<2000x128xf32>,
    return
  }
  func.func @transform_0(%arg0: i32) -> (i32, i32) {
    %c0_i32 = arith.constant 0 : i32
    %c0_i32_0 = arith.constant 0 : i32
    return %arg0, %c0_i32 : i32, i32
  }
  func.func @transform_1(%arg0: i32) -> (i32, i32) {
    %c0_i32 = arith.constant 0 : i32
    %c0_i32_0 = arith.constant 0 : i32
    return %arg0, %c0_i32 : i32, i32
  }
  func.func @transform_2(%arg0: i32) -> (i32, i32) {
    %c0_i32 = arith.constant 0 : i32
    %c0_i32_0 = arith.constant 0 : i32
    return %arg0, %c0_i32 : i32, i32
  }
  func.func @transform_3(%arg0: i32) -> (i32, i32) {
    %c0_i32 = arith.constant 0 : i32
    %c0_i32_0 = arith.constant 0 : i32
    return %arg0, %c0_i32 : i32, i32
  }
  func.func @transform_4(%arg0: i32) -> (i32, i32) {
    %c0_i32 = arith.constant 0 : i32
    %c0_i32_0 = arith.constant 0 : i32
    return %arg0, %c0_i32 : i32, i32
  }
  func.func @transform_5(%arg0: i32) -> (i32, i32) {
    %c0_i32 = arith.constant 0 : i32
    %c0_i32_0 = arith.constant 0 : i32
    %c0_i32_1 = arith.constant 0 : i32
    return %c0_i32, %c0_i32_0 : i32, i32
  }
  func.func @transform_6(%arg0: i32) -> (i32, i32) {
    %c0_i32 = arith.constant 0 : i32
    %c0_i32_0 = arith.constant 0 : i32
    %c0_i32_1 = arith.constant 0 : i32
    return %c0_i32, %c0_i32_0 : i32, i32
  }
  func.func @transform_7(%arg0: i32) -> (i32, i32) {
    %c0_i32 = arith.constant 0 : i32
    %c0_i32_0 = arith.constant 0 : i32
    return %arg0, %c0_i32 : i32, i32
  }
}

module attributes {stable_mosaic.version = 14 : i64} {
  func.func @body(%arg0: i32, %arg1: memref<2000x16xf32, #tpu.memory_space<vmem>>, %arg2: memref<2000x16xf32, #tpu.memory_space<vmem>>, %arg3: memref<2000x128xf32, #tpu.memory_space<vmem>>, %arg4: memref<2000x128xf32, #tpu.memory_space<vmem>>, %arg5: memref<2000x128xf32, #tpu.memory_space<vmem>>, %arg6: memref<2000x128xf32, #tpu.memory_space<vmem>>) attributes {dimension_semantics = [#tpu.dimension_semantics<arbitrary>], iteration_bounds = array<i64: 5>, scalar_prefetch = 0 : i64, scratch_operands = 0 : i64, tpu.core_type = #tpu.core_type<tc>, window_params = [{transform_indices = @transform_0, window_bounds = array<i64: 2000, 16>}, {transform_indices = @transform_1, window_bounds = array<i64: 2000, 16>}, {transform_indices = @transform_2, window_bounds = array<i64: 2000, 128>}, {transform_indices = @transform_3, window_bounds = array<i64: 2000, 128>}, {transform_indices = @transform_4, window_bounds = array<i64: 2000, 128>}, {transform_indices = @transform_5, window_bounds = array<i64: 2000, 128>}]} {
    %get3A = arith.constant 0 : index
    %get3A_0 = arith.constant 0 : index
    %get3A_1 = vector.load %arg3[%get3A, %get3A_0] : memref<2000x128xf32, #tpu.memory_space<vmem>>, vector<2000x128xf32>
    %get3A_2 = arith.constant 0 : index
    %get3A_3 = arith.constant 0 : index
    %get3A_4 = vector.load %arg4[%get3A_2, %get3A_3] : memref<2000x128xf32, #tpu.memory_space<vmem>>, vector<2000x128xf32>
    %add3A = arith.addf %get3A_1, %get3A_4 : vector<2000x128xf32>
    %get3A_5 = arith.constant 0 : index
    %get3A_6 = arith.constant 0 : index
    %get3A_7 = vector.load %arg5[%get3A_5, %get3A_6] : memref<2000x128xf32, #tpu.memory_space<vmem>>, vector<2000x128xf32>
    %add3A_8 = arith.addf %add3A, %get3A_7 : vector<2000x128xf32>
    %get3A_9 = arith.constant 0 : index
    %get3A_10 = arith.constant 0 : index
    %get3A_11 = vector.load %arg1[%get3A_9, %get3A_10] : memref<2000x16xf32, #tpu.memory_space<vmem>>, vector<2000x1xf32>
    %get3A_12 = arith.constant 0 : index
    %get3A_13 = arith.constant 0 : index
    %get3A_14 = vector.load %arg2[%get3A_12, %get3A_13] : memref<2000x16xf32, #tpu.memory_space<vmem>>, vector<2000x1xf32>
    %add3A_15 = arith.addf %get3A_11, %get3A_14 : vector<2000x1xf32>
    %add3A_16 = arith.constant 1.000000e+00 : f32
    %add3A_17 = vector.broadcast %add3A_16 : f32 to vector<2000x1xf32>
    %add3A_18 = arith.addf %add3A_15, %add3A_17 : vector<2000x1xf32>
    %div3A = vector.broadcast %add3A_18 : vector<2000x1xf32> to vector<2000x128xf32>
    %div3A_19 = arith.divf %add3A_8, %div3A : vector<2000x128xf32>
    %swap3A = arith.constant 0 : index
    %swap3A_20 = arith.constant 0 : index
    %swap3A_21 = vector.load %arg6[%swap3A, %swap3A_20] : memref<2000x128xf32, #tpu.memory_space<vmem>>, vector<2000x128xf32>
    tpu.vector_store %arg6[%swap3A, %swap3A_20], %div3A_19 {strides = array<i32>} : memref<2000x128xf32, #tpu.memory_space<vmem>>, vector<2000x128xf32>,
    return
  }
  func.func @transform_0(%arg0: i32) -> (i32, i32) {
    %c0_i32 = arith.constant 0 : i32
    %c0_i32_0 = arith.constant 0 : i32
    return %arg0, %c0_i32 : i32, i32
  }
  func.func @transform_1(%arg0: i32) -> (i32, i32) {
    %c0_i32 = arith.constant 0 : i32
    %c0_i32_0 = arith.constant 0 : i32
    return %arg0, %c0_i32 : i32, i32
  }
  func.func @transform_2(%arg0: i32) -> (i32, i32) {
    %c0_i32 = arith.constant 0 : i32
    %c0_i32_0 = arith.constant 0 : i32
    return %arg0, %c0_i32 : i32, i32
  }
  func.func @transform_3(%arg0: i32) -> (i32, i32) {
    %c0_i32 = arith.constant 0 : i32
    %c0_i32_0 = arith.constant 0 : i32
    return %arg0, %c0_i32 : i32, i32
  }
  func.func @transform_4(%arg0: i32) -> (i32, i32) {
    %c0_i32 = arith.constant 0 : i32
    %c0_i32_0 = arith.constant 0 : i32
    return %arg0, %c0_i32 : i32, i32
  }
  func.func @transform_5(%arg0: i32) -> (i32, i32) {
    %c0_i32 = arith.constant 0 : i32
    %c0_i32_0 = arith.constant 0 : i32
    return %arg0, %c0_i32 : i32, i32
  }
}

</mosaic_0001>

<sc_bundles>
// kernel: kernel.11.cloned.1.call-start
scs
__scs_entry_jumppad:
0x0: {  	(pc) =	sbr.rel $0x88, $3  }
0x1: {  	(tag) =	ssettag $0x0;
	lr =	simm.s32 $0x1  }
0x2: {  	[smem:$0x3F9D] =	sst lr;
	_ =	strace $0xD0000000  }
0x3: {  	_ = 	snop  }
0x4: {  	_ = 	snop  }
0x5: {  	_ = 	snop  }
0x6: {  	_ = 	snop  }
0x7: {  	_ = 	snop  }
__scs_overlays_trampoline_lowered:
0x8: {  	[smem:$0x3FAC] =	sst s0  }
0x9: {  	[smem:$0x3FAD] =	sst s1  }
0xa: {  	[smem:$0x3FAE] =	sst s2  }
0xb: {  	[smem:$0x3FAF] =	sst s3  }
0xc: {  	[smem:$0x3FB0] =	sst s4  }
0xd: {  	[smem:$0x3FB1] =	sst s5  }
0xe: {  	[smem:$0x3FB2] =	sst s6  }
0xf: {  	[smem:$0x3FB3] =	sst s7  }
0x10: {  	[smem:$0x3FB4] =	sst s8  }
0x11: {  	[smem:$0x3FB5] =	sst s9;
	s0 =	simm.s32 @!p0 $0x0  }
0x12: {  	s1 =	sld [smem:$0x3F9B];
	s0 =	simm.s32 @p0 $0x1  }
0x13: {  	[smem:$0x3FB6] =	sst s0;
	s0 =	simm.s32 @!p1 $0x0  }
0x14: {  	s2 =	sld [smem:$0x3F9A];
	s0 =	simm.s32 @p1 $0x1  }
0x15: {  	[smem:$0x3FB7] =	sst s0;
	s0 =	simm.s32 @!p2 $0x0  }
0x16: {  	s3 =	sld [smem:$0x3FDB];
	s0 =	simm.s32 @p2 $0x1  }
0x17: {  	s4 =	simm.s32 $0x1BF5;
	[smem:$0x3FB9] =	sst s0  }
0x18: {  	s0 =	sld [smem:$0x3F9C];
	_ =	swait.ge [sflag:s4], $0x0  }
0x19: {  	s7 =	sld [smem:$0x3F9D]  }
0x1a: {  	s8 =	sadd.s32 $0xFFFFE003, lr  }
0x1b: {  	s9 =	sadd.s32 $0xFFFFFEF7, lr;
	s5 =	simm.s32 $0xFFFFFFFF;
	p2 =	slt.u32 s8, $0xFFFFF086  }
0x1c: {  	p1 =	slt.u32 s9, $0xF7A;
	s5 =	simm.s32 @!p2 $0x0  }
0x1d: {  	s5 =	simm.s32 @p1 $0x1;
	p0 =	seq.s32 s7, s2  }
0x1e: {  	s7 =	smul.u32 @!p0 $0xF7A, s2;
	p2 =	seq.s32 @!p0 s5, $0x0  }
0x1f: {  	s9 =	smul.u32 $0xF7A, s1;
	s8 =	simm.s32 @!p0 $0x1BF5;
	p2 =	por !p2, p0  }
0x20: {  	[sflag:s8] =	ssyncset.s32 @!p0 $0xFFFFF086;
	s6 =	sadd.s32 @!p0 s3, s7;
	s7 =	simm.s32 @!p0 $0x108  }
0x21: {  	s3 =	sadd.s32 s3, s9;
	s6 =	sadd.s32 @!p0 $0x88, s6;
	s7 =	simm.s32 @p2 $0x1082  }
0x22: {  	[simem:s7], [sflag:s8] =	dma.local @!p0 [hbm:s6], $0xF7A  }
0x23: {  	s9 =	sor.u32 $0xD0000000, s2;
	s6 =	simm.s32 $0x108;
	_ =	swait.ge @!p0 [sflag:s8], $0x0  }
0x24: {  	s3 =	sadd.s32 $0x88, s3;
	s6 =	simm.s32 @!p1 $0x1082;
	[sflag:s4] =	ssyncset.s32 $0xFFFFF086  }
0x25: {  	[simem:s6], [sflag:s4] =	dma.local [hbm:s3], $0xF7A  }
0x26: {  	[smem:$0x3F9D] =	sst s1;
	(tag) =	ssettag s2;
	_ =	strace s9  }
0x27: {  	s1 =	sld [smem:$0x3FAD]  }
0x28: {  	s2 =	sld [smem:$0x3FAE]  }
0x29: {  	s4 =	sld [smem:$0x3FB0]  }
0x2a: {  	p0 =	seq.s32 s5, $0x0;
	s5 =	sld [smem:$0x3FB1]  }
0x2b: {  	s6 =	sld [smem:$0x3FB2]  }
0x2c: {  	s7 =	sld [smem:$0x3FB3]  }
0x2d: {  	s3 =	simm.s32 $0x108;
	s8 =	sld [smem:$0x3FB4]  }
0x2e: {  	s3 =	simm.s32 @!p0 $0x1082;
	s9 =	sld [smem:$0x3FB5]  }
0x2f: {  	lr =	sadd.s32 s0, s3;
	s0 =	sld [smem:$0x3FAC]  }
0x30: {  	s3 =	sld [smem:$0x3FAF]  }
0x31: {  	[smem:$0x3FB8] =	sst s10  }
0x32: {  	s10 =	sld [smem:$0x3FB6];
	_ =	sdelay $0x3  }
0x33: {  	p0 =	seq.s32 s10, $0x1;
	s10 =	sld [smem:$0x3FB8];
	_ =	sdelay $0x3  }
0x34: {  	[smem:$0x3FB8] =	sst s10  }
0x35: {  	s10 =	sld [smem:$0x3FB7];
	_ =	sdelay $0x3  }
0x36: {  	p1 =	seq.s32 s10, $0x1;
	s10 =	sld [smem:$0x3FB8];
	_ =	sdelay $0x3  }
0x37: {  	[smem:$0x3FB8] =	sst s10  }
0x38: {  	s10 =	sld [smem:$0x3FB9]  }
0x39: {  	_ = 	snop;
	(pc) =	sbr.ind lr, $3  }
0x3a: {  	_ = 	snop  }
0x3b: {  	_ = 	snop  }
0x3c: {  	p2 =	seq.s32 s10, $0x1;
	s10 =	sld [smem:$0x3FB8]  }
0x3d: {  	_ =	shalt  }
0x3e: {  	_ =	shalt  }
0x3f: {  	_ =	shalt  }
0x40: {  	_ =	shalt  }
0x41: {  	_ =	shalt  }
0x42: {  	_ =	shalt  }
0x43: {  	_ =	shalt  }
0x44: {  	_ =	shalt  }
0x45: {  	_ =	shalt  }
0x46: {  	_ =	shalt  }
0x47: {  	_ =	shalt  }
0x48: {  	_ =	shalt  }
0x49: {  	_ =	shalt  }
0x4a: {  	_ =	shalt  }
0x4b: {  	_ =	shalt  }
0x4c: {  	_ =	shalt  }
0x4d: {  	_ =	shalt  }
0x4e: {  	_ =	shalt  }
0x4f: {  	_ =	shalt  }
0x50: {  	_ =	shalt  }
0x51: {  	_ =	shalt  }
0x52: {  	_ =	shalt  }
0x53: {  	_ =	shalt  }
0x54: {  	_ =	shalt  }
0x55: {  	_ =	shalt  }
0x56: {  	_ =	shalt  }
0x57: {  	_ =	shalt  }
0x58: {  	_ =	shalt  }
0x59: {  	_ =	shalt  }
0x5a: {  	_ =	shalt  }
0x5b: {  	_ =	shalt  }
0x5c: {  	_ =	shalt  }
0x5d: {  	_ =	shalt  }
0x5e: {  	_ =	shalt  }
0x5f: {  	_ =	shalt  }
0x60: {  	_ =	shalt  }
0x61: {  	_ =	shalt  }
0x62: {  	_ =	shalt  }
0x63: {  	_ =	shalt  }
0x64: {  	_ =	shalt  }
0x65: {  	_ =	shalt  }
0x66: {  	_ =	shalt  }
0x67: {  	_ =	shalt  }
0x68: {  	_ =	shalt  }
0x69: {  	_ =	shalt  }
0x6a: {  	_ =	shalt  }
0x6b: {  	_ =	shalt  }
0x6c: {  	_ =	shalt  }
0x6d: {  	_ =	shalt  }
0x6e: {  	_ =	shalt  }
0x6f: {  	_ =	shalt  }
0x70: {  	_ =	shalt  }
0x71: {  	_ =	shalt  }
0x72: {  	_ =	shalt  }
0x73: {  	_ =	shalt  }
0x74: {  	_ =	shalt  }
0x75: {  	_ =	shalt  }
0x76: {  	_ =	shalt  }
0x77: {  	_ =	shalt  }
0x78: {  	_ =	shalt  }
0x79: {  	_ =	shalt  }
0x7a: {  	_ =	shalt  }
0x7b: {  	_ =	shalt  }
0x7c: {  	_ =	shalt  }
0x7d: {  	_ =	shalt  }
0x7e: {  	_ =	shalt  }
0x7f: {  	_ =	shalt  }
0x80: {  	_ =	shalt  }
0x81: {  	_ =	shalt  }
0x82: {  	_ =	shalt  }
0x83: {  	_ =	shalt  }
0x84: {  	_ =	shalt  }
0x85: {  	_ =	shalt  }
0x86: {  	_ =	shalt  }
0x87: {  	_ =	shalt  }
.Lfunc_end0:
.L_simem_size_0:
called_computation.1_lowered:
.L_overlay_start_0:
0x88: {  	s2 =	sld [smem:$0x3FD9]  }
0x89: {  	s3 =	sld [smem:$0x3FFE];
	_ =	sdelay $0x1  }
0x8a: {  	s1 =	srdreg.scid  }
0x8b: {  	s0 =	sand.u32 $0x1, s1  }
0x8c: {  	s17 =	sshll.u32 s0, $0xA;
	s2 =	sadd.s32 s3, s2  }
0x8d: {  	s2 =	sadd.s32 s2, s17  }
0x8e: {  	[smem:$0x3FC4] =	sst s2  }
0x8f: {  	_ = 	snop  }
0x90: {  	s2 =	sld [smem:$0x3FD0];
	(tm) =	ssettm $0x1  }
0x91: {  	s18 =	sld [smem:$0x3FFB];
	_ =	sdelay $0x3  }
0x92: {  	_ =	strace s18  }
0x93: {  	s3 =	sld [smem:$0x3FFC];
	_ =	sdelay $0x3  }
0x94: {  	_ =	strace s3  }
0x95: {  	s3 =	sld [smem:$0x3FFD];
	_ =	sdelay $0x3  }
0x96: {  	_ =	strace s3  }
0x97: {  	_ =	strace $0x8FFFFFFF  }
0x98: {  	s19 =	sld [smem:$0x3FDB];
	_ =	sdelay $0x1  }
0x99: {  	s4 =	simm.s32 $_scs_section_size  }
0x9a: {  	s5 =	simm.s32 $_size__tile_overlayer_lowered;
	s6 =	simm.s32 $_tile_overlayer_lowered  }
0x9b: {  	s22 =	simm.s32 $0x1BFF;
	s21 =	sshll.u32 s6, $0x1;
	s3 =	sadd.s32 s4, s19  }
0x9c: {  	s7 =	simm.s32 $0x0;
	s20 =	sshll.u32 s5, $0x1;
	s5 =	sadd.s32 s21, s3  }
0x9d: {  	[timem:s7], [sflag:s22] =	dma.local [hbm:s5], s20  }
0x9e: {  	_ =	swait.ge [sflag:s22], s20  }
0x9f: {  	s4 =	ssub.s32 $0x0, s20;
	[sflag:s22] =	ssyncset.done $0x0  }
0xa0: {  	[sflag:s22] =	ssyncadd.s32 s4;
	_ =	sdelay $0x1  }
0xa1: {  	s23 =	simm.s32 $0x1B8B  }
0xa2: {  	_ =	swait.ge [sflag:s23], $0x1  }
0xa3: {  	[sflag:s23] =	ssyncset.done $0x0  }
0xa4: {  	s25 =	simm.s32 $0x1B8E;
	s24 =	sld [smem:$0x3FFE];
	[sflag:s23] =	ssyncadd.s32 $0xFFFFFFFF  }
0xa5: {  	s26 =	simm.s32 $execute0_lowered;
	[smem:$0x3FD2] =	sst s25  }
0xa6: {  	s5 =	sshll.u32 s26, $0x1;
	_ =	strace $0x80000049;
	[dreg:$0x1] =	wrdreg $0xFFFFFFFF  }
0xa7: {  	s28 =	simm.s32 $_size_execute0_lowered;
	s3 =	sadd.s32 s3, s5;
	[dreg:$0x0] =	wrdreg $0x0  }
0xa8: {  	s5 =	sshll.u32 s28, $0x1;
	[dreg:$0x2] =	wrdreg s3  }
0xa9: {  	[dreg:$0x3] =	wrdreg s5  }
0xaa: {  	[dreg:$0x4] =	wrdreg $0xC0  }
0xab: {  	_ =	task [dreg:s7], $0x5FFFF  }
0xac: {  	[dreg:$0x1] =	wrdreg $0xFFFFFFFF  }
0xad: {  	[dreg:$0x0] =	wrdreg $0x60  }
0xae: {  	[dreg:$0x2] =	wrdreg s2  }
0xaf: {  	[dreg:$0x3] =	wrdreg s24  }
0xb0: {  	[dreg:$0x4] =	wrdreg $0xA8000  }
0xb1: {  	[dreg:$0x5] =	wrdreg $0x9  }
0xb2: {  	_ =	task.clear_ibuf [dreg:s7], $0x6FFFF;
	_ =	strace $0x90000049  }
0xb3: {  	s29 =	simm.s32 $0x9;
	_ =	strace $0x8000004B  }
0xb4: {  	_ =	swait.ge [sflag:s29], $0x1  }
0xb5: {  	[sflag:s29] =	ssyncadd.s32 $0xFFFFFFFF  }
0xb6: {  	_ =	strace $0x9000004B  }
0xb7: {  	_ =	sfence  }
0xb8: {  	s30 =	sld [smem:$0x0];
	_ =	sdelay $0x2  }
0xb9: {  	s31 =	sshll.u32 s1, $0xD;
	s1 =	sshrl.u32 s1, $0x2  }
0xba: {  	s3 =	sand.u32 $0x4000, s31;
	s1 =	sadd.s32 s1, s30  }
0xbb: {  	s0 =	sor.u32 s3, s0;
	s1 =	sshll.u32 s1, $0x11  }
0xbc: {  	s0 =	sor.u32 s1, s0  }
0xbd: {  	s0 =	sadd.s32 $0x8F2B, s0  }
0xbe: {  	[sflag:s0] =	ssyncadd.remote.s32 $0x1  }
0xbf: {  	_ =	sfence.sel $0xFFFF  }
0xc0: {  	[dreg:$0x0] =	wrdreg $0xFFFFFFFF;
	(pc) =	sbr.abs _section_cstart, $3  }
0xc1: {  	[dreg:$0x1] =	wrdreg $0xFFFFFFFF  }
0xc2: {  	_ =	task.clear_ibuf [dreg:s7], $0x2FFFF;
	_ =	strace $0x9FFFFFFF  }
0xc3: {  	(tm) =	ssettm $0x7FFFFFFF  }
tec
execute0_lowered:
.L_overlay_start_1:
0x0: {  	(tag) =	ssettag $0x1  }
0x1: {  	s1 =	rddreg [dreg:$0x0]  }
0x2: {  	s15 =	rddreg [dreg:$0x1]  }
0x3: {  	s2 =	rddreg [dreg:$0x2]  }
0x4: {  	s0 =	rddreg [dreg:$0x3];
	s4 =	simm.s32 $0x0;
	s5 =	srdreg.scid  }
0x5: {  	s3 =	stileid.u32;
	s18 =	simm.s32 $0x3F400;
	s20 =	simm.s32 $0x80  }
0x6: {  	s21 =	simm.s32 $0x6800;
	s22 =	simm.s32 $0x1;
	s23 =	simm.s32 $0x2  }
0x7: {  	s24 =	simm.s32 $0x2700;
	s25 =	simm.s32 $0x2780;
	s26 =	simm.s32 $0x0  }
0x8: {  	[smem:$0x7FF] =	sst s4;
	s14 =	sadd.s32 $0xD400, s15;
	s11 =	sand.u32 $0x1, s5  }
0x9: {  	s6 =	smul.u32 $0x4F000, s3;
	s16 =	sadd.s32 $0x3400, s15;
	s5 =	sadd.s32 $0x17400, s15  }
0xa: {  	s17 =	smul.u32 $0x2780, s3;
	_ =	strace $0x8000004A;
	s7 =	ssub.s32 $0x2, s11  }
0xb: {  	s9 =	sshll.u32 s11, $0x4;
	p0 =	seq.s32 s11, $0x1;
	s8 =	sshrl.u32 s7, $0x1  }
0xc: {  	s6 =	sshrl.u32 s6, $0x2;
	s13 =	sor.u32 s3, s9;
	s18 =	simm.s32 @!p0 $0x17C00  }
0xd: {  	s12 =	ssub.s32 s7, s8;
	s6 =	sadd.s32 s6, s2;
	s13 =	smul.u32 $0x500, s13  }
0xe: {  	s18 =	sadd.s32 s18, s15;
	s7 =	sadd.s32 $0x4000, s6;
	s8 =	sadd.s32 $0x8000, s6  }
0xf: {  	s9 =	sadd.s32 $0xC000, s6;
	s10 =	sadd.s32 $0x10000, s6;
	s11 =	smax.u32 s12, $0x1  }
0x10: {  	s12 =	sadd.s32 s14, s13;
	s19 =	sadd.s32 $0x280, s13;
	s13 =	sadd.s32 s16, s13  }
0x11: {  	s14 =	sadd.s32 s14, s19;
	s15 =	sadd.s32 s16, s19;
	s16 =	sadd.s32 s18, s17  }
0x12: {  	s17 =	simm.s32 $0x2800;
	s18 =	simm.s32 $0x3;
	s19 =	simm.s32 $0x1400  }
.LBB2_1:
0x13: {  	[tilespmem:s17], [sflag:$0x3] =	stream.linear.gather [hbm4b:s5+s4], $0x4000, $0x38;
	[tilespmem:$0x1E400] =	vst v63  }
0x14: {  	_ =	swait.ge [sflag:s18], $0x4000  }
0x15: {  	[sflag:s18] =	ssyncset.done $0x0  }
0x16: {  	[sflag:s18] =	ssyncadd.s32 $0xFFFFC000  }
0x17: {  	[spmem:s6] =	stream.linear.scatter [tilespmem:s17], [sflag:$0x3], $0x4000, $0x38;
	[tilespmem:$0x1E400] =	vst v63  }
0x18: {  	_ =	swait.ge [sflag:s18], $0x4000  }
0x19: {  	[sflag:s18] =	ssyncset.done $0x0  }
0x1a: {  	[sflag:s18] =	ssyncadd.s32 $0xFFFFC000  }
0x1b: {  	[spmem:s7] =	stream.linear.scatter [tilespmem:s17], [sflag:$0x3], $0x4000, $0x38;
	[tilespmem:$0x1E400] =	vst v63  }
0x1c: {  	_ =	swait.ge [sflag:s18], $0x4000  }
0x1d: {  	[sflag:s18] =	ssyncset.done $0x0  }
0x1e: {  	[sflag:s18] =	ssyncadd.s32 $0xFFFFC000  }
0x1f: {  	[spmem:s8] =	stream.linear.scatter [tilespmem:s17], [sflag:$0x3], $0x4000, $0x38;
	[tilespmem:$0x1E400] =	vst v63  }
0x20: {  	_ =	swait.ge [sflag:s18], $0x4000  }
0x21: {  	[sflag:s18] =	ssyncset.done $0x0  }
0x22: {  	[sflag:s18] =	ssyncadd.s32 $0xFFFFC000  }
0x23: {  	[spmem:s9] =	stream.linear.scatter [tilespmem:s17], [sflag:$0x3], $0x4000, $0x38;
	[tilespmem:$0x1E400] =	vst v63  }
0x24: {  	_ =	swait.ge [sflag:s18], $0x4000  }
0x25: {  	[sflag:s18] =	ssyncset.done $0x0  }
0x26: {  	[sflag:s18] =	ssyncadd.s32 $0xFFFFC000  }
0x27: {  	[spmem:s10] =	stream.linear.scatter [tilespmem:s17], [sflag:$0x3], $0x3C00, $0x38;
	[tilespmem:$0x1E400] =	vst v63  }
0x28: {  	_ =	swait.ge [sflag:s18], $0x3C00  }
0x29: {  	[sflag:s18] =	ssyncset.done $0x0  }
0x2a: {  	[sflag:s18] =	ssyncadd.s32 $0xFFFFC400  }
0x2b: {  	[bflag:$0x0] =	sbarrier.arrive $0xFFFF  }
0x2c: {  	[tilespmem:s4], [sflag:$0x3] =	stream.linear.gather [hbm4b:s12+s4], $0x1400, $0x38;
	[tilespmem:$0x1E400] =	vst v63  }
0x2d: {  	_ =	swait.ge [sflag:s18], $0x1400  }
0x2e: {  	[sflag:s18] =	ssyncset.done $0x0  }
0x2f: {  	[sflag:s18] =	ssyncadd.s32 $0xFFFFEC00  }
0x30: {  	[tilespmem:s19], [sflag:$0x3] =	stream.linear.gather [hbm4b:s13+s4], $0x1400, $0x38;
	[tilespmem:$0x1E400] =	vst v63  }
0x31: {  	_ =	swait.ge [sflag:s18], $0x1400  }
0x32: {  	[sflag:s18] =	ssyncset.done $0x0  }
0x33: {  	[sflag:s18] =	ssyncadd.s32 $0xFFFFEC00  }
0x34: {  	[tilespmem:s17], [sflag:$0x1] =	stream.indirect.gather [hbm4b:s1+s20], $0x80, s4, s20, $0xb8;
	[tilespmem:$0x1E400] =	vst v63  }
0x35: {  	_ = 	snop  }
0x36: {  	[tilespmem:s21], [sflag:$0x2] =	stream.indirect.gather [hbm4b:s1+s20], $0x80, s20, s20, $0xb8;
	[tilespmem:$0x1E400] =	vst v63  }
0x37: {  	_ =	swait.ge [sflag:s22], $0x4000  }
0x38: {  	[sflag:s22] =	ssyncset.done $0x0  }
0x39: {  	s28 =	simm.s32 $0x1400;
	[sflag:s22] =	ssyncadd.s32 $0xFFFFC000  }
0x3a: {  	[spmem:s2] =	stream.indirect.scatter.add.f32 [tilespmem:s17], [sflag:$0x3], $0x80, s28, s20, $0xb8;
	[tilespmem:$0x1E400] =	vst v63  }
0x3b: {  	_ =	swait.ge [sflag:s18], $0x4000  }
0x3c: {  	[sflag:s18] =	ssyncset.done $0x0  }
0x3d: {  	s28 =	simm.s32 $0x100;
	[sflag:s18] =	ssyncadd.s32 $0xFFFFC000  }
0x3e: {  	[tilespmem:s17], [sflag:$0x1] =	stream.indirect.gather [hbm4b:s1+s20], $0x80, s28, s20, $0xb8;
	[tilespmem:$0x1E400] =	vst v63  }
0x3f: {  	_ =	swait.ge [sflag:s23], $0x4000  }
0x40: {  	[sflag:s23] =	ssyncset.done $0x0  }
0x41: {  	s28 =	simm.s32 $0x1480;
	[sflag:s23] =	ssyncadd.s32 $0xFFFFC000  }
0x42: {  	[spmem:s2] =	stream.indirect.scatter.add.f32 [tilespmem:s21], [sflag:$0x3], $0x80, s28, s20, $0xb8;
	[tilespmem:$0x1E400] =	vst v63  }
0x43: {  	_ =	swait.ge [sflag:s18], $0x4000  }
0x44: {  	[sflag:s18] =	ssyncset.done $0x0  }
0x45: {  	s29 =	simm.s32 $0x180;
	s28 =	simm.s32 $0x400;
	[sflag:s18] =	ssyncadd.s32 $0xFFFFC000  }
.LBB2_2:
0x46: {  	[tilespmem:s21], [sflag:$0x2] =	stream.indirect.gather [hbm4b:s1+s20], $0x80, s29, s20, $0xb8;
	[tilespmem:$0x1E400] =	vst v63  }
0x47: {  	s29 =	smov.u32 s28  }
0x48: {  	p0 =	sne.s32 s28, $0x4800;
	s28 =	sadd.s32 $0x400, s28;
	_ =	swait.ge [sflag:s22], $0x4000  }
0x49: {  	s29 =	sshra.s32 s29, $0x2;
	[sflag:s22] =	ssyncset.done $0x0  }
0x4a: {  	s30 =	sadd.s32 $0x1400, s29;
	[sflag:s22] =	ssyncadd.s32 $0xFFFFC000  }
0x4b: {  	[spmem:s2] =	stream.indirect.scatter.add.f32 [tilespmem:s17], [sflag:$0x3], $0x80, s30, s20, $0xb8;
	[tilespmem:$0x1E400] =	vst v63  }
0x4c: {  	_ =	swait.ge [sflag:s18], $0x4000  }
0x4d: {  	[sflag:s18] =	ssyncset.done $0x0  }
0x4e: {  	s30 =	sadd.s32 $0x100, s29;
	[sflag:s18] =	ssyncadd.s32 $0xFFFFC000  }
0x4f: {  	[tilespmem:s17], [sflag:$0x1] =	stream.indirect.gather [hbm4b:s1+s20], $0x80, s30, s20, $0xb8;
	[tilespmem:$0x1E400] =	vst v63  }
0x50: {  	_ =	swait.ge [sflag:s23], $0x4000  }
0x51: {  	[sflag:s23] =	ssyncset.done $0x0  }
.Ltmp0:
0x52: {  	s30 =	sadd.s32 $0x1480, s29;
	[sflag:s23] =	ssyncadd.s32 $0xFFFFC000;
	(pc) =	sbr.rel @p0 .LBB2_2-.Ltmp0, $4  }
0x53: {  	[spmem:s2] =	stream.indirect.scatter.add.f32 [tilespmem:s21], [sflag:$0x3], $0x80, s30, s20, $0xb8;
	[tilespmem:$0x1E400] =	vst v63  }
0x54: {  	_ =	swait.ge [sflag:s18], $0x4000  }
0x55: {  	[sflag:s18] =	ssyncset.done $0x0  }
0x56: {  	s29 =	sadd.s32 $0x180, s29;
	[sflag:s18] =	ssyncadd.s32 $0xFFFFC000  }
0x57: {  	[tilespmem:s21], [sflag:$0x2] =	stream.indirect.gather [hbm4b:s1+s20], $0x80, s29, s20, $0xb8;
	[tilespmem:$0x1E400] =	vst v63  }
0x58: {  	_ =	swait.ge [sflag:s22], $0x4000  }
0x59: {  	[sflag:s22] =	ssyncset.done $0x0  }
0x5a: {  	[sflag:s22] =	ssyncadd.s32 $0xFFFFC000  }
0x5b: {  	[spmem:s2] =	stream.indirect.scatter.add.f32 [tilespmem:s17], [sflag:$0x3], $0x80, s24, s20, $0xb8;
	[tilespmem:$0x1E400] =	vst v63  }
0x5c: {  	_ =	swait.ge [sflag:s18], $0x4000  }
0x5d: {  	[sflag:s18] =	ssyncset.done $0x0  }
0x5e: {  	[sflag:s18] =	ssyncadd.s32 $0xFFFFC000  }
0x5f: {  	_ =	swait.ge [sflag:s23], $0x4000  }
0x60: {  	[sflag:s23] =	ssyncset.done $0x0  }
0x61: {  	[sflag:s23] =	ssyncadd.s32 $0xFFFFC000  }
0x62: {  	[spmem:s2] =	stream.indirect.scatter.add.f32 [tilespmem:s21], [sflag:$0x3], $0x80, s25, s20, $0xb8;
	[tilespmem:$0x1E400] =	vst v63  }
0x63: {  	_ =	swait.ge [sflag:s18], $0x4000  }
0x64: {  	[sflag:s18] =	ssyncset.done $0x0  }
0x65: {  	s28 =	simm.s32 $0x0;
	[sflag:s18] =	ssyncadd.s32 $0xFFFFC000  }
0x66: {  	[tilespmem:s28], [sflag:$0x3] =	stream.linear.gather [hbm4b:s14+s28], $0x1400, $0x38;
	[tilespmem:$0x1E400] =	vst v63  }
0x67: {  	_ =	swait.ge [sflag:s18], $0x1400  }
0x68: {  	[sflag:s18] =	ssyncset.done $0x0  }
0x69: {  	[sflag:s18] =	ssyncadd.s32 $0xFFFFEC00  }
0x6a: {  	[tilespmem:s19], [sflag:$0x3] =	stream.linear.gather [hbm4b:s15+s28], $0x1400, $0x38;
	[tilespmem:$0x1E400] =	vst v63  }
0x6b: {  	_ =	swait.ge [sflag:s18], $0x1400  }
0x6c: {  	[sflag:s18] =	ssyncset.done $0x0  }
0x6d: {  	[sflag:s18] =	ssyncadd.s32 $0xFFFFEC00  }
0x6e: {  	[tilespmem:s17], [sflag:$0x1] =	stream.indirect.gather [hbm4b:s1+s20], $0x80, s28, s20, $0xb8;
	[tilespmem:$0x1E400] =	vst v63  }
0x6f: {  	_ = 	snop  }
0x70: {  	[tilespmem:s21], [sflag:$0x2] =	stream.indirect.gather [hbm4b:s1+s20], $0x80, s20, s20, $0xb8;
	[tilespmem:$0x1E400] =	vst v63  }
0x71: {  	_ =	swait.ge [sflag:s22], $0x4000  }
0x72: {  	[sflag:s22] =	ssyncset.done $0x0  }
0x73: {  	s28 =	simm.s32 $0x1400;
	[sflag:s22] =	ssyncadd.s32 $0xFFFFC000  }
0x74: {  	[spmem:s2] =	stream.indirect.scatter.add.f32 [tilespmem:s17], [sflag:$0x3], $0x80, s28, s20, $0xb8;
	[tilespmem:$0x1E400] =	vst v63  }
0x75: {  	_ =	swait.ge [sflag:s18], $0x4000  }
0x76: {  	[sflag:s18] =	ssyncset.done $0x0  }
0x77: {  	s28 =	simm.s32 $0x100;
	[sflag:s18] =	ssyncadd.s32 $0xFFFFC000  }
0x78: {  	[tilespmem:s17], [sflag:$0x1] =	stream.indirect.gather [hbm4b:s1+s20], $0x80, s28, s20, $0xb8;
	[tilespmem:$0x1E400] =	vst v63  }
0x79: {  	_ =	swait.ge [sflag:s23], $0x4000  }
0x7a: {  	[sflag:s23] =	ssyncset.done $0x0  }
0x7b: {  	s28 =	simm.s32 $0x1480;
	[sflag:s23] =	ssyncadd.s32 $0xFFFFC000  }
0x7c: {  	[spmem:s2] =	stream.indirect.scatter.add.f32 [tilespmem:s21], [sflag:$0x3], $0x80, s28, s20, $0xb8;
	[tilespmem:$0x1E400] =	vst v63  }
0x7d: {  	_ =	swait.ge [sflag:s18], $0x4000  }
0x7e: {  	[sflag:s18] =	ssyncset.done $0x0  }
0x7f: {  	s29 =	simm.s32 $0x180;
	s28 =	simm.s32 $0x400;
	[sflag:s18] =	ssyncadd.s32 $0xFFFFC000  }
.LBB2_4:
0x80: {  	[tilespmem:s21], [sflag:$0x2] =	stream.indirect.gather [hbm4b:s1+s20], $0x80, s29, s20, $0xb8;
	[tilespmem:$0x1E400] =	vst v63  }
0x81: {  	s29 =	smov.u32 s28  }
0x82: {  	p0 =	sne.s32 s28, $0x4800;
	s28 =	sadd.s32 $0x400, s28;
	_ =	swait.ge [sflag:s22], $0x4000  }
0x83: {  	s29 =	sshra.s32 s29, $0x2;
	[sflag:s22] =	ssyncset.done $0x0  }
0x84: {  	s30 =	sadd.s32 $0x1400, s29;
	[sflag:s22] =	ssyncadd.s32 $0xFFFFC000  }
0x85: {  	[spmem:s2] =	stream.indirect.scatter.add.f32 [tilespmem:s17], [sflag:$0x3], $0x80, s30, s20, $0xb8;
	[tilespmem:$0x1E400] =	vst v63  }
0x86: {  	_ =	swait.ge [sflag:s18], $0x4000  }
0x87: {  	[sflag:s18] =	ssyncset.done $0x0  }
0x88: {  	s30 =	sadd.s32 $0x100, s29;
	[sflag:s18] =	ssyncadd.s32 $0xFFFFC000  }
0x89: {  	[tilespmem:s17], [sflag:$0x1] =	stream.indirect.gather [hbm4b:s1+s20], $0x80, s30, s20, $0xb8;
	[tilespmem:$0x1E400] =	vst v63  }
0x8a: {  	_ =	swait.ge [sflag:s23], $0x4000  }
0x8b: {  	[sflag:s23] =	ssyncset.done $0x0  }
.Ltmp1:
0x8c: {  	s30 =	sadd.s32 $0x1480, s29;
	[sflag:s23] =	ssyncadd.s32 $0xFFFFC000;
	(pc) =	sbr.rel @p0 .LBB2_4-.Ltmp1, $4  }
0x8d: {  	[spmem:s2] =	stream.indirect.scatter.add.f32 [tilespmem:s21], [sflag:$0x3], $0x80, s30, s20, $0xb8;
	[tilespmem:$0x1E400] =	vst v63  }
0x8e: {  	_ =	swait.ge [sflag:s18], $0x4000  }
0x8f: {  	[sflag:s18] =	ssyncset.done $0x0  }
0x90: {  	s29 =	sadd.s32 $0x180, s29;
	[sflag:s18] =	ssyncadd.s32 $0xFFFFC000  }
0x91: {  	[tilespmem:s21], [sflag:$0x2] =	stream.indirect.gather [hbm4b:s1+s20], $0x80, s29, s20, $0xb8;
	[tilespmem:$0x1E400] =	vst v63  }
0x92: {  	_ =	swait.ge [sflag:s22], $0x4000  }
0x93: {  	[sflag:s22] =	ssyncset.done $0x0  }
0x94: {  	[sflag:s22] =	ssyncadd.s32 $0xFFFFC000  }
0x95: {  	[spmem:s2] =	stream.indirect.scatter.add.f32 [tilespmem:s17], [sflag:$0x3], $0x80, s24, s20, $0xb8;
	[tilespmem:$0x1E400] =	vst v63  }
0x96: {  	_ =	swait.ge [sflag:s18], $0x4000  }
0x97: {  	[sflag:s18] =	ssyncset.done $0x0  }
0x98: {  	[sflag:s18] =	ssyncadd.s32 $0xFFFFC000  }
0x99: {  	_ =	swait.ge [sflag:s23], $0x4000  }
0x9a: {  	[sflag:s23] =	ssyncset.done $0x0  }
0x9b: {  	[sflag:s23] =	ssyncadd.s32 $0xFFFFC000  }
0x9c: {  	[spmem:s2] =	stream.indirect.scatter.add.f32 [tilespmem:s21], [sflag:$0x3], $0x80, s25, s20, $0xb8;
	[tilespmem:$0x1E400] =	vst v63  }
0x9d: {  	_ =	swait.ge [sflag:s18], $0x4000  }
0x9e: {  	s28 =	sshll.u32 s3, $0x6;
	s26 =	sadd.s32 $0x1, s26;
	[sflag:s18] =	ssyncset.done $0x0  }
0x9f: {  	s31 =	sshrl.u32 s6, $0x3;
	p0 =	sne.s32 s26, s11;
	[sflag:s18] =	ssyncadd.s32 $0xFFFFC000  }
.Ltmp2:
0xa0: {  	s28 =	sor.u32 $0x1C03, s28;
	[bflag:$0x0] =	sbarrier.arrive $0xFFFF;
	(pc) =	sbr.rel @p0 .LBB2_1-.Ltmp2, $4  }
0xa1: {  	[hbm:s16], [sflag:s28] =	dma.local [spmem:s31], $0x2780  }
0xa2: {  	_ =	swait.ge [sflag:s18], $0x2780  }
0xa3: {  	[sflag:s18] =	ssyncset.done $0x0  }
0xa4: {  	[sflag:s18] =	ssyncadd.s32 $0xFFFFD880  }
0xa5: {  	_ =	sfence.sel $0x180000  }
0xa6: {  	[bflag:$0x0] =	sbarrier.arrive $0xFFFF  }
0xa7: {  	p0 =	sne.s32 s3, $0x0;
	_ =	strace $0x9000004A  }
0xa8: {  	s0 =	sadd.s32 @!p0 $0x100000, s0;
	[bflag:$0x2] =	sbarrier.arrive $0xFFFF  }
0xa9: {  	[sflag:s0] =	ssyncadd.tile.s32 @!p0 $0x1;
	_ =	shalt  }
.Lfunc_end2:
_tile_overlayer_lowered:
.L_overlay_start_2:
0xaa: {  	(tag) =	ssettag $0x2  }
0xab: {  	s0 =	rddreg [dreg:$0x0];
	s2 =	stileid.u32  }
0xac: {  	s1 =	rddreg [dreg:$0x1];
	p0 =	sne.s32 s2, $0x0  }
0xad: {  	s3 =	rddreg [dreg:$0x2];
	[bflag:$0x3] =	sbarrier.arrive $0xFFFF;
	s2 =	simm.s32 @!p0 $0x1C03  }
0xae: {  	[timem:s3], [sflag:s2] =	dma.local @!p0 [hbm:s0], s1  }
0xaf: {  	s0 =	simm.s32 @!p0 $0x3  }
0xb0: {  	_ =	swait.ge @!p0 [sflag:s0], s1  }
0xb1: {  	s1 =	ssub.s32 @!p0 $0x0, s1;
	[sflag:s0] =	ssyncset.done @!p0 $0x0  }
0xb2: {  	[sflag:s0] =	ssyncadd.s32 @!p0 s1  }
0xb3: {  	[bflag:$0x3] =	sbarrier.arrive $0xFFFF  }
0xb4: {  	_ =	shalt  }

// kernel: kernel.14.cloned.1.call-start
scs
__scs_entry_jumppad:
0x0: {  	(pc) =	sbr.rel $0x88, $3  }
0x1: {  	(tag) =	ssettag $0x0;
	lr =	simm.s32 $0x1  }
0x2: {  	[smem:$0x3F9D] =	sst lr;
	_ =	strace $0xD0000000  }
0x3: {  	_ = 	snop  }
0x4: {  	_ = 	snop  }
0x5: {  	_ = 	snop  }
0x6: {  	_ = 	snop  }
0x7: {  	_ = 	snop  }
__scs_overlays_trampoline_lowered:
0x8: {  	[smem:$0x3FAC] =	sst s0  }
0x9: {  	[smem:$0x3FAD] =	sst s1  }
0xa: {  	[smem:$0x3FAE] =	sst s2  }
0xb: {  	[smem:$0x3FAF] =	sst s3  }
0xc: {  	[smem:$0x3FB0] =	sst s4  }
0xd: {  	[smem:$0x3FB1] =	sst s5  }
0xe: {  	[smem:$0x3FB2] =	sst s6  }
0xf: {  	[smem:$0x3FB3] =	sst s7  }
0x10: {  	[smem:$0x3FB4] =	sst s8  }
0x11: {  	[smem:$0x3FB5] =	sst s9;
	s0 =	simm.s32 @!p0 $0x0  }
0x12: {  	s1 =	sld [smem:$0x3F9B];
	s0 =	simm.s32 @p0 $0x1  }
0x13: {  	[smem:$0x3FB6] =	sst s0;
	s0 =	simm.s32 @!p1 $0x0  }
0x14: {  	s2 =	sld [smem:$0x3F9A];
	s0 =	simm.s32 @p1 $0x1  }
0x15: {  	[smem:$0x3FB7] =	sst s0;
	s0 =	simm.s32 @!p2 $0x0  }
0x16: {  	s3 =	sld [smem:$0x3FDB];
	s0 =	simm.s32 @p2 $0x1  }
0x17: {  	s4 =	simm.s32 $0x1BF5;
	[smem:$0x3FB9] =	sst s0  }
0x18: {  	s0 =	sld [smem:$0x3F9C];
	_ =	swait.ge [sflag:s4], $0x0  }
0x19: {  	s7 =	sld [smem:$0x3F9D]  }
0x1a: {  	s8 =	sadd.s32 $0xFFFFE003, lr  }
0x1b: {  	s9 =	sadd.s32 $0xFFFFFEF7, lr;
	s5 =	simm.s32 $0xFFFFFFFF;
	p2 =	slt.u32 s8, $0xFFFFF086  }
0x1c: {  	p1 =	slt.u32 s9, $0xF7A;
	s5 =	simm.s32 @!p2 $0x0  }
0x1d: {  	s5 =	simm.s32 @p1 $0x1;
	p0 =	seq.s32 s7, s2  }
0x1e: {  	s7 =	smul.u32 @!p0 $0xF7A, s2;
	p2 =	seq.s32 @!p0 s5, $0x0  }
0x1f: {  	s9 =	smul.u32 $0xF7A, s1;
	s8 =	simm.s32 @!p0 $0x1BF5;
	p2 =	por !p2, p0  }
0x20: {  	[sflag:s8] =	ssyncset.s32 @!p0 $0xFFFFF086;
	s6 =	sadd.s32 @!p0 s3, s7;
	s7 =	simm.s32 @!p0 $0x108  }
0x21: {  	s3 =	sadd.s32 s3, s9;
	s6 =	sadd.s32 @!p0 $0x88, s6;
	s7 =	simm.s32 @p2 $0x1082  }
0x22: {  	[simem:s7], [sflag:s8] =	dma.local @!p0 [hbm:s6], $0xF7A  }
0x23: {  	s9 =	sor.u32 $0xD0000000, s2;
	s6 =	simm.s32 $0x108;
	_ =	swait.ge @!p0 [sflag:s8], $0x0  }
0x24: {  	s3 =	sadd.s32 $0x88, s3;
	s6 =	simm.s32 @!p1 $0x1082;
	[sflag:s4] =	ssyncset.s32 $0xFFFFF086  }
0x25: {  	[simem:s6], [sflag:s4] =	dma.local [hbm:s3], $0xF7A  }
0x26: {  	[smem:$0x3F9D] =	sst s1;
	(tag) =	ssettag s2;
	_ =	strace s9  }
0x27: {  	s1 =	sld [smem:$0x3FAD]  }
0x28: {  	s2 =	sld [smem:$0x3FAE]  }
0x29: {  	s4 =	sld [smem:$0x3FB0]  }
0x2a: {  	p0 =	seq.s32 s5, $0x0;
	s5 =	sld [smem:$0x3FB1]  }
0x2b: {  	s6 =	sld [smem:$0x3FB2]  }
0x2c: {  	s7 =	sld [smem:$0x3FB3]  }
0x2d: {  	s3 =	simm.s32 $0x108;
	s8 =	sld [smem:$0x3FB4]  }
0x2e: {  	s3 =	simm.s32 @!p0 $0x1082;
	s9 =	sld [smem:$0x3FB5]  }
0x2f: {  	lr =	sadd.s32 s0, s3;
	s0 =	sld [smem:$0x3FAC]  }
0x30: {  	s3 =	sld [smem:$0x3FAF]  }
0x31: {  	[smem:$0x3FB8] =	sst s10  }
0x32: {  	s10 =	sld [smem:$0x3FB6];
	_ =	sdelay $0x3  }
0x33: {  	p0 =	seq.s32 s10, $0x1;
	s10 =	sld [smem:$0x3FB8];
	_ =	sdelay $0x3  }
0x34: {  	[smem:$0x3FB8] =	sst s10  }
0x35: {  	s10 =	sld [smem:$0x3FB7];
	_ =	sdelay $0x3  }
0x36: {  	p1 =	seq.s32 s10, $0x1;
	s10 =	sld [smem:$0x3FB8];
	_ =	sdelay $0x3  }
0x37: {  	[smem:$0x3FB8] =	sst s10  }
0x38: {  	s10 =	sld [smem:$0x3FB9]  }
0x39: {  	_ = 	snop;
	(pc) =	sbr.ind lr, $3  }
0x3a: {  	_ = 	snop  }
0x3b: {  	_ = 	snop  }
0x3c: {  	p2 =	seq.s32 s10, $0x1;
	s10 =	sld [smem:$0x3FB8]  }
0x3d: {  	_ =	shalt  }
0x3e: {  	_ =	shalt  }
0x3f: {  	_ =	shalt  }
0x40: {  	_ =	shalt  }
0x41: {  	_ =	shalt  }
0x42: {  	_ =	shalt  }
0x43: {  	_ =	shalt  }
0x44: {  	_ =	shalt  }
0x45: {  	_ =	shalt  }
0x46: {  	_ =	shalt  }
0x47: {  	_ =	shalt  }
0x48: {  	_ =	shalt  }
0x49: {  	_ =	shalt  }
0x4a: {  	_ =	shalt  }
0x4b: {  	_ =	shalt  }
0x4c: {  	_ =	shalt  }
0x4d: {  	_ =	shalt  }
0x4e: {  	_ =	shalt  }
0x4f: {  	_ =	shalt  }
0x50: {  	_ =	shalt  }
0x51: {  	_ =	shalt  }
0x52: {  	_ =	shalt  }
0x53: {  	_ =	shalt  }
0x54: {  	_ =	shalt  }
0x55: {  	_ =	shalt  }
0x56: {  	_ =	shalt  }
0x57: {  	_ =	shalt  }
0x58: {  	_ =	shalt  }
0x59: {  	_ =	shalt  }
0x5a: {  	_ =	shalt  }
0x5b: {  	_ =	shalt  }
0x5c: {  	_ =	shalt  }
0x5d: {  	_ =	shalt  }
0x5e: {  	_ =	shalt  }
0x5f: {  	_ =	shalt  }
0x60: {  	_ =	shalt  }
0x61: {  	_ =	shalt  }
0x62: {  	_ =	shalt  }
0x63: {  	_ =	shalt  }
0x64: {  	_ =	shalt  }
0x65: {  	_ =	shalt  }
0x66: {  	_ =	shalt  }
0x67: {  	_ =	shalt  }
0x68: {  	_ =	shalt  }
0x69: {  	_ =	shalt  }
0x6a: {  	_ =	shalt  }
0x6b: {  	_ =	shalt  }
0x6c: {  	_ =	shalt  }
0x6d: {  	_ =	shalt  }
0x6e: {  	_ =	shalt  }
0x6f: {  	_ =	shalt  }
0x70: {  	_ =	shalt  }
0x71: {  	_ =	shalt  }
0x72: {  	_ =	shalt  }
0x73: {  	_ =	shalt  }
0x74: {  	_ =	shalt  }
0x75: {  	_ =	shalt  }
0x76: {  	_ =	shalt  }
0x77: {  	_ =	shalt  }
0x78: {  	_ =	shalt  }
0x79: {  	_ =	shalt  }
0x7a: {  	_ =	shalt  }
0x7b: {  	_ =	shalt  }
0x7c: {  	_ =	shalt  }
0x7d: {  	_ =	shalt  }
0x7e: {  	_ =	shalt  }
0x7f: {  	_ =	shalt  }
0x80: {  	_ =	shalt  }
0x81: {  	_ =	shalt  }
0x82: {  	_ =	shalt  }
0x83: {  	_ =	shalt  }
0x84: {  	_ =	shalt  }
0x85: {  	_ =	shalt  }
0x86: {  	_ =	shalt  }
0x87: {  	_ =	shalt  }
.Lfunc_end0:
.L_simem_size_0:
called_computation.2_lowered:
.L_overlay_start_0:
0x88: {  	s2 =	sld [smem:$0x3FD9]  }
0x89: {  	s3 =	sld [smem:$0x3FFE];
	_ =	sdelay $0x1  }
0x8a: {  	s1 =	srdreg.scid  }
0x8b: {  	s0 =	sand.u32 $0x1, s1  }
0x8c: {  	s17 =	sshll.u32 s0, $0xA;
	s2 =	sadd.s32 s3, s2  }
0x8d: {  	s2 =	sadd.s32 s2, s17  }
0x8e: {  	[smem:$0x3FC4] =	sst s2  }
0x8f: {  	_ = 	snop  }
0x90: {  	s2 =	sld [smem:$0x3FD0];
	(tm) =	ssettm $0x1  }
0x91: {  	s18 =	sld [smem:$0x3FFB];
	_ =	sdelay $0x3  }
0x92: {  	_ =	strace s18  }
0x93: {  	s3 =	sld [smem:$0x3FFC];
	_ =	sdelay $0x3  }
0x94: {  	_ =	strace s3  }
0x95: {  	s3 =	sld [smem:$0x3FFD];
	_ =	sdelay $0x3  }
0x96: {  	_ =	strace s3  }
0x97: {  	_ =	strace $0x8FFFFFFF  }
0x98: {  	s19 =	sld [smem:$0x3FDB];
	_ =	sdelay $0x1  }
0x99: {  	s4 =	simm.s32 $_scs_section_size  }
0x9a: {  	s5 =	simm.s32 $_size__tile_overlayer_lowered;
	s6 =	simm.s32 $_tile_overlayer_lowered  }
0x9b: {  	s22 =	simm.s32 $0x1BFF;
	s21 =	sshll.u32 s6, $0x1;
	s3 =	sadd.s32 s4, s19  }
0x9c: {  	s7 =	simm.s32 $0x0;
	s20 =	sshll.u32 s5, $0x1;
	s5 =	sadd.s32 s21, s3  }
0x9d: {  	[timem:s7], [sflag:s22] =	dma.local [hbm:s5], s20  }
0x9e: {  	_ =	swait.ge [sflag:s22], s20  }
0x9f: {  	s4 =	ssub.s32 $0x0, s20;
	[sflag:s22] =	ssyncset.done $0x0  }
0xa0: {  	[sflag:s22] =	ssyncadd.s32 s4;
	_ =	sdelay $0x1  }
0xa1: {  	s23 =	simm.s32 $0x1B8B  }
0xa2: {  	_ =	swait.ge [sflag:s23], $0x1  }
0xa3: {  	[sflag:s23] =	ssyncset.done $0x0  }
0xa4: {  	s25 =	simm.s32 $0x1B8E;
	s24 =	sld [smem:$0x3FFE];
	[sflag:s23] =	ssyncadd.s32 $0xFFFFFFFF  }
0xa5: {  	s26 =	simm.s32 $execute0_lowered;
	[smem:$0x3FD2] =	sst s25  }
0xa6: {  	s5 =	sshll.u32 s26, $0x1;
	_ =	strace $0x8000004C;
	[dreg:$0x1] =	wrdreg $0xFFFFFFFF  }
0xa7: {  	s28 =	simm.s32 $_size_execute0_lowered;
	s3 =	sadd.s32 s3, s5;
	[dreg:$0x0] =	wrdreg $0x0  }
0xa8: {  	s5 =	sshll.u32 s28, $0x1;
	[dreg:$0x2] =	wrdreg s3  }
0xa9: {  	[dreg:$0x3] =	wrdreg s5  }
0xaa: {  	[dreg:$0x4] =	wrdreg $0xC0  }
0xab: {  	_ =	task [dreg:s7], $0x5FFFF  }
0xac: {  	[dreg:$0x1] =	wrdreg $0xFFFFFFFF  }
0xad: {  	[dreg:$0x0] =	wrdreg $0x60  }
0xae: {  	[dreg:$0x2] =	wrdreg s2  }
0xaf: {  	[dreg:$0x3] =	wrdreg s24  }
0xb0: {  	[dreg:$0x4] =	wrdreg $0xA8000  }
0xb1: {  	[dreg:$0x5] =	wrdreg $0x9  }
0xb2: {  	_ =	task.clear_ibuf [dreg:s7], $0x6FFFF;
	_ =	strace $0x9000004C  }
0xb3: {  	s29 =	simm.s32 $0x9;
	_ =	strace $0x8000004E  }
0xb4: {  	_ =	swait.ge [sflag:s29], $0x1  }
0xb5: {  	[sflag:s29] =	ssyncadd.s32 $0xFFFFFFFF  }
0xb6: {  	_ =	strace $0x9000004E  }
0xb7: {  	_ =	sfence  }
0xb8: {  	s30 =	sld [smem:$0x0];
	_ =	sdelay $0x2  }
0xb9: {  	s31 =	sshll.u32 s1, $0xD;
	s1 =	sshrl.u32 s1, $0x2  }
0xba: {  	s3 =	sand.u32 $0x4000, s31;
	s1 =	sadd.s32 s1, s30  }
0xbb: {  	s0 =	sor.u32 s3, s0;
	s1 =	sshll.u32 s1, $0x11  }
0xbc: {  	s0 =	sor.u32 s1, s0  }
0xbd: {  	s0 =	sadd.s32 $0x8F2B, s0  }
0xbe: {  	[sflag:s0] =	ssyncadd.remote.s32 $0x1  }
0xbf: {  	_ =	sfence.sel $0xFFFF  }
0xc0: {  	[dreg:$0x0] =	wrdreg $0xFFFFFFFF;
	(pc) =	sbr.abs _section_cstart, $3  }
0xc1: {  	[dreg:$0x1] =	wrdreg $0xFFFFFFFF  }
0xc2: {  	_ =	task.clear_ibuf [dreg:s7], $0x2FFFF;
	_ =	strace $0x9FFFFFFF  }
0xc3: {  	(tm) =	ssettm $0x7FFFFFFF  }
tec
execute0_lowered:
.L_overlay_start_1:
0x0: {  	(tag) =	ssettag $0x1  }
0x1: {  	s1 =	rddreg [dreg:$0x0]  }
0x2: {  	s15 =	rddreg [dreg:$0x1]  }
0x3: {  	s2 =	rddreg [dreg:$0x2]  }
0x4: {  	s0 =	rddreg [dreg:$0x3];
	s4 =	simm.s32 $0x0;
	s5 =	srdreg.scid  }
0x5: {  	s3 =	stileid.u32;
	s18 =	simm.s32 $0x3F400;
	s20 =	simm.s32 $0x80  }
0x6: {  	s21 =	simm.s32 $0x6800;
	s22 =	simm.s32 $0x1;
	s23 =	simm.s32 $0x2  }
0x7: {  	s24 =	simm.s32 $0x2700;
	s25 =	simm.s32 $0x2780;
	s26 =	simm.s32 $0x0  }
0x8: {  	[smem:$0x7FF] =	sst s4;
	s14 =	sadd.s32 $0xD400, s15;
	s11 =	sand.u32 $0x1, s5  }
0x9: {  	s6 =	smul.u32 $0x4F000, s3;
	s16 =	sadd.s32 $0x3400, s15;
	s5 =	sadd.s32 $0x17400, s15  }
0xa: {  	s17 =	smul.u32 $0x2780, s3;
	_ =	strace $0x8000004D;
	s7 =	ssub.s32 $0x2, s11  }
0xb: {  	s9 =	sshll.u32 s11, $0x4;
	p0 =	seq.s32 s11, $0x1;
	s8 =	sshrl.u32 s7, $0x1  }
0xc: {  	s6 =	sshrl.u32 s6, $0x2;
	s13 =	sor.u32 s3, s9;
	s18 =	simm.s32 @!p0 $0x17C00  }
0xd: {  	s12 =	ssub.s32 s7, s8;
	s6 =	sadd.s32 s6, s2;
	s13 =	smul.u32 $0x500, s13  }
0xe: {  	s18 =	sadd.s32 s18, s15;
	s7 =	sadd.s32 $0x4000, s6;
	s8 =	sadd.s32 $0x8000, s6  }
0xf: {  	s9 =	sadd.s32 $0xC000, s6;
	s10 =	sadd.s32 $0x10000, s6;
	s11 =	smax.u32 s12, $0x1  }
0x10: {  	s12 =	sadd.s32 s14, s13;
	s19 =	sadd.s32 $0x280, s13;
	s13 =	sadd.s32 s16, s13  }
0x11: {  	s14 =	sadd.s32 s14, s19;
	s15 =	sadd.s32 s16, s19;
	s16 =	sadd.s32 s18, s17  }
0x12: {  	s17 =	simm.s32 $0x2800;
	s18 =	simm.s32 $0x3;
	s19 =	simm.s32 $0x1400  }
.LBB2_1:
0x13: {  	[tilespmem:s17], [sflag:$0x3] =	stream.linear.gather [hbm4b:s5+s4], $0x4000, $0x38;
	[tilespmem:$0x1E400] =	vst v63  }
0x14: {  	_ =	swait.ge [sflag:s18], $0x4000  }
0x15: {  	[sflag:s18] =	ssyncset.done $0x0  }
0x16: {  	[sflag:s18] =	ssyncadd.s32 $0xFFFFC000  }
0x17: {  	[spmem:s6] =	stream.linear.scatter [tilespmem:s17], [sflag:$0x3], $0x4000, $0x38;
	[tilespmem:$0x1E400] =	vst v63  }
0x18: {  	_ =	swait.ge [sflag:s18], $0x4000  }
0x19: {  	[sflag:s18] =	ssyncset.done $0x0  }
0x1a: {  	[sflag:s18] =	ssyncadd.s32 $0xFFFFC000  }
0x1b: {  	[spmem:s7] =	stream.linear.scatter [tilespmem:s17], [sflag:$0x3], $0x4000, $0x38;
	[tilespmem:$0x1E400] =	vst v63  }
0x1c: {  	_ =	swait.ge [sflag:s18], $0x4000  }
0x1d: {  	[sflag:s18] =	ssyncset.done $0x0  }
0x1e: {  	[sflag:s18] =	ssyncadd.s32 $0xFFFFC000  }
0x1f: {  	[spmem:s8] =	stream.linear.scatter [tilespmem:s17], [sflag:$0x3], $0x4000, $0x38;
	[tilespmem:$0x1E400] =	vst v63  }
0x20: {  	_ =	swait.ge [sflag:s18], $0x4000  }
0x21: {  	[sflag:s18] =	ssyncset.done $0x0  }
0x22: {  	[sflag:s18] =	ssyncadd.s32 $0xFFFFC000  }
0x23: {  	[spmem:s9] =	stream.linear.scatter [tilespmem:s17], [sflag:$0x3], $0x4000, $0x38;
	[tilespmem:$0x1E400] =	vst v63  }
0x24: {  	_ =	swait.ge [sflag:s18], $0x4000  }
0x25: {  	[sflag:s18] =	ssyncset.done $0x0  }
0x26: {  	[sflag:s18] =	ssyncadd.s32 $0xFFFFC000  }
0x27: {  	[spmem:s10] =	stream.linear.scatter [tilespmem:s17], [sflag:$0x3], $0x3C00, $0x38;
	[tilespmem:$0x1E400] =	vst v63  }
0x28: {  	_ =	swait.ge [sflag:s18], $0x3C00  }
0x29: {  	[sflag:s18] =	ssyncset.done $0x0  }
0x2a: {  	[sflag:s18] =	ssyncadd.s32 $0xFFFFC400  }
0x2b: {  	[bflag:$0x0] =	sbarrier.arrive $0xFFFF  }
0x2c: {  	[tilespmem:s4], [sflag:$0x3] =	stream.linear.gather [hbm4b:s12+s4], $0x1400, $0x38;
	[tilespmem:$0x1E400] =	vst v63  }
0x2d: {  	_ =	swait.ge [sflag:s18], $0x1400  }
0x2e: {  	[sflag:s18] =	ssyncset.done $0x0  }
0x2f: {  	[sflag:s18] =	ssyncadd.s32 $0xFFFFEC00  }
0x30: {  	[tilespmem:s19], [sflag:$0x3] =	stream.linear.gather [hbm4b:s13+s4], $0x1400, $0x38;
	[tilespmem:$0x1E400] =	vst v63  }
0x31: {  	_ =	swait.ge [sflag:s18], $0x1400  }
0x32: {  	[sflag:s18] =	ssyncset.done $0x0  }
0x33: {  	[sflag:s18] =	ssyncadd.s32 $0xFFFFEC00  }
0x34: {  	[tilespmem:s17], [sflag:$0x1] =	stream.indirect.gather [hbm4b:s1+s20], $0x80, s4, s20, $0xb8;
	[tilespmem:$0x1E400] =	vst v63  }
0x35: {  	_ = 	snop  }
0x36: {  	[tilespmem:s21], [sflag:$0x2] =	stream.indirect.gather [hbm4b:s1+s20], $0x80, s20, s20, $0xb8;
	[tilespmem:$0x1E400] =	vst v63  }
0x37: {  	_ =	swait.ge [sflag:s22], $0x4000  }
0x38: {  	[sflag:s22] =	ssyncset.done $0x0  }
0x39: {  	s28 =	simm.s32 $0x1400;
	[sflag:s22] =	ssyncadd.s32 $0xFFFFC000  }
0x3a: {  	[spmem:s2] =	stream.indirect.scatter.add.f32 [tilespmem:s17], [sflag:$0x3], $0x80, s28, s20, $0xb8;
	[tilespmem:$0x1E400] =	vst v63  }
0x3b: {  	_ =	swait.ge [sflag:s18], $0x4000  }
0x3c: {  	[sflag:s18] =	ssyncset.done $0x0  }
0x3d: {  	s28 =	simm.s32 $0x100;
	[sflag:s18] =	ssyncadd.s32 $0xFFFFC000  }
0x3e: {  	[tilespmem:s17], [sflag:$0x1] =	stream.indirect.gather [hbm4b:s1+s20], $0x80, s28, s20, $0xb8;
	[tilespmem:$0x1E400] =	vst v63  }
0x3f: {  	_ =	swait.ge [sflag:s23], $0x4000  }
0x40: {  	[sflag:s23] =	ssyncset.done $0x0  }
0x41: {  	s28 =	simm.s32 $0x1480;
	[sflag:s23] =	ssyncadd.s32 $0xFFFFC000  }
0x42: {  	[spmem:s2] =	stream.indirect.scatter.add.f32 [tilespmem:s21], [sflag:$0x3], $0x80, s28, s20, $0xb8;
	[tilespmem:$0x1E400] =	vst v63  }
0x43: {  	_ =	swait.ge [sflag:s18], $0x4000  }
0x44: {  	[sflag:s18] =	ssyncset.done $0x0  }
0x45: {  	s29 =	simm.s32 $0x180;
	s28 =	simm.s32 $0x400;
	[sflag:s18] =	ssyncadd.s32 $0xFFFFC000  }
.LBB2_2:
0x46: {  	[tilespmem:s21], [sflag:$0x2] =	stream.indirect.gather [hbm4b:s1+s20], $0x80, s29, s20, $0xb8;
	[tilespmem:$0x1E400] =	vst v63  }
0x47: {  	s29 =	smov.u32 s28  }
0x48: {  	p0 =	sne.s32 s28, $0x4800;
	s28 =	sadd.s32 $0x400, s28;
	_ =	swait.ge [sflag:s22], $0x4000  }
0x49: {  	s29 =	sshra.s32 s29, $0x2;
	[sflag:s22] =	ssyncset.done $0x0  }
0x4a: {  	s30 =	sadd.s32 $0x1400, s29;
	[sflag:s22] =	ssyncadd.s32 $0xFFFFC000  }
0x4b: {  	[spmem:s2] =	stream.indirect.scatter.add.f32 [tilespmem:s17], [sflag:$0x3], $0x80, s30, s20, $0xb8;
	[tilespmem:$0x1E400] =	vst v63  }
0x4c: {  	_ =	swait.ge [sflag:s18], $0x4000  }
0x4d: {  	[sflag:s18] =	ssyncset.done $0x0  }
0x4e: {  	s30 =	sadd.s32 $0x100, s29;
	[sflag:s18] =	ssyncadd.s32 $0xFFFFC000  }
0x4f: {  	[tilespmem:s17], [sflag:$0x1] =	stream.indirect.gather [hbm4b:s1+s20], $0x80, s30, s20, $0xb8;
	[tilespmem:$0x1E400] =	vst v63  }
0x50: {  	_ =	swait.ge [sflag:s23], $0x4000  }
0x51: {  	[sflag:s23] =	ssyncset.done $0x0  }
.Ltmp0:
0x52: {  	s30 =	sadd.s32 $0x1480, s29;
	[sflag:s23] =	ssyncadd.s32 $0xFFFFC000;
	(pc) =	sbr.rel @p0 .LBB2_2-.Ltmp0, $4  }
0x53: {  	[spmem:s2] =	stream.indirect.scatter.add.f32 [tilespmem:s21], [sflag:$0x3], $0x80, s30, s20, $0xb8;
	[tilespmem:$0x1E400] =	vst v63  }
0x54: {  	_ =	swait.ge [sflag:s18], $0x4000  }
0x55: {  	[sflag:s18] =	ssyncset.done $0x0  }
0x56: {  	s29 =	sadd.s32 $0x180, s29;
	[sflag:s18] =	ssyncadd.s32 $0xFFFFC000  }
0x57: {  	[tilespmem:s21], [sflag:$0x2] =	stream.indirect.gather [hbm4b:s1+s20], $0x80, s29, s20, $0xb8;
	[tilespmem:$0x1E400] =	vst v63  }
0x58: {  	_ =	swait.ge [sflag:s22], $0x4000  }
0x59: {  	[sflag:s22] =	ssyncset.done $0x0  }
0x5a: {  	[sflag:s22] =	ssyncadd.s32 $0xFFFFC000  }
0x5b: {  	[spmem:s2] =	stream.indirect.scatter.add.f32 [tilespmem:s17], [sflag:$0x3], $0x80, s24, s20, $0xb8;
	[tilespmem:$0x1E400] =	vst v63  }
0x5c: {  	_ =	swait.ge [sflag:s18], $0x4000  }
0x5d: {  	[sflag:s18] =	ssyncset.done $0x0  }
0x5e: {  	[sflag:s18] =	ssyncadd.s32 $0xFFFFC000  }
0x5f: {  	_ =	swait.ge [sflag:s23], $0x4000  }
0x60: {  	[sflag:s23] =	ssyncset.done $0x0  }
0x61: {  	[sflag:s23] =	ssyncadd.s32 $0xFFFFC000  }
0x62: {  	[spmem:s2] =	stream.indirect.scatter.add.f32 [tilespmem:s21], [sflag:$0x3], $0x80, s25, s20, $0xb8;
	[tilespmem:$0x1E400] =	vst v63  }
0x63: {  	_ =	swait.ge [sflag:s18], $0x4000  }
0x64: {  	[sflag:s18] =	ssyncset.done $0x0  }
0x65: {  	s28 =	simm.s32 $0x0;
	[sflag:s18] =	ssyncadd.s32 $0xFFFFC000  }
0x66: {  	[tilespmem:s28], [sflag:$0x3] =	stream.linear.gather [hbm4b:s14+s28], $0x1400, $0x38;
	[tilespmem:$0x1E400] =	vst v63  }
0x67: {  	_ =	swait.ge [sflag:s18], $0x1400  }
0x68: {  	[sflag:s18] =	ssyncset.done $0x0  }
0x69: {  	[sflag:s18] =	ssyncadd.s32 $0xFFFFEC00  }
0x6a: {  	[tilespmem:s19], [sflag:$0x3] =	stream.linear.gather [hbm4b:s15+s28], $0x1400, $0x38;
	[tilespmem:$0x1E400] =	vst v63  }
0x6b: {  	_ =	swait.ge [sflag:s18], $0x1400  }
0x6c: {  	[sflag:s18] =	ssyncset.done $0x0  }
0x6d: {  	[sflag:s18] =	ssyncadd.s32 $0xFFFFEC00  }
0x6e: {  	[tilespmem:s17], [sflag:$0x1] =	stream.indirect.gather [hbm4b:s1+s20], $0x80, s28, s20, $0xb8;
	[tilespmem:$0x1E400] =	vst v63  }
0x6f: {  	_ = 	snop  }
0x70: {  	[tilespmem:s21], [sflag:$0x2] =	stream.indirect.gather [hbm4b:s1+s20], $0x80, s20, s20, $0xb8;
	[tilespmem:$0x1E400] =	vst v63  }
0x71: {  	_ =	swait.ge [sflag:s22], $0x4000  }
0x72: {  	[sflag:s22] =	ssyncset.done $0x0  }
0x73: {  	s28 =	simm.s32 $0x1400;
	[sflag:s22] =	ssyncadd.s32 $0xFFFFC000  }
0x74: {  	[spmem:s2] =	stream.indirect.scatter.add.f32 [tilespmem:s17], [sflag:$0x3], $0x80, s28, s20, $0xb8;
	[tilespmem:$0x1E400] =	vst v63  }
0x75: {  	_ =	swait.ge [sflag:s18], $0x4000  }
0x76: {  	[sflag:s18] =	ssyncset.done $0x0  }
0x77: {  	s28 =	simm.s32 $0x100;
	[sflag:s18] =	ssyncadd.s32 $0xFFFFC000  }
0x78: {  	[tilespmem:s17], [sflag:$0x1] =	stream.indirect.gather [hbm4b:s1+s20], $0x80, s28, s20, $0xb8;
	[tilespmem:$0x1E400] =	vst v63  }
0x79: {  	_ =	swait.ge [sflag:s23], $0x4000  }
0x7a: {  	[sflag:s23] =	ssyncset.done $0x0  }
0x7b: {  	s28 =	simm.s32 $0x1480;
	[sflag:s23] =	ssyncadd.s32 $0xFFFFC000  }
0x7c: {  	[spmem:s2] =	stream.indirect.scatter.add.f32 [tilespmem:s21], [sflag:$0x3], $0x80, s28, s20, $0xb8;
	[tilespmem:$0x1E400] =	vst v63  }
0x7d: {  	_ =	swait.ge [sflag:s18], $0x4000  }
0x7e: {  	[sflag:s18] =	ssyncset.done $0x0  }
0x7f: {  	s29 =	simm.s32 $0x180;
	s28 =	simm.s32 $0x400;
	[sflag:s18] =	ssyncadd.s32 $0xFFFFC000  }
.LBB2_4:
0x80: {  	[tilespmem:s21], [sflag:$0x2] =	stream.indirect.gather [hbm4b:s1+s20], $0x80, s29, s20, $0xb8;
	[tilespmem:$0x1E400] =	vst v63  }
0x81: {  	s29 =	smov.u32 s28  }
0x82: {  	p0 =	sne.s32 s28, $0x4800;
	s28 =	sadd.s32 $0x400, s28;
	_ =	swait.ge [sflag:s22], $0x4000  }
0x83: {  	s29 =	sshra.s32 s29, $0x2;
	[sflag:s22] =	ssyncset.done $0x0  }
0x84: {  	s30 =	sadd.s32 $0x1400, s29;
	[sflag:s22] =	ssyncadd.s32 $0xFFFFC000  }
0x85: {  	[spmem:s2] =	stream.indirect.scatter.add.f32 [tilespmem:s17], [sflag:$0x3], $0x80, s30, s20, $0xb8;
	[tilespmem:$0x1E400] =	vst v63  }
0x86: {  	_ =	swait.ge [sflag:s18], $0x4000  }
0x87: {  	[sflag:s18] =	ssyncset.done $0x0  }
0x88: {  	s30 =	sadd.s32 $0x100, s29;
	[sflag:s18] =	ssyncadd.s32 $0xFFFFC000  }
0x89: {  	[tilespmem:s17], [sflag:$0x1] =	stream.indirect.gather [hbm4b:s1+s20], $0x80, s30, s20, $0xb8;
	[tilespmem:$0x1E400] =	vst v63  }
0x8a: {  	_ =	swait.ge [sflag:s23], $0x4000  }
0x8b: {  	[sflag:s23] =	ssyncset.done $0x0  }
.Ltmp1:
0x8c: {  	s30 =	sadd.s32 $0x1480, s29;
	[sflag:s23] =	ssyncadd.s32 $0xFFFFC000;
	(pc) =	sbr.rel @p0 .LBB2_4-.Ltmp1, $4  }
0x8d: {  	[spmem:s2] =	stream.indirect.scatter.add.f32 [tilespmem:s21], [sflag:$0x3], $0x80, s30, s20, $0xb8;
	[tilespmem:$0x1E400] =	vst v63  }
0x8e: {  	_ =	swait.ge [sflag:s18], $0x4000  }
0x8f: {  	[sflag:s18] =	ssyncset.done $0x0  }
0x90: {  	s29 =	sadd.s32 $0x180, s29;
	[sflag:s18] =	ssyncadd.s32 $0xFFFFC000  }
0x91: {  	[tilespmem:s21], [sflag:$0x2] =	stream.indirect.gather [hbm4b:s1+s20], $0x80, s29, s20, $0xb8;
	[tilespmem:$0x1E400] =	vst v63  }
0x92: {  	_ =	swait.ge [sflag:s22], $0x4000  }
0x93: {  	[sflag:s22] =	ssyncset.done $0x0  }
0x94: {  	[sflag:s22] =	ssyncadd.s32 $0xFFFFC000  }
0x95: {  	[spmem:s2] =	stream.indirect.scatter.add.f32 [tilespmem:s17], [sflag:$0x3], $0x80, s24, s20, $0xb8;
	[tilespmem:$0x1E400] =	vst v63  }
0x96: {  	_ =	swait.ge [sflag:s18], $0x4000  }
0x97: {  	[sflag:s18] =	ssyncset.done $0x0  }
0x98: {  	[sflag:s18] =	ssyncadd.s32 $0xFFFFC000  }
0x99: {  	_ =	swait.ge [sflag:s23], $0x4000  }
0x9a: {  	[sflag:s23] =	ssyncset.done $0x0  }
0x9b: {  	[sflag:s23] =	ssyncadd.s32 $0xFFFFC000  }
0x9c: {  	[spmem:s2] =	stream.indirect.scatter.add.f32 [tilespmem:s21], [sflag:$0x3], $0x80, s25, s20, $0xb8;
	[tilespmem:$0x1E400] =	vst v63  }
0x9d: {  	_ =	swait.ge [sflag:s18], $0x4000  }
0x9e: {  	s28 =	sshll.u32 s3, $0x6;
	s26 =	sadd.s32 $0x1, s26;
	[sflag:s18] =	ssyncset.done $0x0  }
0x9f: {  	s31 =	sshrl.u32 s6, $0x3;
	p0 =	sne.s32 s26, s11;
	[sflag:s18] =	ssyncadd.s32 $0xFFFFC000  }
.Ltmp2:
0xa0: {  	s28 =	sor.u32 $0x1C03, s28;
	[bflag:$0x0] =	sbarrier.arrive $0xFFFF;
	(pc) =	sbr.rel @p0 .LBB2_1-.Ltmp2, $4  }
0xa1: {  	[hbm:s16], [sflag:s28] =	dma.local [spmem:s31], $0x2780  }
0xa2: {  	_ =	swait.ge [sflag:s18], $0x2780  }
0xa3: {  	[sflag:s18] =	ssyncset.done $0x0  }
0xa4: {  	[sflag:s18] =	ssyncadd.s32 $0xFFFFD880  }
0xa5: {  	_ =	sfence.sel $0x180000  }
0xa6: {  	[bflag:$0x0] =	sbarrier.arrive $0xFFFF  }
0xa7: {  	p0 =	sne.s32 s3, $0x0;
	_ =	strace $0x9000004D  }
0xa8: {  	s0 =	sadd.s32 @!p0 $0x100000, s0;
	[bflag:$0x2] =	sbarrier.arrive $0xFFFF  }
0xa9: {  	[sflag:s0] =	ssyncadd.tile.s32 @!p0 $0x1;
	_ =	shalt  }
.Lfunc_end2:
_tile_overlayer_lowered:
.L_overlay_start_2:
0xaa: {  	(tag) =	ssettag $0x2  }
0xab: {  	s0 =	rddreg [dreg:$0x0];
	s2 =	stileid.u32  }
0xac: {  	s1 =	rddreg [dreg:$0x1];
	p0 =	sne.s32 s2, $0x0  }
0xad: {  	s3 =	rddreg [dreg:$0x2];
	[bflag:$0x3] =	sbarrier.arrive $0xFFFF;
	s2 =	simm.s32 @!p0 $0x1C03  }
0xae: {  	[timem:s3], [sflag:s2] =	dma.local @!p0 [hbm:s0], s1  }
0xaf: {  	s0 =	simm.s32 @!p0 $0x3  }
0xb0: {  	_ =	swait.ge @!p0 [sflag:s0], s1  }
0xb1: {  	s1 =	ssub.s32 @!p0 $0x0, s1;
	[sflag:s0] =	ssyncset.done @!p0 $0x0  }
0xb2: {  	[sflag:s0] =	ssyncadd.s32 @!p0 s1  }
0xb3: {  	[bflag:$0x3] =	sbarrier.arrive $0xFFFF  }
0xb4: {  	_ =	shalt  }

// kernel: kernel.8.cloned.1.call-start
scs
__scs_entry_jumppad:
0x0: {  	(pc) =	sbr.rel $0x88, $3  }
0x1: {  	(tag) =	ssettag $0x0;
	lr =	simm.s32 $0x1  }
0x2: {  	[smem:$0x3F9D] =	sst lr;
	_ =	strace $0xD0000000  }
0x3: {  	_ = 	snop  }
0x4: {  	_ = 	snop  }
0x5: {  	_ = 	snop  }
0x6: {  	_ = 	snop  }
0x7: {  	_ = 	snop  }
__scs_overlays_trampoline_lowered:
0x8: {  	[smem:$0x3FAC] =	sst s0  }
0x9: {  	[smem:$0x3FAD] =	sst s1  }
0xa: {  	[smem:$0x3FAE] =	sst s2  }
0xb: {  	[smem:$0x3FAF] =	sst s3  }
0xc: {  	[smem:$0x3FB0] =	sst s4  }
0xd: {  	[smem:$0x3FB1] =	sst s5  }
0xe: {  	[smem:$0x3FB2] =	sst s6  }
0xf: {  	[smem:$0x3FB3] =	sst s7  }
0x10: {  	[smem:$0x3FB4] =	sst s8  }
0x11: {  	[smem:$0x3FB5] =	sst s9;
	s0 =	simm.s32 @!p0 $0x0  }
0x12: {  	s1 =	sld [smem:$0x3F9B];
	s0 =	simm.s32 @p0 $0x1  }
0x13: {  	[smem:$0x3FB6] =	sst s0;
	s0 =	simm.s32 @!p1 $0x0  }
0x14: {  	s2 =	sld [smem:$0x3F9A];
	s0 =	simm.s32 @p1 $0x1  }
0x15: {  	[smem:$0x3FB7] =	sst s0;
	s0 =	simm.s32 @!p2 $0x0  }
0x16: {  	s3 =	sld [smem:$0x3FDB];
	s0 =	simm.s32 @p2 $0x1  }
0x17: {  	s4 =	simm.s32 $0x1BF5;
	[smem:$0x3FB9] =	sst s0  }
0x18: {  	s0 =	sld [smem:$0x3F9C];
	_ =	swait.ge [sflag:s4], $0x0  }
0x19: {  	s7 =	sld [smem:$0x3F9D]  }
0x1a: {  	s8 =	sadd.s32 $0xFFFFE003, lr  }
0x1b: {  	s9 =	sadd.s32 $0xFFFFFEF7, lr;
	s5 =	simm.s32 $0xFFFFFFFF;
	p2 =	slt.u32 s8, $0xFFFFF086  }
0x1c: {  	p1 =	slt.u32 s9, $0xF7A;
	s5 =	simm.s32 @!p2 $0x0  }
0x1d: {  	s5 =	simm.s32 @p1 $0x1;
	p0 =	seq.s32 s7, s2  }
0x1e: {  	s7 =	smul.u32 @!p0 $0xF7A, s2;
	p2 =	seq.s32 @!p0 s5, $0x0  }
0x1f: {  	s9 =	smul.u32 $0xF7A, s1;
	s8 =	simm.s32 @!p0 $0x1BF5;
	p2 =	por !p2, p0  }
0x20: {  	[sflag:s8] =	ssyncset.s32 @!p0 $0xFFFFF086;
	s6 =	sadd.s32 @!p0 s3, s7;
	s7 =	simm.s32 @!p0 $0x108  }
0x21: {  	s3 =	sadd.s32 s3, s9;
	s6 =	sadd.s32 @!p0 $0x88, s6;
	s7 =	simm.s32 @p2 $0x1082  }
0x22: {  	[simem:s7], [sflag:s8] =	dma.local @!p0 [hbm:s6], $0xF7A  }
0x23: {  	s9 =	sor.u32 $0xD0000000, s2;
	s6 =	simm.s32 $0x108;
	_ =	swait.ge @!p0 [sflag:s8], $0x0  }
0x24: {  	s3 =	sadd.s32 $0x88, s3;
	s6 =	simm.s32 @!p1 $0x1082;
	[sflag:s4] =	ssyncset.s32 $0xFFFFF086  }
0x25: {  	[simem:s6], [sflag:s4] =	dma.local [hbm:s3], $0xF7A  }
0x26: {  	[smem:$0x3F9D] =	sst s1;
	(tag) =	ssettag s2;
	_ =	strace s9  }
0x27: {  	s1 =	sld [smem:$0x3FAD]  }
0x28: {  	s2 =	sld [smem:$0x3FAE]  }
0x29: {  	s4 =	sld [smem:$0x3FB0]  }
0x2a: {  	p0 =	seq.s32 s5, $0x0;
	s5 =	sld [smem:$0x3FB1]  }
0x2b: {  	s6 =	sld [smem:$0x3FB2]  }
0x2c: {  	s7 =	sld [smem:$0x3FB3]  }
0x2d: {  	s3 =	simm.s32 $0x108;
	s8 =	sld [smem:$0x3FB4]  }
0x2e: {  	s3 =	simm.s32 @!p0 $0x1082;
	s9 =	sld [smem:$0x3FB5]  }
0x2f: {  	lr =	sadd.s32 s0, s3;
	s0 =	sld [smem:$0x3FAC]  }
0x30: {  	s3 =	sld [smem:$0x3FAF]  }
0x31: {  	[smem:$0x3FB8] =	sst s10  }
0x32: {  	s10 =	sld [smem:$0x3FB6];
	_ =	sdelay $0x3  }
0x33: {  	p0 =	seq.s32 s10, $0x1;
	s10 =	sld [smem:$0x3FB8];
	_ =	sdelay $0x3  }
0x34: {  	[smem:$0x3FB8] =	sst s10  }
0x35: {  	s10 =	sld [smem:$0x3FB7];
	_ =	sdelay $0x3  }
0x36: {  	p1 =	seq.s32 s10, $0x1;
	s10 =	sld [smem:$0x3FB8];
	_ =	sdelay $0x3  }
0x37: {  	[smem:$0x3FB8] =	sst s10  }
0x38: {  	s10 =	sld [smem:$0x3FB9]  }
0x39: {  	_ = 	snop;
	(pc) =	sbr.ind lr, $3  }
0x3a: {  	_ = 	snop  }
0x3b: {  	_ = 	snop  }
0x3c: {  	p2 =	seq.s32 s10, $0x1;
	s10 =	sld [smem:$0x3FB8]  }
0x3d: {  	_ =	shalt  }
0x3e: {  	_ =	shalt  }
0x3f: {  	_ =	shalt  }
0x40: {  	_ =	shalt  }
0x41: {  	_ =	shalt  }
0x42: {  	_ =	shalt  }
0x43: {  	_ =	shalt  }
0x44: {  	_ =	shalt  }
0x45: {  	_ =	shalt  }
0x46: {  	_ =	shalt  }
0x47: {  	_ =	shalt  }
0x48: {  	_ =	shalt  }
0x49: {  	_ =	shalt  }
0x4a: {  	_ =	shalt  }
0x4b: {  	_ =	shalt  }
0x4c: {  	_ =	shalt  }
0x4d: {  	_ =	shalt  }
0x4e: {  	_ =	shalt  }
0x4f: {  	_ =	shalt  }
0x50: {  	_ =	shalt  }
0x51: {  	_ =	shalt  }
0x52: {  	_ =	shalt  }
0x53: {  	_ =	shalt  }
0x54: {  	_ =	shalt  }
0x55: {  	_ =	shalt  }
0x56: {  	_ =	shalt  }
0x57: {  	_ =	shalt  }
0x58: {  	_ =	shalt  }
0x59: {  	_ =	shalt  }
0x5a: {  	_ =	shalt  }
0x5b: {  	_ =	shalt  }
0x5c: {  	_ =	shalt  }
0x5d: {  	_ =	shalt  }
0x5e: {  	_ =	shalt  }
0x5f: {  	_ =	shalt  }
0x60: {  	_ =	shalt  }
0x61: {  	_ =	shalt  }
0x62: {  	_ =	shalt  }
0x63: {  	_ =	shalt  }
0x64: {  	_ =	shalt  }
0x65: {  	_ =	shalt  }
0x66: {  	_ =	shalt  }
0x67: {  	_ =	shalt  }
0x68: {  	_ =	shalt  }
0x69: {  	_ =	shalt  }
0x6a: {  	_ =	shalt  }
0x6b: {  	_ =	shalt  }
0x6c: {  	_ =	shalt  }
0x6d: {  	_ =	shalt  }
0x6e: {  	_ =	shalt  }
0x6f: {  	_ =	shalt  }
0x70: {  	_ =	shalt  }
0x71: {  	_ =	shalt  }
0x72: {  	_ =	shalt  }
0x73: {  	_ =	shalt  }
0x74: {  	_ =	shalt  }
0x75: {  	_ =	shalt  }
0x76: {  	_ =	shalt  }
0x77: {  	_ =	shalt  }
0x78: {  	_ =	shalt  }
0x79: {  	_ =	shalt  }
0x7a: {  	_ =	shalt  }
0x7b: {  	_ =	shalt  }
0x7c: {  	_ =	shalt  }
0x7d: {  	_ =	shalt  }
0x7e: {  	_ =	shalt  }
0x7f: {  	_ =	shalt  }
0x80: {  	_ =	shalt  }
0x81: {  	_ =	shalt  }
0x82: {  	_ =	shalt  }
0x83: {  	_ =	shalt  }
0x84: {  	_ =	shalt  }
0x85: {  	_ =	shalt  }
0x86: {  	_ =	shalt  }
0x87: {  	_ =	shalt  }
.Lfunc_end0:
.L_simem_size_0:
called_computation_lowered:
.L_overlay_start_0:
0x88: {  	s2 =	sld [smem:$0x3FD9]  }
0x89: {  	s3 =	sld [smem:$0x3FFE];
	_ =	sdelay $0x1  }
0x8a: {  	s1 =	srdreg.scid  }
0x8b: {  	s0 =	sand.u32 $0x1, s1  }
0x8c: {  	s17 =	sshll.u32 s0, $0xA;
	s2 =	sadd.s32 s3, s2  }
0x8d: {  	s2 =	sadd.s32 s2, s17  }
0x8e: {  	[smem:$0x3FC4] =	sst s2  }
0x8f: {  	_ = 	snop  }
0x90: {  	s2 =	sld [smem:$0x3FD0];
	(tm) =	ssettm $0x1  }
0x91: {  	s18 =	sld [smem:$0x3FFB];
	_ =	sdelay $0x3  }
0x92: {  	_ =	strace s18  }
0x93: {  	s3 =	sld [smem:$0x3FFC];
	_ =	sdelay $0x3  }
0x94: {  	_ =	strace s3  }
0x95: {  	s3 =	sld [smem:$0x3FFD];
	_ =	sdelay $0x3  }
0x96: {  	_ =	strace s3  }
0x97: {  	_ =	strace $0x8FFFFFFF  }
0x98: {  	s19 =	sld [smem:$0x3FDB];
	_ =	sdelay $0x1  }
0x99: {  	s4 =	simm.s32 $_scs_section_size  }
0x9a: {  	s5 =	simm.s32 $_size__tile_overlayer_lowered;
	s6 =	simm.s32 $_tile_overlayer_lowered  }
0x9b: {  	s22 =	simm.s32 $0x1BFF;
	s21 =	sshll.u32 s6, $0x1;
	s3 =	sadd.s32 s4, s19  }
0x9c: {  	s7 =	simm.s32 $0x0;
	s20 =	sshll.u32 s5, $0x1;
	s5 =	sadd.s32 s21, s3  }
0x9d: {  	[timem:s7], [sflag:s22] =	dma.local [hbm:s5], s20  }
0x9e: {  	_ =	swait.ge [sflag:s22], s20  }
0x9f: {  	s4 =	ssub.s32 $0x0, s20;
	[sflag:s22] =	ssyncset.done $0x0  }
0xa0: {  	[sflag:s22] =	ssyncadd.s32 s4;
	_ =	sdelay $0x1  }
0xa1: {  	s23 =	simm.s32 $0x1B8B  }
0xa2: {  	_ =	swait.ge [sflag:s23], $0x1  }
0xa3: {  	[sflag:s23] =	ssyncset.done $0x0  }
0xa4: {  	s25 =	simm.s32 $0x1B8E;
	s24 =	sld [smem:$0x3FFE];
	[sflag:s23] =	ssyncadd.s32 $0xFFFFFFFF  }
0xa5: {  	s26 =	simm.s32 $execute0_lowered;
	[smem:$0x3FD2] =	sst s25  }
0xa6: {  	s5 =	sshll.u32 s26, $0x1;
	_ =	strace $0x80000046;
	[dreg:$0x1] =	wrdreg $0xFFFFFFFF  }
0xa7: {  	s28 =	simm.s32 $_size_execute0_lowered;
	s3 =	sadd.s32 s3, s5;
	[dreg:$0x0] =	wrdreg $0x0  }
0xa8: {  	s5 =	sshll.u32 s28, $0x1;
	[dreg:$0x2] =	wrdreg s3  }
0xa9: {  	[dreg:$0x3] =	wrdreg s5  }
0xaa: {  	[dreg:$0x4] =	wrdreg $0xC0  }
0xab: {  	_ =	task [dreg:s7], $0x5FFFF  }
0xac: {  	[dreg:$0x1] =	wrdreg $0xFFFFFFFF  }
0xad: {  	[dreg:$0x0] =	wrdreg $0x60  }
0xae: {  	[dreg:$0x2] =	wrdreg s24  }
0xaf: {  	[dreg:$0x3] =	wrdreg s2  }
0xb0: {  	[dreg:$0x4] =	wrdreg $0xA8000  }
0xb1: {  	[dreg:$0x5] =	wrdreg $0x9  }
0xb2: {  	_ =	task.clear_ibuf [dreg:s7], $0x6FFFF;
	_ =	strace $0x90000046  }
0xb3: {  	s29 =	simm.s32 $0x9;
	_ =	strace $0x80000048  }
0xb4: {  	_ =	swait.ge [sflag:s29], $0x1  }
0xb5: {  	[sflag:s29] =	ssyncadd.s32 $0xFFFFFFFF  }
0xb6: {  	_ =	strace $0x90000048  }
0xb7: {  	_ =	sfence  }
0xb8: {  	s30 =	sld [smem:$0x0];
	_ =	sdelay $0x2  }
0xb9: {  	s31 =	sshll.u32 s1, $0xD;
	s1 =	sshrl.u32 s1, $0x2  }
0xba: {  	s3 =	sand.u32 $0x4000, s31;
	s1 =	sadd.s32 s1, s30  }
0xbb: {  	s0 =	sor.u32 s3, s0;
	s1 =	sshll.u32 s1, $0x11  }
0xbc: {  	s0 =	sor.u32 s1, s0  }
0xbd: {  	s0 =	sadd.s32 $0x8F2B, s0  }
0xbe: {  	[sflag:s0] =	ssyncadd.remote.s32 $0x1  }
0xbf: {  	_ =	sfence.sel $0xFFFF  }
0xc0: {  	[dreg:$0x0] =	wrdreg $0xFFFFFFFF;
	(pc) =	sbr.abs _section_cstart, $3  }
0xc1: {  	[dreg:$0x1] =	wrdreg $0xFFFFFFFF  }
0xc2: {  	_ =	task.clear_ibuf [dreg:s7], $0x2FFFF;
	_ =	strace $0x9FFFFFFF  }
0xc3: {  	(tm) =	ssettm $0x7FFFFFFF  }
tec
execute0_lowered:
.L_overlay_start_1:
0x0: {  	(tag) =	ssettag $0x1  }
0x1: {  	s11 =	rddreg [dreg:$0x0]  }
0x2: {  	s0 =	srdreg.scid;
	s2 =	rddreg [dreg:$0x1]  }
0x3: {  	s3 =	rddreg [dreg:$0x2];
	s1 =	stileid.u32;
	s13 =	simm.s32 $0x3EC00  }
0x4: {  	s15 =	simm.s32 $0x2800;
	s16 =	simm.s32 $0x6800;
	s17 =	simm.s32 $0x80  }
0x5: {  	s18 =	simm.s32 $0x1;
	s21 =	simm.s32 $0x0;
	s9 =	smul.u32 $0x4F000, s1  }
0x6: {  	s8 =	sand.u32 $0x1, s0;
	s0 =	rddreg [dreg:$0x3];
	s14 =	smul.u32 $0x2780, s1  }
0x7: {  	s19 =	sshll.u32 s1, $0x6;
	s4 =	sshll.u32 s8, $0x4;
	s6 =	ssub.s32 $0x2, s8  }
0x8: {  	p0 =	seq.s32 s8, $0x1;
	s19 =	sor.u32 $0x1C02, s19;
	s5 =	sor.u32 s1, s4  }
0x9: {  	s4 =	simm.s32 $0x0;
	s7 =	sshrl.u32 s6, $0x1;
	s31 =	sshrl.u32 s9, $0x2  }
0xa: {  	s13 =	simm.s32 @!p0 $0x17400;
	s5 =	smul.u32 $0x500, s5;
	[smem:$0x7FF] =	sst s4  }
0xb: {  	s12 =	ssub.s32 s6, s7;
	s6 =	sadd.s32 $0x800, s2;
	s7 =	sadd.s32 s31, s3  }
0xc: {  	s13 =	sadd.s32 s13, s11;
	_ =	strace $0x80000047;
	s8 =	sadd.s32 $0x4000, s7  }
0xd: {  	s9 =	sadd.s32 $0x8000, s7;
	s10 =	sadd.s32 $0xC000, s7;
	s12 =	smax.u32 s12, $0x1  }
0xe: {  	s13 =	sadd.s32 s13, s14;
	s14 =	simm.s32 $0x2;
	s5 =	sadd.s32 s5, s11  }
0xf: {  	s20 =	sshrl.u32 s7, $0x3;
	s11 =	sadd.s32 $0x10000, s7;
	s5 =	sadd.s32 $0x3400, s5  }
.LBB2_1:
0x10: {  	[tilespmem:s4], [sflag:$0x2] =	stream.linear.gather [hbm4b:s5+s4], $0x2800, $0x38;
	[tilespmem:$0xCF80] =	vst v63  }
0x11: {  	_ =	swait.ge [sflag:s14], $0x2800  }
0x12: {  	[sflag:s14] =	ssyncset.done $0x0  }
0x13: {  	[sflag:s14] =	ssyncadd.s32 $0xFFFFD800  }
0x14: {  	[tilespmem:s15], [sflag:$0x2] =	stream.linear.gather [hbm4b:s2+s4], $0x4000, $0x38;
	[tilespmem:$0xCF80] =	vst v63  }
0x15: {  	_ =	swait.ge [sflag:s14], $0x4000  }
0x16: {  	[sflag:s14] =	ssyncset.done $0x0  }
0x17: {  	[sflag:s14] =	ssyncadd.s32 $0xFFFFC000  }
0x18: {  	[tilespmem:s16], [sflag:$0x2] =	stream.linear.gather [hbm4b:s6+s4], $0x4000, $0x38;
	[tilespmem:$0xCF80] =	vst v63  }
0x19: {  	_ =	swait.ge [sflag:s14], $0x4000  }
0x1a: {  	[sflag:s14] =	ssyncset.done $0x0  }
0x1b: {  	[sflag:s14] =	ssyncadd.s32 $0xFFFFC000  }
0x1c: {  	[spmem:s7] =	stream.linear.scatter [tilespmem:s16], [sflag:$0x2], $0x4000, $0x38;
	[tilespmem:$0xCF80] =	vst v63  }
0x1d: {  	_ =	swait.ge [sflag:s14], $0x4000  }
0x1e: {  	[sflag:s14] =	ssyncset.done $0x0  }
0x1f: {  	[sflag:s14] =	ssyncadd.s32 $0xFFFFC000  }
0x20: {  	[spmem:s8] =	stream.linear.scatter [tilespmem:s16], [sflag:$0x2], $0x4000, $0x38;
	[tilespmem:$0xCF80] =	vst v63  }
0x21: {  	_ =	swait.ge [sflag:s14], $0x4000  }
0x22: {  	[sflag:s14] =	ssyncset.done $0x0  }
0x23: {  	[sflag:s14] =	ssyncadd.s32 $0xFFFFC000  }
0x24: {  	[spmem:s9] =	stream.linear.scatter [tilespmem:s16], [sflag:$0x2], $0x4000, $0x38;
	[tilespmem:$0xCF80] =	vst v63  }
0x25: {  	_ =	swait.ge [sflag:s14], $0x4000  }
0x26: {  	[sflag:s14] =	ssyncset.done $0x0  }
0x27: {  	[sflag:s14] =	ssyncadd.s32 $0xFFFFC000  }
0x28: {  	[spmem:s10] =	stream.linear.scatter [tilespmem:s16], [sflag:$0x2], $0x4000, $0x38;
	[tilespmem:$0xCF80] =	vst v63  }
0x29: {  	_ =	swait.ge [sflag:s14], $0x4000  }
0x2a: {  	[sflag:s14] =	ssyncset.done $0x0  }
0x2b: {  	[sflag:s14] =	ssyncadd.s32 $0xFFFFC000  }
0x2c: {  	[spmem:s11] =	stream.linear.scatter [tilespmem:s16], [sflag:$0x2], $0x3C00, $0x38;
	[tilespmem:$0xCF80] =	vst v63  }
0x2d: {  	_ =	swait.ge [sflag:s14], $0x3C00  }
0x2e: {  	[sflag:s14] =	ssyncset.done $0x0  }
0x2f: {  	[sflag:s14] =	ssyncadd.s32 $0xFFFFC400  }
0x30: {  	s22 =	simm.s32 $0x0;
	[bflag:$0x0] =	sbarrier.arrive $0xFFFF  }
0x31: {  	[spmem:s3] =	stream.indirect.scatter.add.f32 [tilespmem:s15], [sflag:$0x1], $0x10, s22, s17, $0xb8;
	[tilespmem:$0xCF80] =	vst v63  }
0x32: {  	s24 =	simm.s32 $0x80  }
0x33: {  	[spmem:s3] =	stream.indirect.scatter.add.f32 [tilespmem:s15], [sflag:$0x1], $0x10, s24, s17, $0xb8;
	[tilespmem:$0xCF80] =	vst v63  }
0x34: {  	s25 =	simm.s32 $0x100  }
0x35: {  	[spmem:s3] =	stream.indirect.scatter.add.f32 [tilespmem:s15], [sflag:$0x1], $0x10, s25, s17, $0xb8;
	[tilespmem:$0xCF80] =	vst v63  }
0x36: {  	s26 =	simm.s32 $0x180  }
0x37: {  	[spmem:s3] =	stream.indirect.scatter.add.f32 [tilespmem:s15], [sflag:$0x1], $0x10, s26, s17, $0xb8;
	[tilespmem:$0xCF80] =	vst v63  }
0x38: {  	s28 =	simm.s32 $0x200  }
0x39: {  	[spmem:s3] =	stream.indirect.scatter.add.f32 [tilespmem:s15], [sflag:$0x1], $0x10, s28, s17, $0xb8;
	[tilespmem:$0xCF80] =	vst v63  }
0x3a: {  	s29 =	simm.s32 $0x280  }
0x3b: {  	[spmem:s3] =	stream.indirect.scatter.add.f32 [tilespmem:s15], [sflag:$0x1], $0x10, s29, s17, $0xb8;
	[tilespmem:$0xCF80] =	vst v63  }
0x3c: {  	s30 =	simm.s32 $0x300  }
0x3d: {  	[spmem:s3] =	stream.indirect.scatter.add.f32 [tilespmem:s15], [sflag:$0x1], $0x10, s30, s17, $0xb8;
	[tilespmem:$0xCF80] =	vst v63  }
0x3e: {  	s31 =	simm.s32 $0x380  }
0x3f: {  	[spmem:s3] =	stream.indirect.scatter.add.f32 [tilespmem:s15], [sflag:$0x1], $0x10, s31, s17, $0xb8;
	[tilespmem:$0xCF80] =	vst v63  }
0x40: {  	_ =	swait.ge [sflag:s18], $0x800  }
0x41: {  	[sflag:s18] =	ssyncset.done $0x0  }
0x42: {  	[sflag:s18] =	ssyncadd.s32 $0xFFFFF800  }
0x43: {  	_ =	swait.ge [sflag:s18], $0x800  }
0x44: {  	[sflag:s18] =	ssyncset.done $0x0  }
0x45: {  	[sflag:s18] =	ssyncadd.s32 $0xFFFFF800  }
0x46: {  	_ =	swait.ge [sflag:s18], $0x800  }
0x47: {  	[sflag:s18] =	ssyncset.done $0x0  }
0x48: {  	[sflag:s18] =	ssyncadd.s32 $0xFFFFF800  }
0x49: {  	_ =	swait.ge [sflag:s18], $0x800  }
0x4a: {  	[sflag:s18] =	ssyncset.done $0x0  }
0x4b: {  	[sflag:s18] =	ssyncadd.s32 $0xFFFFF800  }
0x4c: {  	_ =	swait.ge [sflag:s18], $0x800  }
0x4d: {  	[sflag:s18] =	ssyncset.done $0x0  }
0x4e: {  	[sflag:s18] =	ssyncadd.s32 $0xFFFFF800  }
0x4f: {  	_ =	swait.ge [sflag:s18], $0x800  }
0x50: {  	[sflag:s18] =	ssyncset.done $0x0  }
0x51: {  	[sflag:s18] =	ssyncadd.s32 $0xFFFFF800  }
0x52: {  	_ =	swait.ge [sflag:s18], $0x800  }
0x53: {  	[sflag:s18] =	ssyncset.done $0x0  }
0x54: {  	[sflag:s18] =	ssyncadd.s32 $0xFFFFF800  }
0x55: {  	_ =	swait.ge [sflag:s18], $0x800  }
0x56: {  	s22 =	simm.s32 $0x1000;
	s24 =	simm.s32 $0x2000;
	[sflag:s18] =	ssyncset.done $0x0  }
.LBB2_2:
0x57: {  	s25 =	sshra.s32 s22, $0x2  }
0x58: {  	[sflag:s18] =	ssyncadd.s32 $0xFFFFF800;
	s22 =	smov.u32 s24;
	s23 =	sadd.s32 $0x1000, s24  }
0x59: {  	[spmem:s3] =	stream.indirect.scatter.add.f32 [tilespmem:s15], [sflag:$0x1], $0x10, s25, s17, $0xb8;
	[tilespmem:$0xCF80] =	vst v63  }
0x5a: {  	p0 =	sne.s32 s24, $0x9000;
	s24 =	sadd.s32 $0x80, s25  }
0x5b: {  	[spmem:s3] =	stream.indirect.scatter.add.f32 [tilespmem:s15], [sflag:$0x1], $0x10, s24, s17, $0xb8;
	[tilespmem:$0xCF80] =	vst v63  }
0x5c: {  	s24 =	sadd.s32 $0x100, s25  }
0x5d: {  	[spmem:s3] =	stream.indirect.scatter.add.f32 [tilespmem:s15], [sflag:$0x1], $0x10, s24, s17, $0xb8;
	[tilespmem:$0xCF80] =	vst v63  }
0x5e: {  	s24 =	sadd.s32 $0x180, s25  }
0x5f: {  	[spmem:s3] =	stream.indirect.scatter.add.f32 [tilespmem:s15], [sflag:$0x1], $0x10, s24, s17, $0xb8;
	[tilespmem:$0xCF80] =	vst v63  }
0x60: {  	s24 =	sadd.s32 $0x200, s25  }
0x61: {  	[spmem:s3] =	stream.indirect.scatter.add.f32 [tilespmem:s15], [sflag:$0x1], $0x10, s24, s17, $0xb8;
	[tilespmem:$0xCF80] =	vst v63  }
0x62: {  	s24 =	sadd.s32 $0x280, s25  }
0x63: {  	[spmem:s3] =	stream.indirect.scatter.add.f32 [tilespmem:s15], [sflag:$0x1], $0x10, s24, s17, $0xb8;
	[tilespmem:$0xCF80] =	vst v63  }
0x64: {  	s24 =	sadd.s32 $0x300, s25  }
0x65: {  	[spmem:s3] =	stream.indirect.scatter.add.f32 [tilespmem:s15], [sflag:$0x1], $0x10, s24, s17, $0xb8;
	[tilespmem:$0xCF80] =	vst v63  }
0x66: {  	s24 =	sadd.s32 $0x380, s25  }
0x67: {  	[spmem:s3] =	stream.indirect.scatter.add.f32 [tilespmem:s15], [sflag:$0x1], $0x10, s24, s17, $0xb8;
	[tilespmem:$0xCF80] =	vst v63  }
0x68: {  	_ =	swait.ge [sflag:s18], $0x800  }
0x69: {  	[sflag:s18] =	ssyncset.done $0x0  }
0x6a: {  	[sflag:s18] =	ssyncadd.s32 $0xFFFFF800  }
0x6b: {  	_ =	swait.ge [sflag:s18], $0x800  }
0x6c: {  	[sflag:s18] =	ssyncset.done $0x0  }
0x6d: {  	[sflag:s18] =	ssyncadd.s32 $0xFFFFF800  }
0x6e: {  	_ =	swait.ge [sflag:s18], $0x800  }
0x6f: {  	[sflag:s18] =	ssyncset.done $0x0  }
0x70: {  	[sflag:s18] =	ssyncadd.s32 $0xFFFFF800  }
0x71: {  	_ =	swait.ge [sflag:s18], $0x800  }
0x72: {  	[sflag:s18] =	ssyncset.done $0x0  }
0x73: {  	[sflag:s18] =	ssyncadd.s32 $0xFFFFF800  }
0x74: {  	_ =	swait.ge [sflag:s18], $0x800  }
0x75: {  	[sflag:s18] =	ssyncset.done $0x0  }
0x76: {  	[sflag:s18] =	ssyncadd.s32 $0xFFFFF800  }
0x77: {  	_ =	swait.ge [sflag:s18], $0x800  }
0x78: {  	[sflag:s18] =	ssyncset.done $0x0  }
0x79: {  	[sflag:s18] =	ssyncadd.s32 $0xFFFFF800  }
.Ltmp0:
0x7a: {  	_ =	swait.ge [sflag:s18], $0x800;
	(pc) =	sbr.rel @p0 .LBB2_2-.Ltmp0, $4  }
0x7b: {  	[sflag:s18] =	ssyncset.done $0x0  }
0x7c: {  	[sflag:s18] =	ssyncadd.s32 $0xFFFFF800  }
0x7d: {  	_ =	swait.ge [sflag:s18], $0x800  }
0x7e: {  	s24 =	smov.u32 s23;
	[sflag:s18] =	ssyncset.done $0x0  }
0x7f: {  	s22 =	sshra.s32 s22, $0x2;
	[sflag:s18] =	ssyncadd.s32 $0xFFFFF800  }
0x80: {  	[spmem:s3] =	stream.indirect.scatter.add.f32 [tilespmem:s15], [sflag:$0x1], $0x10, s22, s17, $0xb8;
	[tilespmem:$0xCF80] =	vst v63  }
0x81: {  	s23 =	sadd.s32 $0x80, s22  }
0x82: {  	[spmem:s3] =	stream.indirect.scatter.add.f32 [tilespmem:s15], [sflag:$0x1], $0x10, s23, s17, $0xb8;
	[tilespmem:$0xCF80] =	vst v63  }
0x83: {  	s26 =	sadd.s32 $0x100, s22  }
0x84: {  	[spmem:s3] =	stream.indirect.scatter.add.f32 [tilespmem:s15], [sflag:$0x1], $0x10, s26, s17, $0xb8;
	[tilespmem:$0xCF80] =	vst v63  }
0x85: {  	s28 =	sadd.s32 $0x180, s22  }
0x86: {  	[spmem:s3] =	stream.indirect.scatter.add.f32 [tilespmem:s15], [sflag:$0x1], $0x10, s28, s17, $0xb8;
	[tilespmem:$0xCF80] =	vst v63  }
0x87: {  	s29 =	sadd.s32 $0x200, s22  }
0x88: {  	[spmem:s3] =	stream.indirect.scatter.add.f32 [tilespmem:s15], [sflag:$0x1], $0x10, s29, s17, $0xb8;
	[tilespmem:$0xCF80] =	vst v63  }
0x89: {  	s30 =	sadd.s32 $0x280, s22  }
0x8a: {  	[spmem:s3] =	stream.indirect.scatter.add.f32 [tilespmem:s15], [sflag:$0x1], $0x10, s30, s17, $0xb8;
	[tilespmem:$0xCF80] =	vst v63  }
0x8b: {  	s31 =	sadd.s32 $0x300, s22  }
0x8c: {  	[spmem:s3] =	stream.indirect.scatter.add.f32 [tilespmem:s15], [sflag:$0x1], $0x10, s31, s17, $0xb8;
	[tilespmem:$0xCF80] =	vst v63  }
0x8d: {  	s22 =	sadd.s32 $0x380, s22  }
0x8e: {  	[spmem:s3] =	stream.indirect.scatter.add.f32 [tilespmem:s15], [sflag:$0x1], $0x10, s22, s17, $0xb8;
	[tilespmem:$0xCF80] =	vst v63  }
0x8f: {  	_ =	swait.ge [sflag:s18], $0x800  }
0x90: {  	[sflag:s18] =	ssyncset.done $0x0  }
0x91: {  	[sflag:s18] =	ssyncadd.s32 $0xFFFFF800  }
0x92: {  	_ =	swait.ge [sflag:s18], $0x800  }
0x93: {  	[sflag:s18] =	ssyncset.done $0x0  }
0x94: {  	[sflag:s18] =	ssyncadd.s32 $0xFFFFF800  }
0x95: {  	_ =	swait.ge [sflag:s18], $0x800  }
0x96: {  	[sflag:s18] =	ssyncset.done $0x0  }
0x97: {  	[sflag:s18] =	ssyncadd.s32 $0xFFFFF800  }
0x98: {  	_ =	swait.ge [sflag:s18], $0x800  }
0x99: {  	[sflag:s18] =	ssyncset.done $0x0  }
0x9a: {  	[sflag:s18] =	ssyncadd.s32 $0xFFFFF800  }
0x9b: {  	_ =	swait.ge [sflag:s18], $0x800  }
0x9c: {  	[sflag:s18] =	ssyncset.done $0x0  }
0x9d: {  	[sflag:s18] =	ssyncadd.s32 $0xFFFFF800  }
0x9e: {  	_ =	swait.ge [sflag:s18], $0x800  }
0x9f: {  	[sflag:s18] =	ssyncset.done $0x0  }
0xa0: {  	[sflag:s18] =	ssyncadd.s32 $0xFFFFF800  }
0xa1: {  	_ =	swait.ge [sflag:s18], $0x800  }
0xa2: {  	[sflag:s18] =	ssyncset.done $0x0  }
0xa3: {  	[sflag:s18] =	ssyncadd.s32 $0xFFFFF800  }
0xa4: {  	_ =	swait.ge [sflag:s18], $0x800  }
0xa5: {  	s21 =	sadd.s32 $0x1, s21;
	[sflag:s18] =	ssyncset.done $0x0  }
0xa6: {  	p0 =	sne.s32 s21, s12;
	[sflag:s18] =	ssyncadd.s32 $0xFFFFF800  }
.Ltmp1:
0xa7: {  	[bflag:$0x0] =	sbarrier.arrive $0xFFFF;
	(pc) =	sbr.rel @p0 .LBB2_1-.Ltmp1, $4  }
0xa8: {  	[hbm:s13], [sflag:s19] =	dma.local [spmem:s20], $0x2780  }
0xa9: {  	_ =	swait.ge [sflag:s14], $0x2780  }
0xaa: {  	[sflag:s14] =	ssyncset.done $0x0  }
0xab: {  	[sflag:s14] =	ssyncadd.s32 $0xFFFFD880  }
0xac: {  	_ =	sfence.sel $0x180000  }
0xad: {  	[bflag:$0x0] =	sbarrier.arrive $0xFFFF  }
0xae: {  	p0 =	sne.s32 s1, $0x0;
	_ =	strace $0x90000047  }
0xaf: {  	s0 =	sadd.s32 @!p0 $0x100000, s0;
	[bflag:$0x2] =	sbarrier.arrive $0xFFFF  }
0xb0: {  	[sflag:s0] =	ssyncadd.tile.s32 @!p0 $0x1;
	_ =	shalt  }
.Lfunc_end2:
_tile_overlayer_lowered:
.L_overlay_start_2:
0xb1: {  	(tag) =	ssettag $0x2  }
0xb2: {  	s0 =	rddreg [dreg:$0x0];
	s2 =	stileid.u32  }
0xb3: {  	s1 =	rddreg [dreg:$0x1];
	p0 =	sne.s32 s2, $0x0  }
0xb4: {  	s3 =	rddreg [dreg:$0x2];
	[bflag:$0x3] =	sbarrier.arrive $0xFFFF;
	s2 =	simm.s32 @!p0 $0x1C02  }
0xb5: {  	[timem:s3], [sflag:s2] =	dma.local @!p0 [hbm:s0], s1  }
0xb6: {  	s0 =	simm.s32 @!p0 $0x2  }
0xb7: {  	_ =	swait.ge @!p0 [sflag:s0], s1  }
0xb8: {  	s1 =	ssub.s32 @!p0 $0x0, s1;
	[sflag:s0] =	ssyncset.done @!p0 $0x0  }
0xb9: {  	[sflag:s0] =	ssyncadd.s32 @!p0 s1  }
0xba: {  	[bflag:$0x3] =	sbarrier.arrive $0xFFFF  }
0xbb: {  	_ =	shalt  }

</sc_bundles>
